<compile_context>
chip_gen: v7x
topology: tpu7x:2x2x1
jax: 0.10.2.dev20260603
libtpu: 0.0.44.dev20260713+nightly
codegen_flags: <defaults>
</compile_context>

<pallas_src>
import functools

import jax
import jax.numpy as jnp
from jax import lax
from jax.experimental import pallas as pl
from jax.experimental.pallas import tpu as pltpu
from jax.experimental.pallas import tpu_sc as plsc

N = 50000
DEG = 16
D = 100
DP = 128
E = N * DEG

NC, NS = 2, 16
NW = NC * NS
CHUNK = 128

NODES_PAD = 50048
EDGES_PAD = E
NODE_CHUNKS = NODES_PAD // CHUNK
EDGE_CHUNKS = EDGES_PAD // CHUNK
NODE_TRIPS = -(-NODE_CHUNKS // NW)
EDGE_TRIPS = -(-EDGE_CHUNKS // NW)


SLICES = ((0, 3200), (3200, 12800), (16000, 12800), (28800, 16000),
          (44800, 5200))


@functools.cache
def _sc_slice(start, nn):
    node_off = start // CHUNK
    node_lim = -(-nn // CHUNK)
    node_trips = -(-node_lim // NW)
    x0_rows = node_lim * CHUNK
    edge_off = start * DEG // CHUNK
    edge_lim = nn * DEG // CHUNK
    edge_trips = -(-edge_lim // NW)
    hn_rows = nn * DEG

    def body(emb_hbm, nodes_hbm, nei_hbm, x0_hbm, hn_hbm, idx_v, buf_v, sem):
        wid = lax.axis_index("s") * NC + lax.axis_index("c")

        def chunk(c, src_hbm, dst_hbm, limit, off):
            @pl.when(c < limit)
            def _():
                pltpu.sync_copy(src_hbm.at[pl.ds((off + c) * CHUNK, CHUNK)], idx_v)
                pltpu.async_copy(emb_hbm.at[idx_v], buf_v, sem).wait()
                pltpu.sync_copy(buf_v, dst_hbm.at[pl.ds(c * CHUNK, CHUNK)])

        def node_step(t, carry):
            chunk(wid + NW * t, nodes_hbm, x0_hbm, node_lim, node_off)
            return carry

        lax.fori_loop(0, node_trips, node_step, 0)

        def edge_step(t, carry):
            chunk(wid + NW * t, nei_hbm, hn_hbm, edge_lim, edge_off)
            return carry

        lax.fori_loop(0, edge_trips, edge_step, 0)

    return functools.partial(
        pl.kernel,
        mesh=plsc.VectorSubcoreMesh(core_axis_name="c", subcore_axis_name="s"),
        out_type=[
            jax.ShapeDtypeStruct((x0_rows, DP), jnp.float32),
            jax.ShapeDtypeStruct((hn_rows, DP), jnp.float32),
        ],
        scratch_types=[
            pltpu.VMEM((CHUNK,), jnp.int32),
            pltpu.VMEM((CHUNK, DP), jnp.float32),
            pltpu.SemaphoreType.DMA,
        ],
    )(body)


VPAD_BLK = 10000


def _pad_body(in_ref, out_ref):
    out_ref[...] = jnp.concatenate(
        [in_ref[...], jnp.zeros((VPAD_BLK, DP - D), jnp.float32)], axis=1)


@functools.cache
def _pad100(rows):
    return pl.pallas_call(
        _pad_body,
        grid=(rows // VPAD_BLK,),
        in_specs=[pl.BlockSpec((VPAD_BLK, D), lambda i: (i, 0))],
        out_specs=pl.BlockSpec((VPAD_BLK, DP), lambda i: (i, 0)),
        out_shape=jax.ShapeDtypeStruct((rows, DP), jnp.float32),
        compiler_params=pltpu.CompilerParams(dimension_semantics=("arbitrary",)),
    )


NB = 400
EBLK = NB * DEG
GRID = N // NB


def _enc_body(x0_ref, hn_ref, s_ref, wei_ref, w1at_ref, w1l_ref, b1_ref,
              q1_ref, w2at_ref, w2bt_ref, b2_ref, out_ref):
    hn = hn_ref[...]
    s = jnp.concatenate(
        [s_ref[...], jnp.zeros((NB, DP - D), jnp.float32)], axis=1)
    srep = jnp.broadcast_to(s[:, None, :], (NB, DEG, DP)).reshape(EBLK, DP)
    mm = jnp.dot(hn * srep, w1at_ref[...], preferred_element_type=jnp.float32)
    h = jnp.tanh(mm + wei_ref[...] * w1l_ref[...] + b1_ref[...])
    scr = jnp.sum(h * q1_ref[...], axis=1, keepdims=True)
    scr3 = scr.reshape(NB, DEG, 1)
    e = jnp.exp(scr3 - jnp.max(scr3, axis=1, keepdims=True))
    att = (e / jnp.sum(e, axis=1, keepdims=True)).reshape(EBLK, 1)
    msg = jnp.sum((att * hn).reshape(NB, DEG, DP), axis=1)
    m2 = jnp.dot(msg, w2bt_ref[...], preferred_element_type=jnp.float32) + b2_ref[...]
    x1 = jnp.maximum(
        jnp.dot(x0_ref[...], w2at_ref[...], preferred_element_type=jnp.float32) + m2, 0.0)
    x2 = jnp.maximum(
        jnp.dot(x1, w2at_ref[...], preferred_element_type=jnp.float32) + m2, 0.0)
    out_ref[...] = x2[:, :D]


@functools.cache
def _enc_slice(nn, blk_off):
    grid = nn // NB

    def off(i, blk_off=blk_off):
        return (i + blk_off, 0)

    return pl.pallas_call(
        _enc_body,
        grid=(grid,),
        in_specs=[
            pl.BlockSpec((NB, DP), lambda i: (i, 0)),
            pl.BlockSpec((EBLK, DP), lambda i: (i, 0)),
            pl.BlockSpec((NB, D), off),
            pl.BlockSpec((EBLK, 1), off),
            pl.BlockSpec((DP, DP), lambda i: (0, 0)),
            pl.BlockSpec((1, DP), lambda i: (0, 0)),
            pl.BlockSpec((1, DP), lambda i: (0, 0)),
            pl.BlockSpec((1, DP), lambda i: (0, 0)),
            pl.BlockSpec((DP, DP), lambda i: (0, 0)),
            pl.BlockSpec((DP, DP), lambda i: (0, 0)),
            pl.BlockSpec((1, DP), lambda i: (0, 0)),
        ],
        out_specs=pl.BlockSpec((NB, D), lambda i: (i, 0)),
        out_shape=jax.ShapeDtypeStruct((nn, D), jnp.float32),
        compiler_params=pltpu.CompilerParams(dimension_semantics=("arbitrary",)),
    )


def kernel(nodes, nei, wei, s_vec, emb, W1_w, W1_b, q1_w, W2_w, W2_b):
    nodes_pad = jnp.concatenate(
        [nodes.astype(jnp.int32), jnp.zeros((NODES_PAD - N,), jnp.int32)])
    nei_flat = nei.reshape(E).astype(jnp.int32)
    emb_pad = _pad100(100000)(emb)
    wei2 = wei.reshape(E, 1)

    def padw(m):
        return jnp.pad(m, ((0, DP - m.shape[0]) if m.shape[0] > 1 else (0, 0),
                           (0, DP - m.shape[1])))

    w1at = padw(W1_w[:, :D].T)
    w1l = padw(W1_w[:, D].reshape(1, D))
    b1 = padw(W1_b.reshape(1, D))
    q1 = padw(q1_w.reshape(1, D))
    w2at = padw(W2_w[:, :D].T)
    w2bt = padw(W2_w[:, D:].T)
    b2 = padw(W2_b.reshape(1, D))
    gathered = [_sc_slice(start, nn)(emb_pad, nodes_pad, nei_flat)
                for start, nn in SLICES]
    outs = [_enc_slice(nn, start // NB)(x0_s, hn_s, s_vec, wei2, w1at, w1l,
                                        b1, q1, w2at, w2bt, b2)
            for (start, nn), (x0_s, hn_s) in zip(SLICES, gathered)]
    return jnp.concatenate(outs, axis=0)

# --- scband reference (transcript-rebuilt; emitter-appended) ---
"""Pipeline reference for scband-global-encoder-13116830122156 (READ-ONLY COPY).

The authoritative reference and input builder live on the scoring server;
editing this copy changes nothing except your own understanding.
"""

import jax, jax.numpy as jnp
import numpy as np

N = 50000
DEG = 16
D = 100
V = 100000
LAYERS = 2

def setup_inputs(seed: int = 0):
    key = jax.random.key(seed)
    ks = jax.random.split(key, 10)
    nodes = jax.random.randint(ks[0], (N,), 0, V)
    nei = jax.random.randint(ks[1], (N, DEG), 0, V)
    wei = jax.random.uniform(ks[2], (N, DEG), dtype=jnp.float32)
    s_vec = jax.random.normal(ks[3], (N, D), dtype=jnp.float32)
    emb = jax.random.normal(ks[4], (V, D), dtype=jnp.float32) * 0.02
    emb = emb.at[0].set(0.0)  # padding_idx=0
    W1_w = jax.random.normal(ks[5], (D, D + 1), dtype=jnp.float32) * 0.1
    W1_b = jnp.zeros((D,), dtype=jnp.float32)
    q1_w = jax.random.normal(ks[6], (1, D), dtype=jnp.float32) * 0.1
    W2_w = jax.random.normal(ks[7], (D, 2 * D), dtype=jnp.float32) * 0.1
    W2_b = jnp.zeros((D,), dtype=jnp.float32)
    return {"nodes": nodes, "nei": nei, "wei": wei, "s_vec": s_vec,
            "emb": emb, "W1_w": W1_w, "W1_b": W1_b, "q1_w": q1_w,
            "W2_w": W2_w, "W2_b": W2_b}

def reference(nodes, nei, wei, s_vec, emb, W1_w, W1_b, q1_w, W2_w, W2_b):
    # x = emb(nodes)
    x = jnp.take(emb, nodes, axis=0)
    for _ in range(LAYERS):
        # neighbor list is static across layers (derived from `nodes` + adjacency)
        h_nei = jnp.take(emb, nei, axis=0)                       # [N, DEG, D]
        feat = jnp.concatenate([h_nei * s_vec[:, None, :],
                                wei[..., None]], axis=-1)        # [N, DEG, D+1]
        h = jnp.tanh(feat @ W1_w.T + W1_b)                       # [N, DEG, D]
        score = jnp.squeeze(h @ q1_w.T, -1)                      # [N, DEG]
        att = jax.nn.softmax(score, axis=-1)
        msg = jnp.sum(att[..., None] * h_nei, axis=1)            # [N, D]
        x = jax.nn.relu(jnp.concatenate([x, msg], axis=-1) @ W2_w.T + W2_b)
    return x

if __name__ == "__main__":
    import jax
    _d = setup_inputs()
    print(jax.jit(kernel)(*tuple(_d.values())))

</pallas_src>

<mosaic_0001>
#map = affine_map<(d0, d1) -> (0, 0)>
#map1 = affine_map<(d0, d1) -> (0)>
module attributes {stable_mosaic.version = 14 : i64} {
  func.func @body(%arg0: i32, %arg1: i32, %arg2: memref<100000x128xf32, #tpu.memory_space<hbm>>, %arg3: memref<50048xi32, #tpu.memory_space<hbm>>, %arg4: memref<800000xi32, #tpu.memory_space<hbm>>, %arg5: memref<12800x128xf32, #tpu.memory_space<hbm>>, %arg6: memref<204800x128xf32, #tpu.memory_space<hbm>>, %arg7: memref<128xi32, #tpu.memory_space<vmem>>, %arg8: memref<128x128xf32, #tpu.memory_space<vmem>>, %arg9: memref<!tpu.dma_semaphore, #tpu.memory_space<semaphore_mem>>) attributes {dimension_semantics = [#tpu.dimension_semantics<core_parallel>, #tpu.dimension_semantics<subcore_parallel>], iteration_bounds = array<i64: 2, 16>, scalar_prefetch = 0 : i64, scratch_operands = 3 : i64, tpu.core_type = #tpu.core_type<sc_vector_subcore>, window_params = [{transform_indices = #map}, {transform_indices = #map1}, {transform_indices = #map1}, {transform_indices = #map}, {transform_indices = #map}]} {
    %mul3A = arith.constant 2 : i32
    %mul3A_0 = arith.muli %arg1, %mul3A : i32
    %add3A = arith.addi %mul3A_0, %arg0 : i32
    %scan3A = arith.constant 0 : i32
    %scan3A_1 = arith.constant 0 : i32
    %scan3A_2 = arith.constant 4 : i32
    %scan3A_3 = arith.addi %scan3A_1, %scan3A_2 : i32
    %scan3A_4 = arith.constant 1 : i32
    scf.for %scan3A_12 = %scan3A_1 to %scan3A_3 step %scan3A_4  : i32 {
      %mul3A_13 = arith.constant 32 : i32
      %mul3A_14 = arith.muli %mul3A_13, %scan3A_12 : i32
      %add3A_15 = arith.addi %add3A, %mul3A_14 : i32
      %lt3A = arith.constant 100 : i32
      %lt3A_16 = arith.cmpi slt, %add3A_15, %lt3A : i32
      %convert_element_type3A = arith.extui %lt3A_16 : i1 to i32
      %cond3A = arith.constant 0 : i32
      %cond3A_17 = arith.cmpi ne, %convert_element_type3A, %cond3A : i32
      scf.if %cond3A_17 {
        %add3A_18 = arith.constant 25 : i32
        %add3A_19 = arith.addi %add3A_18, %add3A_15 : i32
        %mul3A_20 = arith.constant 128 : i32
        %mul3A_21 = arith.muli %add3A_19, %mul3A_20 : i32
        "tpu.region"() ({
          %run_scoped3A = tpu.sem_alloc : memref<!tpu.dma_semaphore, #tpu.memory_space<semaphore_mem>>
          %dma_start3A_28 = tpu.memref_slice %arg3[%mul3A_21] : memref<50048xi32, #tpu.memory_space<hbm>> -> memref<128xi32, #tpu.memory_space<hbm>>
          %dma_start3A_29 = tpu.memref_slice %arg3[%mul3A_21] : memref<50048xi32, #tpu.memory_space<hbm>> -> memref<128xi32, #tpu.memory_space<hbm>>
          tpu.enqueue_dma source(%dma_start3A_29 : memref<128xi32, #tpu.memory_space<hbm>>) target(%arg7 : memref<128xi32, #tpu.memory_space<vmem>>) target_semaphore(%run_scoped3A : memref<!tpu.dma_semaphore, #tpu.memory_space<semaphore_mem>>)
          %dma_wait3A_30 = tpu.memref_slice %arg3[%mul3A_21] : memref<50048xi32, #tpu.memory_space<hbm>> -> memref<128xi32, #tpu.memory_space<hbm>>
          %dma_wait3A_31 = tpu.memref_slice %arg3[%mul3A_21] : memref<50048xi32, #tpu.memory_space<hbm>> -> memref<128xi32, #tpu.memory_space<hbm>>
          tpu.wait_dma2 semaphore(%run_scoped3A : memref<!tpu.dma_semaphore, #tpu.memory_space<semaphore_mem>>) src(%dma_wait3A_31 : memref<128xi32, #tpu.memory_space<hbm>>) dst(%arg7 : memref<128xi32, #tpu.memory_space<vmem>>)
          tpu.yield
        }) : () -> ()
        %dma_start3A = arith.constant 0 : i32
        %dma_start3A_22 = arith.constant 0 : i32
        %dma_start3A_23 = tpu.memref_slice %arg2[%dma_start3A, %dma_start3A_22] : memref<100000x128xf32, #tpu.memory_space<hbm>> -> memref<100000x128xf32, #tpu.memory_space<hbm>>
        tpu.enqueue_indirect_dma source(%dma_start3A_23 : memref<100000x128xf32, #tpu.memory_space<hbm>>) target(%arg8 : memref<128x128xf32, #tpu.memory_space<vmem>>) offsets(%arg7 : memref<128xi32, #tpu.memory_space<vmem>>) semaphore(%arg9 : memref<!tpu.dma_semaphore, #tpu.memory_space<semaphore_mem>>)
        %dma_wait3A = arith.constant 0 : i32
        %dma_wait3A_24 = arith.constant 0 : i32
        %dma_wait3A_25 = tpu.memref_slice %arg2[%dma_wait3A, %dma_wait3A_24] : memref<100000x128xf32, #tpu.memory_space<hbm>> -> memref<100000x128xf32, #tpu.memory_space<hbm>>
        tpu.wait_indirect_dma semaphore(%arg9 : memref<!tpu.dma_semaphore, #tpu.memory_space<semaphore_mem>>) src(%dma_wait3A_25 : memref<100000x128xf32, #tpu.memory_space<hbm>>) dst(%arg8 : memref<128x128xf32, #tpu.memory_space<vmem>>)
        %mul3A_26 = arith.constant 128 : i32
        %mul3A_27 = arith.muli %add3A_15, %mul3A_26 : i32
        "tpu.region"() ({
          %run_scoped3A = tpu.sem_alloc : memref<!tpu.dma_semaphore, #tpu.memory_space<semaphore_mem>>
          %dma_start3A_28 = arith.constant 0 : i32
          %dma_start3A_29 = tpu.memref_slice %arg5[%mul3A_27, %dma_start3A_28] : memref<12800x128xf32, #tpu.memory_space<hbm>> -> memref<128x128xf32, #tpu.memory_space<hbm>>
          %dma_start3A_30 = arith.constant 0 : i32
          %dma_start3A_31 = tpu.memref_slice %arg5[%mul3A_27, %dma_start3A_30] : memref<12800x128xf32, #tpu.memory_space<hbm>> -> memref<128x128xf32, #tpu.memory_space<hbm>>
          tpu.enqueue_dma source(%arg8 : memref<128x128xf32, #tpu.memory_space<vmem>>) target(%dma_start3A_31 : memref<128x128xf32, #tpu.memory_space<hbm>>) target_semaphore(%run_scoped3A : memref<!tpu.dma_semaphore, #tpu.memory_space<semaphore_mem>>)
          %dma_wait3A_32 = arith.constant 0 : i32
          %dma_wait3A_33 = tpu.memref_slice %arg5[%mul3A_27, %dma_wait3A_32] : memref<12800x128xf32, #tpu.memory_space<hbm>> -> memref<128x128xf32, #tpu.memory_space<hbm>>
          %dma_wait3A_34 = arith.constant 0 : i32
          %dma_wait3A_35 = tpu.memref_slice %arg5[%mul3A_27, %dma_wait3A_34] : memref<12800x128xf32, #tpu.memory_space<hbm>> -> memref<128x128xf32, #tpu.memory_space<hbm>>
          tpu.wait_dma2 semaphore(%run_scoped3A : memref<!tpu.dma_semaphore, #tpu.memory_space<semaphore_mem>>) src(%arg8 : memref<128x128xf32, #tpu.memory_space<vmem>>) dst(%dma_wait3A_35 : memref<128x128xf32, #tpu.memory_space<hbm>>)
          tpu.yield
        }) : () -> ()
      } else {
      }
    }
    %scan3A_5 = arith.constant 4 : i32
    %scan3A_6 = arith.constant 0 : i32
    %scan3A_7 = arith.constant 0 : i32
    %scan3A_8 = arith.constant 50 : i32
    %scan3A_9 = arith.addi %scan3A_7, %scan3A_8 : i32
    %scan3A_10 = arith.constant 1 : i32
    scf.for %scan3A_12 = %scan3A_7 to %scan3A_9 step %scan3A_10  : i32 {
      %mul3A_13 = arith.constant 32 : i32
      %mul3A_14 = arith.muli %mul3A_13, %scan3A_12 : i32
      %add3A_15 = arith.addi %add3A, %mul3A_14 : i32
      %lt3A = arith.constant 1600 : i32
      %lt3A_16 = arith.cmpi slt, %add3A_15, %lt3A : i32
      %convert_element_type3A = arith.extui %lt3A_16 : i1 to i32
      %cond3A = arith.constant 0 : i32
      %cond3A_17 = arith.cmpi ne, %convert_element_type3A, %cond3A : i32
      scf.if %cond3A_17 {
        %add3A_18 = arith.constant 400 : i32
        %add3A_19 = arith.addi %add3A_18, %add3A_15 : i32
        %mul3A_20 = arith.constant 128 : i32
        %mul3A_21 = arith.muli %add3A_19, %mul3A_20 : i32
        "tpu.region"() ({
          %run_scoped3A = tpu.sem_alloc : memref<!tpu.dma_semaphore, #tpu.memory_space<semaphore_mem>>
          %dma_start3A_28 = tpu.memref_slice %arg4[%mul3A_21] : memref<800000xi32, #tpu.memory_space<hbm>> -> memref<128xi32, #tpu.memory_space<hbm>>
          %dma_start3A_29 = tpu.memref_slice %arg4[%mul3A_21] : memref<800000xi32, #tpu.memory_space<hbm>> -> memref<128xi32, #tpu.memory_space<hbm>>
          tpu.enqueue_dma source(%dma_start3A_29 : memref<128xi32, #tpu.memory_space<hbm>>) target(%arg7 : memref<128xi32, #tpu.memory_space<vmem>>) target_semaphore(%run_scoped3A : memref<!tpu.dma_semaphore, #tpu.memory_space<semaphore_mem>>)
          %dma_wait3A_30 = tpu.memref_slice %arg4[%mul3A_21] : memref<800000xi32, #tpu.memory_space<hbm>> -> memref<128xi32, #tpu.memory_space<hbm>>
          %dma_wait3A_31 = tpu.memref_slice %arg4[%mul3A_21] : memref<800000xi32, #tpu.memory_space<hbm>> -> memref<128xi32, #tpu.memory_space<hbm>>
          tpu.wait_dma2 semaphore(%run_scoped3A : memref<!tpu.dma_semaphore, #tpu.memory_space<semaphore_mem>>) src(%dma_wait3A_31 : memref<128xi32, #tpu.memory_space<hbm>>) dst(%arg7 : memref<128xi32, #tpu.memory_space<vmem>>)
          tpu.yield
        }) : () -> ()
        %dma_start3A = arith.constant 0 : i32
        %dma_start3A_22 = arith.constant 0 : i32
        %dma_start3A_23 = tpu.memref_slice %arg2[%dma_start3A, %dma_start3A_22] : memref<100000x128xf32, #tpu.memory_space<hbm>> -> memref<100000x128xf32, #tpu.memory_space<hbm>>
        tpu.enqueue_indirect_dma source(%dma_start3A_23 : memref<100000x128xf32, #tpu.memory_space<hbm>>) target(%arg8 : memref<128x128xf32, #tpu.memory_space<vmem>>) offsets(%arg7 : memref<128xi32, #tpu.memory_space<vmem>>) semaphore(%arg9 : memref<!tpu.dma_semaphore, #tpu.memory_space<semaphore_mem>>)
        %dma_wait3A = arith.constant 0 : i32
        %dma_wait3A_24 = arith.constant 0 : i32
        %dma_wait3A_25 = tpu.memref_slice %arg2[%dma_wait3A, %dma_wait3A_24] : memref<100000x128xf32, #tpu.memory_space<hbm>> -> memref<100000x128xf32, #tpu.memory_space<hbm>>
        tpu.wait_indirect_dma semaphore(%arg9 : memref<!tpu.dma_semaphore, #tpu.memory_space<semaphore_mem>>) src(%dma_wait3A_25 : memref<100000x128xf32, #tpu.memory_space<hbm>>) dst(%arg8 : memref<128x128xf32, #tpu.memory_space<vmem>>)
        %mul3A_26 = arith.constant 128 : i32
        %mul3A_27 = arith.muli %add3A_15, %mul3A_26 : i32
        "tpu.region"() ({
          %run_scoped3A = tpu.sem_alloc : memref<!tpu.dma_semaphore, #tpu.memory_space<semaphore_mem>>
          %dma_start3A_28 = arith.constant 0 : i32
          %dma_start3A_29 = tpu.memref_slice %arg6[%mul3A_27, %dma_start3A_28] : memref<204800x128xf32, #tpu.memory_space<hbm>> -> memref<128x128xf32, #tpu.memory_space<hbm>>
          %dma_start3A_30 = arith.constant 0 : i32
          %dma_start3A_31 = tpu.memref_slice %arg6[%mul3A_27, %dma_start3A_30] : memref<204800x128xf32, #tpu.memory_space<hbm>> -> memref<128x128xf32, #tpu.memory_space<hbm>>
          tpu.enqueue_dma source(%arg8 : memref<128x128xf32, #tpu.memory_space<vmem>>) target(%dma_start3A_31 : memref<128x128xf32, #tpu.memory_space<hbm>>) target_semaphore(%run_scoped3A : memref<!tpu.dma_semaphore, #tpu.memory_space<semaphore_mem>>)
          %dma_wait3A_32 = arith.constant 0 : i32
          %dma_wait3A_33 = tpu.memref_slice %arg6[%mul3A_27, %dma_wait3A_32] : memref<204800x128xf32, #tpu.memory_space<hbm>> -> memref<128x128xf32, #tpu.memory_space<hbm>>
          %dma_wait3A_34 = arith.constant 0 : i32
          %dma_wait3A_35 = tpu.memref_slice %arg6[%mul3A_27, %dma_wait3A_34] : memref<204800x128xf32, #tpu.memory_space<hbm>> -> memref<128x128xf32, #tpu.memory_space<hbm>>
          tpu.wait_dma2 semaphore(%run_scoped3A : memref<!tpu.dma_semaphore, #tpu.memory_space<semaphore_mem>>) src(%arg8 : memref<128x128xf32, #tpu.memory_space<vmem>>) dst(%dma_wait3A_35 : memref<128x128xf32, #tpu.memory_space<hbm>>)
          tpu.yield
        }) : () -> ()
      } else {
      }
    }
    %scan3A_11 = arith.constant 50 : i32
    return
  }
}

#map = affine_map<(d0, d1) -> (0, 0)>
#map1 = affine_map<(d0, d1) -> (0)>
module attributes {stable_mosaic.version = 14 : i64} {
  func.func @body(%arg0: i32, %arg1: i32, %arg2: memref<100000x128xf32, #tpu.memory_space<hbm>>, %arg3: memref<50048xi32, #tpu.memory_space<hbm>>, %arg4: memref<800000xi32, #tpu.memory_space<hbm>>, %arg5: memref<16000x128xf32, #tpu.memory_space<hbm>>, %arg6: memref<256000x128xf32, #tpu.memory_space<hbm>>, %arg7: memref<128xi32, #tpu.memory_space<vmem>>, %arg8: memref<128x128xf32, #tpu.memory_space<vmem>>, %arg9: memref<!tpu.dma_semaphore, #tpu.memory_space<semaphore_mem>>) attributes {dimension_semantics = [#tpu.dimension_semantics<core_parallel>, #tpu.dimension_semantics<subcore_parallel>], iteration_bounds = array<i64: 2, 16>, scalar_prefetch = 0 : i64, scratch_operands = 3 : i64, tpu.core_type = #tpu.core_type<sc_vector_subcore>, window_params = [{transform_indices = #map}, {transform_indices = #map1}, {transform_indices = #map1}, {transform_indices = #map}, {transform_indices = #map}]} {
    %mul3A = arith.constant 2 : i32
    %mul3A_0 = arith.muli %arg1, %mul3A : i32
    %add3A = arith.addi %mul3A_0, %arg0 : i32
    %scan3A = arith.constant 0 : i32
    %scan3A_1 = arith.constant 0 : i32
    %scan3A_2 = arith.constant 4 : i32
    %scan3A_3 = arith.addi %scan3A_1, %scan3A_2 : i32
    %scan3A_4 = arith.constant 1 : i32
    scf.for %scan3A_12 = %scan3A_1 to %scan3A_3 step %scan3A_4  : i32 {
      %mul3A_13 = arith.constant 32 : i32
      %mul3A_14 = arith.muli %mul3A_13, %scan3A_12 : i32
      %add3A_15 = arith.addi %add3A, %mul3A_14 : i32
      %lt3A = arith.constant 125 : i32
      %lt3A_16 = arith.cmpi slt, %add3A_15, %lt3A : i32
      %convert_element_type3A = arith.extui %lt3A_16 : i1 to i32
      %cond3A = arith.constant 0 : i32
      %cond3A_17 = arith.cmpi ne, %convert_element_type3A, %cond3A : i32
      scf.if %cond3A_17 {
        %add3A_18 = arith.constant 225 : i32
        %add3A_19 = arith.addi %add3A_18, %add3A_15 : i32
        %mul3A_20 = arith.constant 128 : i32
        %mul3A_21 = arith.muli %add3A_19, %mul3A_20 : i32
        "tpu.region"() ({
          %run_scoped3A = tpu.sem_alloc : memref<!tpu.dma_semaphore, #tpu.memory_space<semaphore_mem>>
          %dma_start3A_28 = tpu.memref_slice %arg3[%mul3A_21] : memref<50048xi32, #tpu.memory_space<hbm>> -> memref<128xi32, #tpu.memory_space<hbm>>
          %dma_start3A_29 = tpu.memref_slice %arg3[%mul3A_21] : memref<50048xi32, #tpu.memory_space<hbm>> -> memref<128xi32, #tpu.memory_space<hbm>>
          tpu.enqueue_dma source(%dma_start3A_29 : memref<128xi32, #tpu.memory_space<hbm>>) target(%arg7 : memref<128xi32, #tpu.memory_space<vmem>>) target_semaphore(%run_scoped3A : memref<!tpu.dma_semaphore, #tpu.memory_space<semaphore_mem>>)
          %dma_wait3A_30 = tpu.memref_slice %arg3[%mul3A_21] : memref<50048xi32, #tpu.memory_space<hbm>> -> memref<128xi32, #tpu.memory_space<hbm>>
          %dma_wait3A_31 = tpu.memref_slice %arg3[%mul3A_21] : memref<50048xi32, #tpu.memory_space<hbm>> -> memref<128xi32, #tpu.memory_space<hbm>>
          tpu.wait_dma2 semaphore(%run_scoped3A : memref<!tpu.dma_semaphore, #tpu.memory_space<semaphore_mem>>) src(%dma_wait3A_31 : memref<128xi32, #tpu.memory_space<hbm>>) dst(%arg7 : memref<128xi32, #tpu.memory_space<vmem>>)
          tpu.yield
        }) : () -> ()
        %dma_start3A = arith.constant 0 : i32
        %dma_start3A_22 = arith.constant 0 : i32
        %dma_start3A_23 = tpu.memref_slice %arg2[%dma_start3A, %dma_start3A_22] : memref<100000x128xf32, #tpu.memory_space<hbm>> -> memref<100000x128xf32, #tpu.memory_space<hbm>>
        tpu.enqueue_indirect_dma source(%dma_start3A_23 : memref<100000x128xf32, #tpu.memory_space<hbm>>) target(%arg8 : memref<128x128xf32, #tpu.memory_space<vmem>>) offsets(%arg7 : memref<128xi32, #tpu.memory_space<vmem>>) semaphore(%arg9 : memref<!tpu.dma_semaphore, #tpu.memory_space<semaphore_mem>>)
        %dma_wait3A = arith.constant 0 : i32
        %dma_wait3A_24 = arith.constant 0 : i32
        %dma_wait3A_25 = tpu.memref_slice %arg2[%dma_wait3A, %dma_wait3A_24] : memref<100000x128xf32, #tpu.memory_space<hbm>> -> memref<100000x128xf32, #tpu.memory_space<hbm>>
        tpu.wait_indirect_dma semaphore(%arg9 : memref<!tpu.dma_semaphore, #tpu.memory_space<semaphore_mem>>) src(%dma_wait3A_25 : memref<100000x128xf32, #tpu.memory_space<hbm>>) dst(%arg8 : memref<128x128xf32, #tpu.memory_space<vmem>>)
        %mul3A_26 = arith.constant 128 : i32
        %mul3A_27 = arith.muli %add3A_15, %mul3A_26 : i32
        "tpu.region"() ({
          %run_scoped3A = tpu.sem_alloc : memref<!tpu.dma_semaphore, #tpu.memory_space<semaphore_mem>>
          %dma_start3A_28 = arith.constant 0 : i32
          %dma_start3A_29 = tpu.memref_slice %arg5[%mul3A_27, %dma_start3A_28] : memref<16000x128xf32, #tpu.memory_space<hbm>> -> memref<128x128xf32, #tpu.memory_space<hbm>>
          %dma_start3A_30 = arith.constant 0 : i32
          %dma_start3A_31 = tpu.memref_slice %arg5[%mul3A_27, %dma_start3A_30] : memref<16000x128xf32, #tpu.memory_space<hbm>> -> memref<128x128xf32, #tpu.memory_space<hbm>>
          tpu.enqueue_dma source(%arg8 : memref<128x128xf32, #tpu.memory_space<vmem>>) target(%dma_start3A_31 : memref<128x128xf32, #tpu.memory_space<hbm>>) target_semaphore(%run_scoped3A : memref<!tpu.dma_semaphore, #tpu.memory_space<semaphore_mem>>)
          %dma_wait3A_32 = arith.constant 0 : i32
          %dma_wait3A_33 = tpu.memref_slice %arg5[%mul3A_27, %dma_wait3A_32] : memref<16000x128xf32, #tpu.memory_space<hbm>> -> memref<128x128xf32, #tpu.memory_space<hbm>>
          %dma_wait3A_34 = arith.constant 0 : i32
          %dma_wait3A_35 = tpu.memref_slice %arg5[%mul3A_27, %dma_wait3A_34] : memref<16000x128xf32, #tpu.memory_space<hbm>> -> memref<128x128xf32, #tpu.memory_space<hbm>>
          tpu.wait_dma2 semaphore(%run_scoped3A : memref<!tpu.dma_semaphore, #tpu.memory_space<semaphore_mem>>) src(%arg8 : memref<128x128xf32, #tpu.memory_space<vmem>>) dst(%dma_wait3A_35 : memref<128x128xf32, #tpu.memory_space<hbm>>)
          tpu.yield
        }) : () -> ()
      } else {
      }
    }
    %scan3A_5 = arith.constant 4 : i32
    %scan3A_6 = arith.constant 0 : i32
    %scan3A_7 = arith.constant 0 : i32
    %scan3A_8 = arith.constant 63 : i32
    %scan3A_9 = arith.addi %scan3A_7, %scan3A_8 : i32
    %scan3A_10 = arith.constant 1 : i32
    scf.for %scan3A_12 = %scan3A_7 to %scan3A_9 step %scan3A_10  : i32 {
      %mul3A_13 = arith.constant 32 : i32
      %mul3A_14 = arith.muli %mul3A_13, %scan3A_12 : i32
      %add3A_15 = arith.addi %add3A, %mul3A_14 : i32
      %lt3A = arith.constant 2000 : i32
      %lt3A_16 = arith.cmpi slt, %add3A_15, %lt3A : i32
      %convert_element_type3A = arith.extui %lt3A_16 : i1 to i32
      %cond3A = arith.constant 0 : i32
      %cond3A_17 = arith.cmpi ne, %convert_element_type3A, %cond3A : i32
      scf.if %cond3A_17 {
        %add3A_18 = arith.constant 3600 : i32
        %add3A_19 = arith.addi %add3A_18, %add3A_15 : i32
        %mul3A_20 = arith.constant 128 : i32
        %mul3A_21 = arith.muli %add3A_19, %mul3A_20 : i32
        "tpu.region"() ({
          %run_scoped3A = tpu.sem_alloc : memref<!tpu.dma_semaphore, #tpu.memory_space<semaphore_mem>>
          %dma_start3A_28 = tpu.memref_slice %arg4[%mul3A_21] : memref<800000xi32, #tpu.memory_space<hbm>> -> memref<128xi32, #tpu.memory_space<hbm>>
          %dma_start3A_29 = tpu.memref_slice %arg4[%mul3A_21] : memref<800000xi32, #tpu.memory_space<hbm>> -> memref<128xi32, #tpu.memory_space<hbm>>
          tpu.enqueue_dma source(%dma_start3A_29 : memref<128xi32, #tpu.memory_space<hbm>>) target(%arg7 : memref<128xi32, #tpu.memory_space<vmem>>) target_semaphore(%run_scoped3A : memref<!tpu.dma_semaphore, #tpu.memory_space<semaphore_mem>>)
          %dma_wait3A_30 = tpu.memref_slice %arg4[%mul3A_21] : memref<800000xi32, #tpu.memory_space<hbm>> -> memref<128xi32, #tpu.memory_space<hbm>>
          %dma_wait3A_31 = tpu.memref_slice %arg4[%mul3A_21] : memref<800000xi32, #tpu.memory_space<hbm>> -> memref<128xi32, #tpu.memory_space<hbm>>
          tpu.wait_dma2 semaphore(%run_scoped3A : memref<!tpu.dma_semaphore, #tpu.memory_space<semaphore_mem>>) src(%dma_wait3A_31 : memref<128xi32, #tpu.memory_space<hbm>>) dst(%arg7 : memref<128xi32, #tpu.memory_space<vmem>>)
          tpu.yield
        }) : () -> ()
        %dma_start3A = arith.constant 0 : i32
        %dma_start3A_22 = arith.constant 0 : i32
        %dma_start3A_23 = tpu.memref_slice %arg2[%dma_start3A, %dma_start3A_22] : memref<100000x128xf32, #tpu.memory_space<hbm>> -> memref<100000x128xf32, #tpu.memory_space<hbm>>
        tpu.enqueue_indirect_dma source(%dma_start3A_23 : memref<100000x128xf32, #tpu.memory_space<hbm>>) target(%arg8 : memref<128x128xf32, #tpu.memory_space<vmem>>) offsets(%arg7 : memref<128xi32, #tpu.memory_space<vmem>>) semaphore(%arg9 : memref<!tpu.dma_semaphore, #tpu.memory_space<semaphore_mem>>)
        %dma_wait3A = arith.constant 0 : i32
        %dma_wait3A_24 = arith.constant 0 : i32
        %dma_wait3A_25 = tpu.memref_slice %arg2[%dma_wait3A, %dma_wait3A_24] : memref<100000x128xf32, #tpu.memory_space<hbm>> -> memref<100000x128xf32, #tpu.memory_space<hbm>>
        tpu.wait_indirect_dma semaphore(%arg9 : memref<!tpu.dma_semaphore, #tpu.memory_space<semaphore_mem>>) src(%dma_wait3A_25 : memref<100000x128xf32, #tpu.memory_space<hbm>>) dst(%arg8 : memref<128x128xf32, #tpu.memory_space<vmem>>)
        %mul3A_26 = arith.constant 128 : i32
        %mul3A_27 = arith.muli %add3A_15, %mul3A_26 : i32
        "tpu.region"() ({
          %run_scoped3A = tpu.sem_alloc : memref<!tpu.dma_semaphore, #tpu.memory_space<semaphore_mem>>
          %dma_start3A_28 = arith.constant 0 : i32
          %dma_start3A_29 = tpu.memref_slice %arg6[%mul3A_27, %dma_start3A_28] : memref<256000x128xf32, #tpu.memory_space<hbm>> -> memref<128x128xf32, #tpu.memory_space<hbm>>
          %dma_start3A_30 = arith.constant 0 : i32
          %dma_start3A_31 = tpu.memref_slice %arg6[%mul3A_27, %dma_start3A_30] : memref<256000x128xf32, #tpu.memory_space<hbm>> -> memref<128x128xf32, #tpu.memory_space<hbm>>
          tpu.enqueue_dma source(%arg8 : memref<128x128xf32, #tpu.memory_space<vmem>>) target(%dma_start3A_31 : memref<128x128xf32, #tpu.memory_space<hbm>>) target_semaphore(%run_scoped3A : memref<!tpu.dma_semaphore, #tpu.memory_space<semaphore_mem>>)
          %dma_wait3A_32 = arith.constant 0 : i32
          %dma_wait3A_33 = tpu.memref_slice %arg6[%mul3A_27, %dma_wait3A_32] : memref<256000x128xf32, #tpu.memory_space<hbm>> -> memref<128x128xf32, #tpu.memory_space<hbm>>
          %dma_wait3A_34 = arith.constant 0 : i32
          %dma_wait3A_35 = tpu.memref_slice %arg6[%mul3A_27, %dma_wait3A_34] : memref<256000x128xf32, #tpu.memory_space<hbm>> -> memref<128x128xf32, #tpu.memory_space<hbm>>
          tpu.wait_dma2 semaphore(%run_scoped3A : memref<!tpu.dma_semaphore, #tpu.memory_space<semaphore_mem>>) src(%arg8 : memref<128x128xf32, #tpu.memory_space<vmem>>) dst(%dma_wait3A_35 : memref<128x128xf32, #tpu.memory_space<hbm>>)
          tpu.yield
        }) : () -> ()
      } else {
      }
    }
    %scan3A_11 = arith.constant 63 : i32
    return
  }
}

#map = affine_map<(d0, d1) -> (0, 0)>
#map1 = affine_map<(d0, d1) -> (0)>
module attributes {stable_mosaic.version = 14 : i64} {
  func.func @body(%arg0: i32, %arg1: i32, %arg2: memref<100000x128xf32, #tpu.memory_space<hbm>>, %arg3: memref<50048xi32, #tpu.memory_space<hbm>>, %arg4: memref<800000xi32, #tpu.memory_space<hbm>>, %arg5: memref<12800x128xf32, #tpu.memory_space<hbm>>, %arg6: memref<204800x128xf32, #tpu.memory_space<hbm>>, %arg7: memref<128xi32, #tpu.memory_space<vmem>>, %arg8: memref<128x128xf32, #tpu.memory_space<vmem>>, %arg9: memref<!tpu.dma_semaphore, #tpu.memory_space<semaphore_mem>>) attributes {dimension_semantics = [#tpu.dimension_semantics<core_parallel>, #tpu.dimension_semantics<subcore_parallel>], iteration_bounds = array<i64: 2, 16>, scalar_prefetch = 0 : i64, scratch_operands = 3 : i64, tpu.core_type = #tpu.core_type<sc_vector_subcore>, window_params = [{transform_indices = #map}, {transform_indices = #map1}, {transform_indices = #map1}, {transform_indices = #map}, {transform_indices = #map}]} {
    %mul3A = arith.constant 2 : i32
    %mul3A_0 = arith.muli %arg1, %mul3A : i32
    %add3A = arith.addi %mul3A_0, %arg0 : i32
    %scan3A = arith.constant 0 : i32
    %scan3A_1 = arith.constant 0 : i32
    %scan3A_2 = arith.constant 4 : i32
    %scan3A_3 = arith.addi %scan3A_1, %scan3A_2 : i32
    %scan3A_4 = arith.constant 1 : i32
    scf.for %scan3A_12 = %scan3A_1 to %scan3A_3 step %scan3A_4  : i32 {
      %mul3A_13 = arith.constant 32 : i32
      %mul3A_14 = arith.muli %mul3A_13, %scan3A_12 : i32
      %add3A_15 = arith.addi %add3A, %mul3A_14 : i32
      %lt3A = arith.constant 100 : i32
      %lt3A_16 = arith.cmpi slt, %add3A_15, %lt3A : i32
      %convert_element_type3A = arith.extui %lt3A_16 : i1 to i32
      %cond3A = arith.constant 0 : i32
      %cond3A_17 = arith.cmpi ne, %convert_element_type3A, %cond3A : i32
      scf.if %cond3A_17 {
        %add3A_18 = arith.constant 125 : i32
        %add3A_19 = arith.addi %add3A_18, %add3A_15 : i32
        %mul3A_20 = arith.constant 128 : i32
        %mul3A_21 = arith.muli %add3A_19, %mul3A_20 : i32
        "tpu.region"() ({
          %run_scoped3A = tpu.sem_alloc : memref<!tpu.dma_semaphore, #tpu.memory_space<semaphore_mem>>
          %dma_start3A_28 = tpu.memref_slice %arg3[%mul3A_21] : memref<50048xi32, #tpu.memory_space<hbm>> -> memref<128xi32, #tpu.memory_space<hbm>>
          %dma_start3A_29 = tpu.memref_slice %arg3[%mul3A_21] : memref<50048xi32, #tpu.memory_space<hbm>> -> memref<128xi32, #tpu.memory_space<hbm>>
          tpu.enqueue_dma source(%dma_start3A_29 : memref<128xi32, #tpu.memory_space<hbm>>) target(%arg7 : memref<128xi32, #tpu.memory_space<vmem>>) target_semaphore(%run_scoped3A : memref<!tpu.dma_semaphore, #tpu.memory_space<semaphore_mem>>)
          %dma_wait3A_30 = tpu.memref_slice %arg3[%mul3A_21] : memref<50048xi32, #tpu.memory_space<hbm>> -> memref<128xi32, #tpu.memory_space<hbm>>
          %dma_wait3A_31 = tpu.memref_slice %arg3[%mul3A_21] : memref<50048xi32, #tpu.memory_space<hbm>> -> memref<128xi32, #tpu.memory_space<hbm>>
          tpu.wait_dma2 semaphore(%run_scoped3A : memref<!tpu.dma_semaphore, #tpu.memory_space<semaphore_mem>>) src(%dma_wait3A_31 : memref<128xi32, #tpu.memory_space<hbm>>) dst(%arg7 : memref<128xi32, #tpu.memory_space<vmem>>)
          tpu.yield
        }) : () -> ()
        %dma_start3A = arith.constant 0 : i32
        %dma_start3A_22 = arith.constant 0 : i32
        %dma_start3A_23 = tpu.memref_slice %arg2[%dma_start3A, %dma_start3A_22] : memref<100000x128xf32, #tpu.memory_space<hbm>> -> memref<100000x128xf32, #tpu.memory_space<hbm>>
        tpu.enqueue_indirect_dma source(%dma_start3A_23 : memref<100000x128xf32, #tpu.memory_space<hbm>>) target(%arg8 : memref<128x128xf32, #tpu.memory_space<vmem>>) offsets(%arg7 : memref<128xi32, #tpu.memory_space<vmem>>) semaphore(%arg9 : memref<!tpu.dma_semaphore, #tpu.memory_space<semaphore_mem>>)
        %dma_wait3A = arith.constant 0 : i32
        %dma_wait3A_24 = arith.constant 0 : i32
        %dma_wait3A_25 = tpu.memref_slice %arg2[%dma_wait3A, %dma_wait3A_24] : memref<100000x128xf32, #tpu.memory_space<hbm>> -> memref<100000x128xf32, #tpu.memory_space<hbm>>
        tpu.wait_indirect_dma semaphore(%arg9 : memref<!tpu.dma_semaphore, #tpu.memory_space<semaphore_mem>>) src(%dma_wait3A_25 : memref<100000x128xf32, #tpu.memory_space<hbm>>) dst(%arg8 : memref<128x128xf32, #tpu.memory_space<vmem>>)
        %mul3A_26 = arith.constant 128 : i32
        %mul3A_27 = arith.muli %add3A_15, %mul3A_26 : i32
        "tpu.region"() ({
          %run_scoped3A = tpu.sem_alloc : memref<!tpu.dma_semaphore, #tpu.memory_space<semaphore_mem>>
          %dma_start3A_28 = arith.constant 0 : i32
          %dma_start3A_29 = tpu.memref_slice %arg5[%mul3A_27, %dma_start3A_28] : memref<12800x128xf32, #tpu.memory_space<hbm>> -> memref<128x128xf32, #tpu.memory_space<hbm>>
          %dma_start3A_30 = arith.constant 0 : i32
          %dma_start3A_31 = tpu.memref_slice %arg5[%mul3A_27, %dma_start3A_30] : memref<12800x128xf32, #tpu.memory_space<hbm>> -> memref<128x128xf32, #tpu.memory_space<hbm>>
          tpu.enqueue_dma source(%arg8 : memref<128x128xf32, #tpu.memory_space<vmem>>) target(%dma_start3A_31 : memref<128x128xf32, #tpu.memory_space<hbm>>) target_semaphore(%run_scoped3A : memref<!tpu.dma_semaphore, #tpu.memory_space<semaphore_mem>>)
          %dma_wait3A_32 = arith.constant 0 : i32
          %dma_wait3A_33 = tpu.memref_slice %arg5[%mul3A_27, %dma_wait3A_32] : memref<12800x128xf32, #tpu.memory_space<hbm>> -> memref<128x128xf32, #tpu.memory_space<hbm>>
          %dma_wait3A_34 = arith.constant 0 : i32
          %dma_wait3A_35 = tpu.memref_slice %arg5[%mul3A_27, %dma_wait3A_34] : memref<12800x128xf32, #tpu.memory_space<hbm>> -> memref<128x128xf32, #tpu.memory_space<hbm>>
          tpu.wait_dma2 semaphore(%run_scoped3A : memref<!tpu.dma_semaphore, #tpu.memory_space<semaphore_mem>>) src(%arg8 : memref<128x128xf32, #tpu.memory_space<vmem>>) dst(%dma_wait3A_35 : memref<128x128xf32, #tpu.memory_space<hbm>>)
          tpu.yield
        }) : () -> ()
      } else {
      }
    }
    %scan3A_5 = arith.constant 4 : i32
    %scan3A_6 = arith.constant 0 : i32
    %scan3A_7 = arith.constant 0 : i32
    %scan3A_8 = arith.constant 50 : i32
    %scan3A_9 = arith.addi %scan3A_7, %scan3A_8 : i32
    %scan3A_10 = arith.constant 1 : i32
    scf.for %scan3A_12 = %scan3A_7 to %scan3A_9 step %scan3A_10  : i32 {
      %mul3A_13 = arith.constant 32 : i32
      %mul3A_14 = arith.muli %mul3A_13, %scan3A_12 : i32
      %add3A_15 = arith.addi %add3A, %mul3A_14 : i32
      %lt3A = arith.constant 1600 : i32
      %lt3A_16 = arith.cmpi slt, %add3A_15, %lt3A : i32
      %convert_element_type3A = arith.extui %lt3A_16 : i1 to i32
      %cond3A = arith.constant 0 : i32
      %cond3A_17 = arith.cmpi ne, %convert_element_type3A, %cond3A : i32
      scf.if %cond3A_17 {
        %add3A_18 = arith.constant 2000 : i32
        %add3A_19 = arith.addi %add3A_18, %add3A_15 : i32
        %mul3A_20 = arith.constant 128 : i32
        %mul3A_21 = arith.muli %add3A_19, %mul3A_20 : i32
        "tpu.region"() ({
          %run_scoped3A = tpu.sem_alloc : memref<!tpu.dma_semaphore, #tpu.memory_space<semaphore_mem>>
          %dma_start3A_28 = tpu.memref_slice %arg4[%mul3A_21] : memref<800000xi32, #tpu.memory_space<hbm>> -> memref<128xi32, #tpu.memory_space<hbm>>
          %dma_start3A_29 = tpu.memref_slice %arg4[%mul3A_21] : memref<800000xi32, #tpu.memory_space<hbm>> -> memref<128xi32, #tpu.memory_space<hbm>>
          tpu.enqueue_dma source(%dma_start3A_29 : memref<128xi32, #tpu.memory_space<hbm>>) target(%arg7 : memref<128xi32, #tpu.memory_space<vmem>>) target_semaphore(%run_scoped3A : memref<!tpu.dma_semaphore, #tpu.memory_space<semaphore_mem>>)
          %dma_wait3A_30 = tpu.memref_slice %arg4[%mul3A_21] : memref<800000xi32, #tpu.memory_space<hbm>> -> memref<128xi32, #tpu.memory_space<hbm>>
          %dma_wait3A_31 = tpu.memref_slice %arg4[%mul3A_21] : memref<800000xi32, #tpu.memory_space<hbm>> -> memref<128xi32, #tpu.memory_space<hbm>>
          tpu.wait_dma2 semaphore(%run_scoped3A : memref<!tpu.dma_semaphore, #tpu.memory_space<semaphore_mem>>) src(%dma_wait3A_31 : memref<128xi32, #tpu.memory_space<hbm>>) dst(%arg7 : memref<128xi32, #tpu.memory_space<vmem>>)
          tpu.yield
        }) : () -> ()
        %dma_start3A = arith.constant 0 : i32
        %dma_start3A_22 = arith.constant 0 : i32
        %dma_start3A_23 = tpu.memref_slice %arg2[%dma_start3A, %dma_start3A_22] : memref<100000x128xf32, #tpu.memory_space<hbm>> -> memref<100000x128xf32, #tpu.memory_space<hbm>>
        tpu.enqueue_indirect_dma source(%dma_start3A_23 : memref<100000x128xf32, #tpu.memory_space<hbm>>) target(%arg8 : memref<128x128xf32, #tpu.memory_space<vmem>>) offsets(%arg7 : memref<128xi32, #tpu.memory_space<vmem>>) semaphore(%arg9 : memref<!tpu.dma_semaphore, #tpu.memory_space<semaphore_mem>>)
        %dma_wait3A = arith.constant 0 : i32
        %dma_wait3A_24 = arith.constant 0 : i32
        %dma_wait3A_25 = tpu.memref_slice %arg2[%dma_wait3A, %dma_wait3A_24] : memref<100000x128xf32, #tpu.memory_space<hbm>> -> memref<100000x128xf32, #tpu.memory_space<hbm>>
        tpu.wait_indirect_dma semaphore(%arg9 : memref<!tpu.dma_semaphore, #tpu.memory_space<semaphore_mem>>) src(%dma_wait3A_25 : memref<100000x128xf32, #tpu.memory_space<hbm>>) dst(%arg8 : memref<128x128xf32, #tpu.memory_space<vmem>>)
        %mul3A_26 = arith.constant 128 : i32
        %mul3A_27 = arith.muli %add3A_15, %mul3A_26 : i32
        "tpu.region"() ({
          %run_scoped3A = tpu.sem_alloc : memref<!tpu.dma_semaphore, #tpu.memory_space<semaphore_mem>>
          %dma_start3A_28 = arith.constant 0 : i32
          %dma_start3A_29 = tpu.memref_slice %arg6[%mul3A_27, %dma_start3A_28] : memref<204800x128xf32, #tpu.memory_space<hbm>> -> memref<128x128xf32, #tpu.memory_space<hbm>>
          %dma_start3A_30 = arith.constant 0 : i32
          %dma_start3A_31 = tpu.memref_slice %arg6[%mul3A_27, %dma_start3A_30] : memref<204800x128xf32, #tpu.memory_space<hbm>> -> memref<128x128xf32, #tpu.memory_space<hbm>>
          tpu.enqueue_dma source(%arg8 : memref<128x128xf32, #tpu.memory_space<vmem>>) target(%dma_start3A_31 : memref<128x128xf32, #tpu.memory_space<hbm>>) target_semaphore(%run_scoped3A : memref<!tpu.dma_semaphore, #tpu.memory_space<semaphore_mem>>)
          %dma_wait3A_32 = arith.constant 0 : i32
          %dma_wait3A_33 = tpu.memref_slice %arg6[%mul3A_27, %dma_wait3A_32] : memref<204800x128xf32, #tpu.memory_space<hbm>> -> memref<128x128xf32, #tpu.memory_space<hbm>>
          %dma_wait3A_34 = arith.constant 0 : i32
          %dma_wait3A_35 = tpu.memref_slice %arg6[%mul3A_27, %dma_wait3A_34] : memref<204800x128xf32, #tpu.memory_space<hbm>> -> memref<128x128xf32, #tpu.memory_space<hbm>>
          tpu.wait_dma2 semaphore(%run_scoped3A : memref<!tpu.dma_semaphore, #tpu.memory_space<semaphore_mem>>) src(%arg8 : memref<128x128xf32, #tpu.memory_space<vmem>>) dst(%dma_wait3A_35 : memref<128x128xf32, #tpu.memory_space<hbm>>)
          tpu.yield
        }) : () -> ()
      } else {
      }
    }
    %scan3A_11 = arith.constant 50 : i32
    return
  }
}

#map = affine_map<(d0, d1) -> (0, 0)>
#map1 = affine_map<(d0, d1) -> (0)>
module attributes {stable_mosaic.version = 14 : i64} {
  func.func @body(%arg0: i32, %arg1: i32, %arg2: memref<100000x128xf32, #tpu.memory_space<hbm>>, %arg3: memref<50048xi32, #tpu.memory_space<hbm>>, %arg4: memref<800000xi32, #tpu.memory_space<hbm>>, %arg5: memref<3200x128xf32, #tpu.memory_space<hbm>>, %arg6: memref<51200x128xf32, #tpu.memory_space<hbm>>, %arg7: memref<128xi32, #tpu.memory_space<vmem>>, %arg8: memref<128x128xf32, #tpu.memory_space<vmem>>, %arg9: memref<!tpu.dma_semaphore, #tpu.memory_space<semaphore_mem>>) attributes {dimension_semantics = [#tpu.dimension_semantics<core_parallel>, #tpu.dimension_semantics<subcore_parallel>], iteration_bounds = array<i64: 2, 16>, scalar_prefetch = 0 : i64, scratch_operands = 3 : i64, tpu.core_type = #tpu.core_type<sc_vector_subcore>, window_params = [{transform_indices = #map}, {transform_indices = #map1}, {transform_indices = #map1}, {transform_indices = #map}, {transform_indices = #map}]} {
    %mul3A = arith.constant 2 : i32
    %mul3A_0 = arith.muli %arg1, %mul3A : i32
    %add3A = arith.addi %mul3A_0, %arg0 : i32
    %scan3A = arith.constant 0 : i32
    %scan3A_1 = arith.constant 0 : i32
    %mul3A_2 = arith.constant 32 : i32
    %mul3A_3 = arith.muli %mul3A_2, %scan3A_1 : i32
    %add3A_4 = arith.addi %add3A, %mul3A_3 : i32
    %lt3A = arith.constant 25 : i32
    %lt3A_5 = arith.cmpi slt, %add3A_4, %lt3A : i32
    %convert_element_type3A = arith.extui %lt3A_5 : i1 to i32
    %cond3A = arith.constant 0 : i32
    %cond3A_6 = arith.cmpi ne, %convert_element_type3A, %cond3A : i32
    scf.if %cond3A_6 {
      %add3A_14 = arith.constant 0 : i32
      %add3A_15 = arith.addi %add3A_14, %add3A_4 : i32
      %mul3A_16 = arith.constant 128 : i32
      %mul3A_17 = arith.muli %add3A_15, %mul3A_16 : i32
      "tpu.region"() ({
        %run_scoped3A = tpu.sem_alloc : memref<!tpu.dma_semaphore, #tpu.memory_space<semaphore_mem>>
        %dma_start3A_24 = tpu.memref_slice %arg3[%mul3A_17] : memref<50048xi32, #tpu.memory_space<hbm>> -> memref<128xi32, #tpu.memory_space<hbm>>
        %dma_start3A_25 = tpu.memref_slice %arg3[%mul3A_17] : memref<50048xi32, #tpu.memory_space<hbm>> -> memref<128xi32, #tpu.memory_space<hbm>>
        tpu.enqueue_dma source(%dma_start3A_25 : memref<128xi32, #tpu.memory_space<hbm>>) target(%arg7 : memref<128xi32, #tpu.memory_space<vmem>>) target_semaphore(%run_scoped3A : memref<!tpu.dma_semaphore, #tpu.memory_space<semaphore_mem>>)
        %dma_wait3A_26 = tpu.memref_slice %arg3[%mul3A_17] : memref<50048xi32, #tpu.memory_space<hbm>> -> memref<128xi32, #tpu.memory_space<hbm>>
        %dma_wait3A_27 = tpu.memref_slice %arg3[%mul3A_17] : memref<50048xi32, #tpu.memory_space<hbm>> -> memref<128xi32, #tpu.memory_space<hbm>>
        tpu.wait_dma2 semaphore(%run_scoped3A : memref<!tpu.dma_semaphore, #tpu.memory_space<semaphore_mem>>) src(%dma_wait3A_27 : memref<128xi32, #tpu.memory_space<hbm>>) dst(%arg7 : memref<128xi32, #tpu.memory_space<vmem>>)
        tpu.yield
      }) : () -> ()
      %dma_start3A = arith.constant 0 : i32
      %dma_start3A_18 = arith.constant 0 : i32
      %dma_start3A_19 = tpu.memref_slice %arg2[%dma_start3A, %dma_start3A_18] : memref<100000x128xf32, #tpu.memory_space<hbm>> -> memref<100000x128xf32, #tpu.memory_space<hbm>>
      tpu.enqueue_indirect_dma source(%dma_start3A_19 : memref<100000x128xf32, #tpu.memory_space<hbm>>) target(%arg8 : memref<128x128xf32, #tpu.memory_space<vmem>>) offsets(%arg7 : memref<128xi32, #tpu.memory_space<vmem>>) semaphore(%arg9 : memref<!tpu.dma_semaphore, #tpu.memory_space<semaphore_mem>>)
      %dma_wait3A = arith.constant 0 : i32
      %dma_wait3A_20 = arith.constant 0 : i32
      %dma_wait3A_21 = tpu.memref_slice %arg2[%dma_wait3A, %dma_wait3A_20] : memref<100000x128xf32, #tpu.memory_space<hbm>> -> memref<100000x128xf32, #tpu.memory_space<hbm>>
      tpu.wait_indirect_dma semaphore(%arg9 : memref<!tpu.dma_semaphore, #tpu.memory_space<semaphore_mem>>) src(%dma_wait3A_21 : memref<100000x128xf32, #tpu.memory_space<hbm>>) dst(%arg8 : memref<128x128xf32, #tpu.memory_space<vmem>>)
      %mul3A_22 = arith.constant 128 : i32
      %mul3A_23 = arith.muli %add3A_4, %mul3A_22 : i32
      "tpu.region"() ({
        %run_scoped3A = tpu.sem_alloc : memref<!tpu.dma_semaphore, #tpu.memory_space<semaphore_mem>>
        %dma_start3A_24 = arith.constant 0 : i32
        %dma_start3A_25 = tpu.memref_slice %arg5[%mul3A_23, %dma_start3A_24] : memref<3200x128xf32, #tpu.memory_space<hbm>> -> memref<128x128xf32, #tpu.memory_space<hbm>>
        %dma_start3A_26 = arith.constant 0 : i32
        %dma_start3A_27 = tpu.memref_slice %arg5[%mul3A_23, %dma_start3A_26] : memref<3200x128xf32, #tpu.memory_space<hbm>> -> memref<128x128xf32, #tpu.memory_space<hbm>>
        tpu.enqueue_dma source(%arg8 : memref<128x128xf32, #tpu.memory_space<vmem>>) target(%dma_start3A_27 : memref<128x128xf32, #tpu.memory_space<hbm>>) target_semaphore(%run_scoped3A : memref<!tpu.dma_semaphore, #tpu.memory_space<semaphore_mem>>)
        %dma_wait3A_28 = arith.constant 0 : i32
        %dma_wait3A_29 = tpu.memref_slice %arg5[%mul3A_23, %dma_wait3A_28] : memref<3200x128xf32, #tpu.memory_space<hbm>> -> memref<128x128xf32, #tpu.memory_space<hbm>>
        %dma_wait3A_30 = arith.constant 0 : i32
        %dma_wait3A_31 = tpu.memref_slice %arg5[%mul3A_23, %dma_wait3A_30] : memref<3200x128xf32, #tpu.memory_space<hbm>> -> memref<128x128xf32, #tpu.memory_space<hbm>>
        tpu.wait_dma2 semaphore(%run_scoped3A : memref<!tpu.dma_semaphore, #tpu.memory_space<semaphore_mem>>) src(%arg8 : memref<128x128xf32, #tpu.memory_space<vmem>>) dst(%dma_wait3A_31 : memref<128x128xf32, #tpu.memory_space<hbm>>)
        tpu.yield
      }) : () -> ()
    } else {
    }
    %scan3A_7 = arith.constant 1 : i32
    %scan3A_8 = arith.constant 0 : i32
    %scan3A_9 = arith.constant 0 : i32
    %scan3A_10 = arith.constant 13 : i32
    %scan3A_11 = arith.addi %scan3A_9, %scan3A_10 : i32
    %scan3A_12 = arith.constant 1 : i32
    scf.for %scan3A_14 = %scan3A_9 to %scan3A_11 step %scan3A_12  : i32 {
      %mul3A_15 = arith.constant 32 : i32
      %mul3A_16 = arith.muli %mul3A_15, %scan3A_14 : i32
      %add3A_17 = arith.addi %add3A, %mul3A_16 : i32
      %lt3A_18 = arith.constant 400 : i32
      %lt3A_19 = arith.cmpi slt, %add3A_17, %lt3A_18 : i32
      %convert_element_type3A_20 = arith.extui %lt3A_19 : i1 to i32
      %cond3A_21 = arith.constant 0 : i32
      %cond3A_22 = arith.cmpi ne, %convert_element_type3A_20, %cond3A_21 : i32
      scf.if %cond3A_22 {
        %add3A_23 = arith.constant 0 : i32
        %add3A_24 = arith.addi %add3A_23, %add3A_17 : i32
        %mul3A_25 = arith.constant 128 : i32
        %mul3A_26 = arith.muli %add3A_24, %mul3A_25 : i32
        "tpu.region"() ({
          %run_scoped3A = tpu.sem_alloc : memref<!tpu.dma_semaphore, #tpu.memory_space<semaphore_mem>>
          %dma_start3A_33 = tpu.memref_slice %arg4[%mul3A_26] : memref<800000xi32, #tpu.memory_space<hbm>> -> memref<128xi32, #tpu.memory_space<hbm>>
          %dma_start3A_34 = tpu.memref_slice %arg4[%mul3A_26] : memref<800000xi32, #tpu.memory_space<hbm>> -> memref<128xi32, #tpu.memory_space<hbm>>
          tpu.enqueue_dma source(%dma_start3A_34 : memref<128xi32, #tpu.memory_space<hbm>>) target(%arg7 : memref<128xi32, #tpu.memory_space<vmem>>) target_semaphore(%run_scoped3A : memref<!tpu.dma_semaphore, #tpu.memory_space<semaphore_mem>>)
          %dma_wait3A_35 = tpu.memref_slice %arg4[%mul3A_26] : memref<800000xi32, #tpu.memory_space<hbm>> -> memref<128xi32, #tpu.memory_space<hbm>>
          %dma_wait3A_36 = tpu.memref_slice %arg4[%mul3A_26] : memref<800000xi32, #tpu.memory_space<hbm>> -> memref<128xi32, #tpu.memory_space<hbm>>
          tpu.wait_dma2 semaphore(%run_scoped3A : memref<!tpu.dma_semaphore, #tpu.memory_space<semaphore_mem>>) src(%dma_wait3A_36 : memref<128xi32, #tpu.memory_space<hbm>>) dst(%arg7 : memref<128xi32, #tpu.memory_space<vmem>>)
          tpu.yield
        }) : () -> ()
        %dma_start3A = arith.constant 0 : i32
        %dma_start3A_27 = arith.constant 0 : i32
        %dma_start3A_28 = tpu.memref_slice %arg2[%dma_start3A, %dma_start3A_27] : memref<100000x128xf32, #tpu.memory_space<hbm>> -> memref<100000x128xf32, #tpu.memory_space<hbm>>
        tpu.enqueue_indirect_dma source(%dma_start3A_28 : memref<100000x128xf32, #tpu.memory_space<hbm>>) target(%arg8 : memref<128x128xf32, #tpu.memory_space<vmem>>) offsets(%arg7 : memref<128xi32, #tpu.memory_space<vmem>>) semaphore(%arg9 : memref<!tpu.dma_semaphore, #tpu.memory_space<semaphore_mem>>)
        %dma_wait3A = arith.constant 0 : i32
        %dma_wait3A_29 = arith.constant 0 : i32
        %dma_wait3A_30 = tpu.memref_slice %arg2[%dma_wait3A, %dma_wait3A_29] : memref<100000x128xf32, #tpu.memory_space<hbm>> -> memref<100000x128xf32, #tpu.memory_space<hbm>>
        tpu.wait_indirect_dma semaphore(%arg9 : memref<!tpu.dma_semaphore, #tpu.memory_space<semaphore_mem>>) src(%dma_wait3A_30 : memref<100000x128xf32, #tpu.memory_space<hbm>>) dst(%arg8 : memref<128x128xf32, #tpu.memory_space<vmem>>)
        %mul3A_31 = arith.constant 128 : i32
        %mul3A_32 = arith.muli %add3A_17, %mul3A_31 : i32
        "tpu.region"() ({
          %run_scoped3A = tpu.sem_alloc : memref<!tpu.dma_semaphore, #tpu.memory_space<semaphore_mem>>
          %dma_start3A_33 = arith.constant 0 : i32
          %dma_start3A_34 = tpu.memref_slice %arg6[%mul3A_32, %dma_start3A_33] : memref<51200x128xf32, #tpu.memory_space<hbm>> -> memref<128x128xf32, #tpu.memory_space<hbm>>
          %dma_start3A_35 = arith.constant 0 : i32
          %dma_start3A_36 = tpu.memref_slice %arg6[%mul3A_32, %dma_start3A_35] : memref<51200x128xf32, #tpu.memory_space<hbm>> -> memref<128x128xf32, #tpu.memory_space<hbm>>
          tpu.enqueue_dma source(%arg8 : memref<128x128xf32, #tpu.memory_space<vmem>>) target(%dma_start3A_36 : memref<128x128xf32, #tpu.memory_space<hbm>>) target_semaphore(%run_scoped3A : memref<!tpu.dma_semaphore, #tpu.memory_space<semaphore_mem>>)
          %dma_wait3A_37 = arith.constant 0 : i32
          %dma_wait3A_38 = tpu.memref_slice %arg6[%mul3A_32, %dma_wait3A_37] : memref<51200x128xf32, #tpu.memory_space<hbm>> -> memref<128x128xf32, #tpu.memory_space<hbm>>
          %dma_wait3A_39 = arith.constant 0 : i32
          %dma_wait3A_40 = tpu.memref_slice %arg6[%mul3A_32, %dma_wait3A_39] : memref<51200x128xf32, #tpu.memory_space<hbm>> -> memref<128x128xf32, #tpu.memory_space<hbm>>
          tpu.wait_dma2 semaphore(%run_scoped3A : memref<!tpu.dma_semaphore, #tpu.memory_space<semaphore_mem>>) src(%arg8 : memref<128x128xf32, #tpu.memory_space<vmem>>) dst(%dma_wait3A_40 : memref<128x128xf32, #tpu.memory_space<hbm>>)
          tpu.yield
        }) : () -> ()
      } else {
      }
    }
    %scan3A_13 = arith.constant 13 : i32
    return
  }
}

#map = affine_map<(d0, d1) -> (0, 0)>
#map1 = affine_map<(d0, d1) -> (0)>
module attributes {stable_mosaic.version = 14 : i64} {
  func.func @body(%arg0: i32, %arg1: i32, %arg2: memref<100000x128xf32, #tpu.memory_space<hbm>>, %arg3: memref<50048xi32, #tpu.memory_space<hbm>>, %arg4: memref<800000xi32, #tpu.memory_space<hbm>>, %arg5: memref<5248x128xf32, #tpu.memory_space<hbm>>, %arg6: memref<83200x128xf32, #tpu.memory_space<hbm>>, %arg7: memref<128xi32, #tpu.memory_space<vmem>>, %arg8: memref<128x128xf32, #tpu.memory_space<vmem>>, %arg9: memref<!tpu.dma_semaphore, #tpu.memory_space<semaphore_mem>>) attributes {dimension_semantics = [#tpu.dimension_semantics<core_parallel>, #tpu.dimension_semantics<subcore_parallel>], iteration_bounds = array<i64: 2, 16>, scalar_prefetch = 0 : i64, scratch_operands = 3 : i64, tpu.core_type = #tpu.core_type<sc_vector_subcore>, window_params = [{transform_indices = #map}, {transform_indices = #map1}, {transform_indices = #map1}, {transform_indices = #map}, {transform_indices = #map}]} {
    %mul3A = arith.constant 2 : i32
    %mul3A_0 = arith.muli %arg1, %mul3A : i32
    %add3A = arith.addi %mul3A_0, %arg0 : i32
    %scan3A = arith.constant 0 : i32
    %scan3A_1 = arith.constant 0 : i32
    %scan3A_2 = arith.constant 2 : i32
    %scan3A_3 = arith.addi %scan3A_1, %scan3A_2 : i32
    %scan3A_4 = arith.constant 1 : i32
    scf.for %scan3A_12 = %scan3A_1 to %scan3A_3 step %scan3A_4  : i32 {
      %mul3A_13 = arith.constant 32 : i32
      %mul3A_14 = arith.muli %mul3A_13, %scan3A_12 : i32
      %add3A_15 = arith.addi %add3A, %mul3A_14 : i32
      %lt3A = arith.constant 41 : i32
      %lt3A_16 = arith.cmpi slt, %add3A_15, %lt3A : i32
      %convert_element_type3A = arith.extui %lt3A_16 : i1 to i32
      %cond3A = arith.constant 0 : i32
      %cond3A_17 = arith.cmpi ne, %convert_element_type3A, %cond3A : i32
      scf.if %cond3A_17 {
        %add3A_18 = arith.constant 350 : i32
        %add3A_19 = arith.addi %add3A_18, %add3A_15 : i32
        %mul3A_20 = arith.constant 128 : i32
        %mul3A_21 = arith.muli %add3A_19, %mul3A_20 : i32
        "tpu.region"() ({
          %run_scoped3A = tpu.sem_alloc : memref<!tpu.dma_semaphore, #tpu.memory_space<semaphore_mem>>
          %dma_start3A_28 = tpu.memref_slice %arg3[%mul3A_21] : memref<50048xi32, #tpu.memory_space<hbm>> -> memref<128xi32, #tpu.memory_space<hbm>>
          %dma_start3A_29 = tpu.memref_slice %arg3[%mul3A_21] : memref<50048xi32, #tpu.memory_space<hbm>> -> memref<128xi32, #tpu.memory_space<hbm>>
          tpu.enqueue_dma source(%dma_start3A_29 : memref<128xi32, #tpu.memory_space<hbm>>) target(%arg7 : memref<128xi32, #tpu.memory_space<vmem>>) target_semaphore(%run_scoped3A : memref<!tpu.dma_semaphore, #tpu.memory_space<semaphore_mem>>)
          %dma_wait3A_30 = tpu.memref_slice %arg3[%mul3A_21] : memref<50048xi32, #tpu.memory_space<hbm>> -> memref<128xi32, #tpu.memory_space<hbm>>
          %dma_wait3A_31 = tpu.memref_slice %arg3[%mul3A_21] : memref<50048xi32, #tpu.memory_space<hbm>> -> memref<128xi32, #tpu.memory_space<hbm>>
          tpu.wait_dma2 semaphore(%run_scoped3A : memref<!tpu.dma_semaphore, #tpu.memory_space<semaphore_mem>>) src(%dma_wait3A_31 : memref<128xi32, #tpu.memory_space<hbm>>) dst(%arg7 : memref<128xi32, #tpu.memory_space<vmem>>)
          tpu.yield
        }) : () -> ()
        %dma_start3A = arith.constant 0 : i32
        %dma_start3A_22 = arith.constant 0 : i32
        %dma_start3A_23 = tpu.memref_slice %arg2[%dma_start3A, %dma_start3A_22] : memref<100000x128xf32, #tpu.memory_space<hbm>> -> memref<100000x128xf32, #tpu.memory_space<hbm>>
        tpu.enqueue_indirect_dma source(%dma_start3A_23 : memref<100000x128xf32, #tpu.memory_space<hbm>>) target(%arg8 : memref<128x128xf32, #tpu.memory_space<vmem>>) offsets(%arg7 : memref<128xi32, #tpu.memory_space<vmem>>) semaphore(%arg9 : memref<!tpu.dma_semaphore, #tpu.memory_space<semaphore_mem>>)
        %dma_wait3A = arith.constant 0 : i32
        %dma_wait3A_24 = arith.constant 0 : i32
        %dma_wait3A_25 = tpu.memref_slice %arg2[%dma_wait3A, %dma_wait3A_24] : memref<100000x128xf32, #tpu.memory_space<hbm>> -> memref<100000x128xf32, #tpu.memory_space<hbm>>
        tpu.wait_indirect_dma semaphore(%arg9 : memref<!tpu.dma_semaphore, #tpu.memory_space<semaphore_mem>>) src(%dma_wait3A_25 : memref<100000x128xf32, #tpu.memory_space<hbm>>) dst(%arg8 : memref<128x128xf32, #tpu.memory_space<vmem>>)
        %mul3A_26 = arith.constant 128 : i32
        %mul3A_27 = arith.muli %add3A_15, %mul3A_26 : i32
        "tpu.region"() ({
          %run_scoped3A = tpu.sem_alloc : memref<!tpu.dma_semaphore, #tpu.memory_space<semaphore_mem>>
          %dma_start3A_28 = arith.constant 0 : i32
          %dma_start3A_29 = tpu.memref_slice %arg5[%mul3A_27, %dma_start3A_28] : memref<5248x128xf32, #tpu.memory_space<hbm>> -> memref<128x128xf32, #tpu.memory_space<hbm>>
          %dma_start3A_30 = arith.constant 0 : i32
          %dma_start3A_31 = tpu.memref_slice %arg5[%mul3A_27, %dma_start3A_30] : memref<5248x128xf32, #tpu.memory_space<hbm>> -> memref<128x128xf32, #tpu.memory_space<hbm>>
          tpu.enqueue_dma source(%arg8 : memref<128x128xf32, #tpu.memory_space<vmem>>) target(%dma_start3A_31 : memref<128x128xf32, #tpu.memory_space<hbm>>) target_semaphore(%run_scoped3A : memref<!tpu.dma_semaphore, #tpu.memory_space<semaphore_mem>>)
          %dma_wait3A_32 = arith.constant 0 : i32
          %dma_wait3A_33 = tpu.memref_slice %arg5[%mul3A_27, %dma_wait3A_32] : memref<5248x128xf32, #tpu.memory_space<hbm>> -> memref<128x128xf32, #tpu.memory_space<hbm>>
          %dma_wait3A_34 = arith.constant 0 : i32
          %dma_wait3A_35 = tpu.memref_slice %arg5[%mul3A_27, %dma_wait3A_34] : memref<5248x128xf32, #tpu.memory_space<hbm>> -> memref<128x128xf32, #tpu.memory_space<hbm>>
          tpu.wait_dma2 semaphore(%run_scoped3A : memref<!tpu.dma_semaphore, #tpu.memory_space<semaphore_mem>>) src(%arg8 : memref<128x128xf32, #tpu.memory_space<vmem>>) dst(%dma_wait3A_35 : memref<128x128xf32, #tpu.memory_space<hbm>>)
          tpu.yield
        }) : () -> ()
      } else {
      }
    }
    %scan3A_5 = arith.constant 2 : i32
    %scan3A_6 = arith.constant 0 : i32
    %scan3A_7 = arith.constant 0 : i32
    %scan3A_8 = arith.constant 21 : i32
    %scan3A_9 = arith.addi %scan3A_7, %scan3A_8 : i32
    %scan3A_10 = arith.constant 1 : i32
    scf.for %scan3A_12 = %scan3A_7 to %scan3A_9 step %scan3A_10  : i32 {
      %mul3A_13 = arith.constant 32 : i32
      %mul3A_14 = arith.muli %mul3A_13, %scan3A_12 : i32
      %add3A_15 = arith.addi %add3A, %mul3A_14 : i32
      %lt3A = arith.constant 650 : i32
      %lt3A_16 = arith.cmpi slt, %add3A_15, %lt3A : i32
      %convert_element_type3A = arith.extui %lt3A_16 : i1 to i32
      %cond3A = arith.constant 0 : i32
      %cond3A_17 = arith.cmpi ne, %convert_element_type3A, %cond3A : i32
      scf.if %cond3A_17 {
        %add3A_18 = arith.constant 5600 : i32
        %add3A_19 = arith.addi %add3A_18, %add3A_15 : i32
        %mul3A_20 = arith.constant 128 : i32
        %mul3A_21 = arith.muli %add3A_19, %mul3A_20 : i32
        "tpu.region"() ({
          %run_scoped3A = tpu.sem_alloc : memref<!tpu.dma_semaphore, #tpu.memory_space<semaphore_mem>>
          %dma_start3A_28 = tpu.memref_slice %arg4[%mul3A_21] : memref<800000xi32, #tpu.memory_space<hbm>> -> memref<128xi32, #tpu.memory_space<hbm>>
          %dma_start3A_29 = tpu.memref_slice %arg4[%mul3A_21] : memref<800000xi32, #tpu.memory_space<hbm>> -> memref<128xi32, #tpu.memory_space<hbm>>
          tpu.enqueue_dma source(%dma_start3A_29 : memref<128xi32, #tpu.memory_space<hbm>>) target(%arg7 : memref<128xi32, #tpu.memory_space<vmem>>) target_semaphore(%run_scoped3A : memref<!tpu.dma_semaphore, #tpu.memory_space<semaphore_mem>>)
          %dma_wait3A_30 = tpu.memref_slice %arg4[%mul3A_21] : memref<800000xi32, #tpu.memory_space<hbm>> -> memref<128xi32, #tpu.memory_space<hbm>>
          %dma_wait3A_31 = tpu.memref_slice %arg4[%mul3A_21] : memref<800000xi32, #tpu.memory_space<hbm>> -> memref<128xi32, #tpu.memory_space<hbm>>
          tpu.wait_dma2 semaphore(%run_scoped3A : memref<!tpu.dma_semaphore, #tpu.memory_space<semaphore_mem>>) src(%dma_wait3A_31 : memref<128xi32, #tpu.memory_space<hbm>>) dst(%arg7 : memref<128xi32, #tpu.memory_space<vmem>>)
          tpu.yield
        }) : () -> ()
        %dma_start3A = arith.constant 0 : i32
        %dma_start3A_22 = arith.constant 0 : i32
        %dma_start3A_23 = tpu.memref_slice %arg2[%dma_start3A, %dma_start3A_22] : memref<100000x128xf32, #tpu.memory_space<hbm>> -> memref<100000x128xf32, #tpu.memory_space<hbm>>
        tpu.enqueue_indirect_dma source(%dma_start3A_23 : memref<100000x128xf32, #tpu.memory_space<hbm>>) target(%arg8 : memref<128x128xf32, #tpu.memory_space<vmem>>) offsets(%arg7 : memref<128xi32, #tpu.memory_space<vmem>>) semaphore(%arg9 : memref<!tpu.dma_semaphore, #tpu.memory_space<semaphore_mem>>)
        %dma_wait3A = arith.constant 0 : i32
        %dma_wait3A_24 = arith.constant 0 : i32
        %dma_wait3A_25 = tpu.memref_slice %arg2[%dma_wait3A, %dma_wait3A_24] : memref<100000x128xf32, #tpu.memory_space<hbm>> -> memref<100000x128xf32, #tpu.memory_space<hbm>>
        tpu.wait_indirect_dma semaphore(%arg9 : memref<!tpu.dma_semaphore, #tpu.memory_space<semaphore_mem>>) src(%dma_wait3A_25 : memref<100000x128xf32, #tpu.memory_space<hbm>>) dst(%arg8 : memref<128x128xf32, #tpu.memory_space<vmem>>)
        %mul3A_26 = arith.constant 128 : i32
        %mul3A_27 = arith.muli %add3A_15, %mul3A_26 : i32
        "tpu.region"() ({
          %run_scoped3A = tpu.sem_alloc : memref<!tpu.dma_semaphore, #tpu.memory_space<semaphore_mem>>
          %dma_start3A_28 = arith.constant 0 : i32
          %dma_start3A_29 = tpu.memref_slice %arg6[%mul3A_27, %dma_start3A_28] : memref<83200x128xf32, #tpu.memory_space<hbm>> -> memref<128x128xf32, #tpu.memory_space<hbm>>
          %dma_start3A_30 = arith.constant 0 : i32
          %dma_start3A_31 = tpu.memref_slice %arg6[%mul3A_27, %dma_start3A_30] : memref<83200x128xf32, #tpu.memory_space<hbm>> -> memref<128x128xf32, #tpu.memory_space<hbm>>
          tpu.enqueue_dma source(%arg8 : memref<128x128xf32, #tpu.memory_space<vmem>>) target(%dma_start3A_31 : memref<128x128xf32, #tpu.memory_space<hbm>>) target_semaphore(%run_scoped3A : memref<!tpu.dma_semaphore, #tpu.memory_space<semaphore_mem>>)
          %dma_wait3A_32 = arith.constant 0 : i32
          %dma_wait3A_33 = tpu.memref_slice %arg6[%mul3A_27, %dma_wait3A_32] : memref<83200x128xf32, #tpu.memory_space<hbm>> -> memref<128x128xf32, #tpu.memory_space<hbm>>
          %dma_wait3A_34 = arith.constant 0 : i32
          %dma_wait3A_35 = tpu.memref_slice %arg6[%mul3A_27, %dma_wait3A_34] : memref<83200x128xf32, #tpu.memory_space<hbm>> -> memref<128x128xf32, #tpu.memory_space<hbm>>
          tpu.wait_dma2 semaphore(%run_scoped3A : memref<!tpu.dma_semaphore, #tpu.memory_space<semaphore_mem>>) src(%arg8 : memref<128x128xf32, #tpu.memory_space<vmem>>) dst(%dma_wait3A_35 : memref<128x128xf32, #tpu.memory_space<hbm>>)
          tpu.yield
        }) : () -> ()
      } else {
      }
    }
    %scan3A_11 = arith.constant 21 : i32
    return
  }
}

module attributes {stable_mosaic.version = 14 : i64} {
  func.func @_pad_body(%arg0: i32, %arg1: memref<10000x100xf32, #tpu.memory_space<vmem>>, %arg2: memref<10000x128xf32, #tpu.memory_space<vmem>>) attributes {dimension_semantics = [#tpu.dimension_semantics<arbitrary>], iteration_bounds = array<i64: 10>, scalar_prefetch = 0 : i64, scratch_operands = 0 : i64, tpu.core_type = #tpu.core_type<tc>, window_params = [{transform_indices = @transform_0, window_bounds = array<i64: 10000, 100>}, {transform_indices = @transform_1, window_bounds = array<i64: 10000, 128>}]} {
    %get3A = arith.constant 0 : index
    %get3A_0 = arith.constant 0 : index
    %get3A_1 = vector.load %arg1[%get3A, %get3A_0] : memref<10000x100xf32, #tpu.memory_space<vmem>>, vector<10000x100xf32>
    %broadcast_in_dim3A = arith.constant 0.000000e+00 : f32
    %broadcast_in_dim3A_2 = vector.broadcast %broadcast_in_dim3A : f32 to vector<10000x28xf32>
    %concatenate3A = tpu.concatenate %get3A_1, %broadcast_in_dim3A_2 in 1 : vector<10000x100xf32>, vector<10000x28xf32> -> vector<10000x128xf32>
    %swap3A = arith.constant 0 : index
    %swap3A_3 = arith.constant 0 : index
    %swap3A_4 = vector.load %arg2[%swap3A, %swap3A_3] : memref<10000x128xf32, #tpu.memory_space<vmem>>, vector<10000x128xf32>
    tpu.vector_store %arg2[%swap3A, %swap3A_3], %concatenate3A {strides = array<i32>} : memref<10000x128xf32, #tpu.memory_space<vmem>>, vector<10000x128xf32>,
    return
  }
  func.func @transform_0(%arg0: i32) -> (i32, i32) {
    %c0_i32 = arith.constant 0 : i32
    %c0_i32_0 = arith.constant 0 : i32
    return %arg0, %c0_i32 : i32, i32
  }
  func.func @transform_1(%arg0: i32) -> (i32, i32) {
    %c0_i32 = arith.constant 0 : i32
    %c0_i32_0 = arith.constant 0 : i32
    return %arg0, %c0_i32 : i32, i32
  }
}

module attributes {stable_mosaic.version = 14 : i64} {
  func.func @_enc_body(%arg0: i32, %arg1: memref<400x128xf32, #tpu.memory_space<vmem>>, %arg2: memref<6400x128xf32, #tpu.memory_space<vmem>>, %arg3: memref<400x100xf32, #tpu.memory_space<vmem>>, %arg4: memref<6400x1xf32, #tpu.memory_space<vmem>>, %arg5: memref<128x128xf32, #tpu.memory_space<vmem>>, %arg6: memref<1x128xf32, #tpu.memory_space<vmem>>, %arg7: memref<1x128xf32, #tpu.memory_space<vmem>>, %arg8: memref<1x128xf32, #tpu.memory_space<vmem>>, %arg9: memref<128x128xf32, #tpu.memory_space<vmem>>, %arg10: memref<128x128xf32, #tpu.memory_space<vmem>>, %arg11: memref<1x128xf32, #tpu.memory_space<vmem>>, %arg12: memref<400x100xf32, #tpu.memory_space<vmem>>) attributes {dimension_semantics = [#tpu.dimension_semantics<arbitrary>], iteration_bounds = array<i64: 32>, scalar_prefetch = 0 : i64, scratch_operands = 0 : i64, tpu.core_type = #tpu.core_type<tc>, window_params = [{transform_indices = @transform_0, window_bounds = array<i64: 400, 128>}, {transform_indices = @transform_1, window_bounds = array<i64: 6400, 128>}, {transform_indices = @transform_2, window_bounds = array<i64: 400, 100>}, {transform_indices = @transform_3, window_bounds = array<i64: 6400, 1>}, {pipeline_mode = #tpu.pipeline_mode<synchronous>, transform_indices = @transform_4, window_bounds = array<i64: 128, 128>}, {pipeline_mode = #tpu.pipeline_mode<synchronous>, transform_indices = @transform_5, window_bounds = array<i64: 1, 128>}, {pipeline_mode = #tpu.pipeline_mode<synchronous>, transform_indices = @transform_6, window_bounds = array<i64: 1, 128>}, {pipeline_mode = #tpu.pipeline_mode<synchronous>, transform_indices = @transform_7, window_bounds = array<i64: 1, 128>}, {pipeline_mode = #tpu.pipeline_mode<synchronous>, transform_indices = @transform_8, window_bounds = array<i64: 128, 128>}, {pipeline_mode = #tpu.pipeline_mode<synchronous>, transform_indices = @transform_9, window_bounds = array<i64: 128, 128>}, {pipeline_mode = #tpu.pipeline_mode<synchronous>, transform_indices = @transform_10, window_bounds = array<i64: 1, 128>}, {transform_indices = @transform_11, window_bounds = array<i64: 400, 100>}]} {
    %get3A = arith.constant 0 : index
    %get3A_0 = arith.constant 0 : index
    %get3A_1 = vector.load %arg2[%get3A, %get3A_0] : memref<6400x128xf32, #tpu.memory_space<vmem>>, vector<6400x128xf32>
    %get3A_2 = arith.constant 0 : index
    %get3A_3 = arith.constant 0 : index
    %get3A_4 = vector.load %arg3[%get3A_2, %get3A_3] : memref<400x100xf32, #tpu.memory_space<vmem>>, vector<400x100xf32>
    %broadcast_in_dim3A = arith.constant 0.000000e+00 : f32
    %broadcast_in_dim3A_5 = vector.broadcast %broadcast_in_dim3A : f32 to vector<400x28xf32>
    %concatenate3A = tpu.concatenate %get3A_4, %broadcast_in_dim3A_5 in 1 : vector<400x100xf32>, vector<400x28xf32> -> vector<400x128xf32>
    %broadcast_in_dim3A_6 = vector.shape_cast %concatenate3A : vector<400x128xf32> to vector<400x1x128xf32>
    %broadcast_in_dim3A_7 = vector.shape_cast %broadcast_in_dim3A_6 : vector<400x1x128xf32> to vector<400x1x128xf32>
    %broadcast_in_dim3A_8 = vector.broadcast %broadcast_in_dim3A_7 : vector<400x1x128xf32> to vector<400x16x128xf32>
    %reshape3A = vector.shape_cast %broadcast_in_dim3A_8 : vector<400x16x128xf32> to vector<6400x128xf32>
    %mul3A = arith.mulf %get3A_1, %reshape3A : vector<6400x128xf32>
    %get3A_9 = arith.constant 0 : index
    %get3A_10 = arith.constant 0 : index
    %get3A_11 = vector.load %arg5[%get3A_9, %get3A_10] : memref<128x128xf32, #tpu.memory_space<vmem>>, vector<128x128xf32>
    %dot_general3A = arith.constant dense<0.000000e+00> : vector<6400x128xf32>
    %dot_general3A_12 = tpu.matmul %mul3A, %get3A_11, %dot_general3A {dimension_numbers = #tpu.dot_dimension_numbers<[1], [0], [0], [1], [0, 0, 1, 1], [], []>, transpose_lhs_hint = false} : vector<6400x128xf32>, vector<128x128xf32>, vector<6400x128xf32> -> vector<6400x128xf32>
    %get3A_13 = arith.constant 0 : index
    %get3A_14 = arith.constant 0 : index
    %get3A_15 = vector.load %arg4[%get3A_13, %get3A_14] : memref<6400x1xf32, #tpu.memory_space<vmem>>, vector<6400x1xf32>
    %get3A_16 = arith.constant 0 : index
    %get3A_17 = arith.constant 0 : index
    %get3A_18 = vector.load %arg6[%get3A_16, %get3A_17] : memref<1x128xf32, #tpu.memory_space<vmem>>, vector<1x128xf32>
    %mul3A_19 = vector.broadcast %get3A_15 : vector<6400x1xf32> to vector<6400x128xf32>
    %mul3A_20 = vector.broadcast %get3A_18 : vector<1x128xf32> to vector<6400x128xf32>
    %mul3A_21 = arith.mulf %mul3A_19, %mul3A_20 : vector<6400x128xf32>
    %add3A = arith.addf %dot_general3A_12, %mul3A_21 : vector<6400x128xf32>
    %get3A_22 = arith.constant 0 : index
    %get3A_23 = arith.constant 0 : index
    %get3A_24 = vector.load %arg7[%get3A_22, %get3A_23] : memref<1x128xf32, #tpu.memory_space<vmem>>, vector<1x128xf32>
    %add3A_25 = vector.broadcast %get3A_24 : vector<1x128xf32> to vector<6400x128xf32>
    %add3A_26 = arith.addf %add3A, %add3A_25 : vector<6400x128xf32>
    %tanh3A = math.tanh %add3A_26 : vector<6400x128xf32>
    %get3A_27 = arith.constant 0 : index
    %get3A_28 = arith.constant 0 : index
    %get3A_29 = vector.load %arg8[%get3A_27, %get3A_28] : memref<1x128xf32, #tpu.memory_space<vmem>>, vector<1x128xf32>
    %mul3A_30 = vector.broadcast %get3A_29 : vector<1x128xf32> to vector<6400x128xf32>
    %mul3A_31 = arith.mulf %tanh3A, %mul3A_30 : vector<6400x128xf32>
    %reduce_sum3A = arith.constant dense<0.000000e+00> : vector<6400xf32>
    %reduce_sum3A_32 = vector.multi_reduction <add>, %mul3A_31, %reduce_sum3A [1] : vector<6400x128xf32> to vector<6400xf32>
    %broadcast_in_dim3A_33 = vector.shape_cast %reduce_sum3A_32 : vector<6400xf32> to vector<6400x1xf32>
    %reshape3A_34 = vector.shape_cast %broadcast_in_dim3A_33 : vector<6400x1xf32> to vector<400x16x1xf32>
    %reduce_max3A = arith.constant dense<0xFF800000> : vector<400x1xf32>
    %reduce_max3A_35 = vector.multi_reduction <maximumf>, %reshape3A_34, %reduce_max3A [1] : vector<400x16x1xf32> to vector<400x1xf32>
    %broadcast_in_dim3A_36 = vector.shape_cast %reduce_max3A_35 : vector<400x1xf32> to vector<400x1x1xf32>
    %sub3A = vector.broadcast %broadcast_in_dim3A_36 : vector<400x1x1xf32> to vector<400x16x1xf32>
    %sub3A_37 = arith.subf %reshape3A_34, %sub3A : vector<400x16x1xf32>
    %exp3A = math.exp %sub3A_37 : vector<400x16x1xf32>
    %reduce_sum3A_38 = arith.constant dense<0.000000e+00> : vector<400x1xf32>
    %reduce_sum3A_39 = vector.multi_reduction <add>, %exp3A, %reduce_sum3A_38 [1] : vector<400x16x1xf32> to vector<400x1xf32>
    %broadcast_in_dim3A_40 = vector.shape_cast %reduce_sum3A_39 : vector<400x1xf32> to vector<400x1x1xf32>
    %div3A = vector.broadcast %broadcast_in_dim3A_40 : vector<400x1x1xf32> to vector<400x16x1xf32>
    %div3A_41 = arith.divf %exp3A, %div3A : vector<400x16x1xf32>
    %reshape3A_42 = vector.shape_cast %div3A_41 : vector<400x16x1xf32> to vector<6400x1xf32>
    %mul3A_43 = vector.broadcast %reshape3A_42 : vector<6400x1xf32> to vector<6400x128xf32>
    %mul3A_44 = arith.mulf %mul3A_43, %get3A_1 : vector<6400x128xf32>
    %reshape3A_45 = vector.shape_cast %mul3A_44 : vector<6400x128xf32> to vector<400x16x128xf32>
    %reduce_sum3A_46 = arith.constant dense<0.000000e+00> : vector<400x128xf32>
    %reduce_sum3A_47 = vector.multi_reduction <add>, %reshape3A_45, %reduce_sum3A_46 [1] : vector<400x16x128xf32> to vector<400x128xf32>
    %get3A_48 = arith.constant 0 : index
    %get3A_49 = arith.constant 0 : index
    %get3A_50 = vector.load %arg10[%get3A_48, %get3A_49] : memref<128x128xf32, #tpu.memory_space<vmem>>, vector<128x128xf32>
    %dot_general3A_51 = arith.constant dense<0.000000e+00> : vector<400x128xf32>
    %dot_general3A_52 = tpu.matmul %reduce_sum3A_47, %get3A_50, %dot_general3A_51 {dimension_numbers = #tpu.dot_dimension_numbers<[1], [0], [0], [1], [0, 0, 1, 1], [], []>, transpose_lhs_hint = false} : vector<400x128xf32>, vector<128x128xf32>, vector<400x128xf32> -> vector<400x128xf32>
    %get3A_53 = arith.constant 0 : index
    %get3A_54 = arith.constant 0 : index
    %get3A_55 = vector.load %arg11[%get3A_53, %get3A_54] : memref<1x128xf32, #tpu.memory_space<vmem>>, vector<1x128xf32>
    %add3A_56 = vector.broadcast %get3A_55 : vector<1x128xf32> to vector<400x128xf32>
    %add3A_57 = arith.addf %dot_general3A_52, %add3A_56 : vector<400x128xf32>
    %get3A_58 = arith.constant 0 : index
    %get3A_59 = arith.constant 0 : index
    %get3A_60 = vector.load %arg1[%get3A_58, %get3A_59] : memref<400x128xf32, #tpu.memory_space<vmem>>, vector<400x128xf32>
    %get3A_61 = arith.constant 0 : index
    %get3A_62 = arith.constant 0 : index
    %get3A_63 = vector.load %arg9[%get3A_61, %get3A_62] : memref<128x128xf32, #tpu.memory_space<vmem>>, vector<128x128xf32>
    %dot_general3A_64 = arith.constant dense<0.000000e+00> : vector<400x128xf32>
    %dot_general3A_65 = tpu.matmul %get3A_60, %get3A_63, %dot_general3A_64 {dimension_numbers = #tpu.dot_dimension_numbers<[1], [0], [0], [1], [0, 0, 1, 1], [], []>, transpose_lhs_hint = false} : vector<400x128xf32>, vector<128x128xf32>, vector<400x128xf32> -> vector<400x128xf32>
    %add3A_66 = arith.addf %dot_general3A_65, %add3A_57 : vector<400x128xf32>
    %max3A = arith.constant 0.000000e+00 : f32
    %max3A_67 = vector.broadcast %max3A : f32 to vector<400x128xf32>
    %max3A_68 = arith.maximumf %add3A_66, %max3A_67 : vector<400x128xf32>
    %get3A_69 = arith.constant 0 : index
    %get3A_70 = arith.constant 0 : index
    %get3A_71 = vector.load %arg9[%get3A_69, %get3A_70] : memref<128x128xf32, #tpu.memory_space<vmem>>, vector<128x128xf32>
    %dot_general3A_72 = arith.constant dense<0.000000e+00> : vector<400x128xf32>
    %dot_general3A_73 = tpu.matmul %max3A_68, %get3A_71, %dot_general3A_72 {dimension_numbers = #tpu.dot_dimension_numbers<[1], [0], [0], [1], [0, 0, 1, 1], [], []>, transpose_lhs_hint = false} : vector<400x128xf32>, vector<128x128xf32>, vector<400x128xf32> -> vector<400x128xf32>
    %add3A_74 = arith.addf %dot_general3A_73, %add3A_57 : vector<400x128xf32>
    %max3A_75 = arith.constant 0.000000e+00 : f32
    %max3A_76 = vector.broadcast %max3A_75 : f32 to vector<400x128xf32>
    %max3A_77 = arith.maximumf %add3A_74, %max3A_76 : vector<400x128xf32>
    %slice3A = vector.extract_strided_slice %max3A_77 {offsets = [0, 0], sizes = [400, 100], strides = [1, 1]} : vector<400x128xf32> to vector<400x100xf32>
    %swap3A = arith.constant 0 : index
    %swap3A_78 = arith.constant 0 : index
    %swap3A_79 = vector.load %arg12[%swap3A, %swap3A_78] : memref<400x100xf32, #tpu.memory_space<vmem>>, vector<400x100xf32>
    tpu.vector_store %arg12[%swap3A, %swap3A_78], %slice3A {strides = array<i32>} : memref<400x100xf32, #tpu.memory_space<vmem>>, vector<400x100xf32>,
    return
  }
  func.func @transform_0(%arg0: i32) -> (i32, i32) {
    %c0_i32 = arith.constant 0 : i32
    %c0_i32_0 = arith.constant 0 : i32
    return %arg0, %c0_i32 : i32, i32
  }
  func.func @transform_1(%arg0: i32) -> (i32, i32) {
    %c0_i32 = arith.constant 0 : i32
    %c0_i32_0 = arith.constant 0 : i32
    return %arg0, %c0_i32 : i32, i32
  }
  func.func @transform_2(%arg0: i32) -> (i32, i32) {
    %add3A = arith.constant 8 : i32
    %add3A_0 = arith.addi %arg0, %add3A : i32
    %c0_i32 = arith.constant 0 : i32
    %c0_i32_1 = arith.constant 0 : i32
    return %add3A_0, %c0_i32 : i32, i32
  }
  func.func @transform_3(%arg0: i32) -> (i32, i32) {
    %add3A = arith.constant 8 : i32
    %add3A_0 = arith.addi %arg0, %add3A : i32
    %c0_i32 = arith.constant 0 : i32
    %c0_i32_1 = arith.constant 0 : i32
    return %add3A_0, %c0_i32 : i32, i32
  }
  func.func @transform_4(%arg0: i32) -> (i32, i32) {
    %c0_i32 = arith.constant 0 : i32
    %c0_i32_0 = arith.constant 0 : i32
    %c0_i32_1 = arith.constant 0 : i32
    return %c0_i32, %c0_i32_0 : i32, i32
  }
  func.func @transform_5(%arg0: i32) -> (i32, i32) {
    %c0_i32 = arith.constant 0 : i32
    %c0_i32_0 = arith.constant 0 : i32
    %c0_i32_1 = arith.constant 0 : i32
    return %c0_i32, %c0_i32_0 : i32, i32
  }
  func.func @transform_6(%arg0: i32) -> (i32, i32) {
    %c0_i32 = arith.constant 0 : i32
    %c0_i32_0 = arith.constant 0 : i32
    %c0_i32_1 = arith.constant 0 : i32
    return %c0_i32, %c0_i32_0 : i32, i32
  }
  func.func @transform_7(%arg0: i32) -> (i32, i32) {
    %c0_i32 = arith.constant 0 : i32
    %c0_i32_0 = arith.constant 0 : i32
    %c0_i32_1 = arith.constant 0 : i32
    return %c0_i32, %c0_i32_0 : i32, i32
  }
  func.func @transform_8(%arg0: i32) -> (i32, i32) {
    %c0_i32 = arith.constant 0 : i32
    %c0_i32_0 = arith.constant 0 : i32
    %c0_i32_1 = arith.constant 0 : i32
    return %c0_i32, %c0_i32_0 : i32, i32
  }
  func.func @transform_9(%arg0: i32) -> (i32, i32) {
    %c0_i32 = arith.constant 0 : i32
    %c0_i32_0 = arith.constant 0 : i32
    %c0_i32_1 = arith.constant 0 : i32
    return %c0_i32, %c0_i32_0 : i32, i32
  }
  func.func @transform_10(%arg0: i32) -> (i32, i32) {
    %c0_i32 = arith.constant 0 : i32
    %c0_i32_0 = arith.constant 0 : i32
    %c0_i32_1 = arith.constant 0 : i32
    return %c0_i32, %c0_i32_0 : i32, i32
  }
  func.func @transform_11(%arg0: i32) -> (i32, i32) {
    %c0_i32 = arith.constant 0 : i32
    %c0_i32_0 = arith.constant 0 : i32
    return %arg0, %c0_i32 : i32, i32
  }
}

module attributes {stable_mosaic.version = 14 : i64} {
  func.func @_enc_body(%arg0: i32, %arg1: memref<400x128xf32, #tpu.memory_space<vmem>>, %arg2: memref<6400x128xf32, #tpu.memory_space<vmem>>, %arg3: memref<400x100xf32, #tpu.memory_space<vmem>>, %arg4: memref<6400x1xf32, #tpu.memory_space<vmem>>, %arg5: memref<128x128xf32, #tpu.memory_space<vmem>>, %arg6: memref<1x128xf32, #tpu.memory_space<vmem>>, %arg7: memref<1x128xf32, #tpu.memory_space<vmem>>, %arg8: memref<1x128xf32, #tpu.memory_space<vmem>>, %arg9: memref<128x128xf32, #tpu.memory_space<vmem>>, %arg10: memref<128x128xf32, #tpu.memory_space<vmem>>, %arg11: memref<1x128xf32, #tpu.memory_space<vmem>>, %arg12: memref<400x100xf32, #tpu.memory_space<vmem>>) attributes {dimension_semantics = [#tpu.dimension_semantics<arbitrary>], iteration_bounds = array<i64: 8>, scalar_prefetch = 0 : i64, scratch_operands = 0 : i64, tpu.core_type = #tpu.core_type<tc>, window_params = [{transform_indices = @transform_0, window_bounds = array<i64: 400, 128>}, {transform_indices = @transform_1, window_bounds = array<i64: 6400, 128>}, {transform_indices = @transform_2, window_bounds = array<i64: 400, 100>}, {transform_indices = @transform_3, window_bounds = array<i64: 6400, 1>}, {pipeline_mode = #tpu.pipeline_mode<synchronous>, transform_indices = @transform_4, window_bounds = array<i64: 128, 128>}, {pipeline_mode = #tpu.pipeline_mode<synchronous>, transform_indices = @transform_5, window_bounds = array<i64: 1, 128>}, {pipeline_mode = #tpu.pipeline_mode<synchronous>, transform_indices = @transform_6, window_bounds = array<i64: 1, 128>}, {pipeline_mode = #tpu.pipeline_mode<synchronous>, transform_indices = @transform_7, window_bounds = array<i64: 1, 128>}, {pipeline_mode = #tpu.pipeline_mode<synchronous>, transform_indices = @transform_8, window_bounds = array<i64: 128, 128>}, {pipeline_mode = #tpu.pipeline_mode<synchronous>, transform_indices = @transform_9, window_bounds = array<i64: 128, 128>}, {pipeline_mode = #tpu.pipeline_mode<synchronous>, transform_indices = @transform_10, window_bounds = array<i64: 1, 128>}, {transform_indices = @transform_11, window_bounds = array<i64: 400, 100>}]} {
    %get3A = arith.constant 0 : index
    %get3A_0 = arith.constant 0 : index
    %get3A_1 = vector.load %arg2[%get3A, %get3A_0] : memref<6400x128xf32, #tpu.memory_space<vmem>>, vector<6400x128xf32>
    %get3A_2 = arith.constant 0 : index
    %get3A_3 = arith.constant 0 : index
    %get3A_4 = vector.load %arg3[%get3A_2, %get3A_3] : memref<400x100xf32, #tpu.memory_space<vmem>>, vector<400x100xf32>
    %broadcast_in_dim3A = arith.constant 0.000000e+00 : f32
    %broadcast_in_dim3A_5 = vector.broadcast %broadcast_in_dim3A : f32 to vector<400x28xf32>
    %concatenate3A = tpu.concatenate %get3A_4, %broadcast_in_dim3A_5 in 1 : vector<400x100xf32>, vector<400x28xf32> -> vector<400x128xf32>
    %broadcast_in_dim3A_6 = vector.shape_cast %concatenate3A : vector<400x128xf32> to vector<400x1x128xf32>
    %broadcast_in_dim3A_7 = vector.shape_cast %broadcast_in_dim3A_6 : vector<400x1x128xf32> to vector<400x1x128xf32>
    %broadcast_in_dim3A_8 = vector.broadcast %broadcast_in_dim3A_7 : vector<400x1x128xf32> to vector<400x16x128xf32>
    %reshape3A = vector.shape_cast %broadcast_in_dim3A_8 : vector<400x16x128xf32> to vector<6400x128xf32>
    %mul3A = arith.mulf %get3A_1, %reshape3A : vector<6400x128xf32>
    %get3A_9 = arith.constant 0 : index
    %get3A_10 = arith.constant 0 : index
    %get3A_11 = vector.load %arg5[%get3A_9, %get3A_10] : memref<128x128xf32, #tpu.memory_space<vmem>>, vector<128x128xf32>
    %dot_general3A = arith.constant dense<0.000000e+00> : vector<6400x128xf32>
    %dot_general3A_12 = tpu.matmul %mul3A, %get3A_11, %dot_general3A {dimension_numbers = #tpu.dot_dimension_numbers<[1], [0], [0], [1], [0, 0, 1, 1], [], []>, transpose_lhs_hint = false} : vector<6400x128xf32>, vector<128x128xf32>, vector<6400x128xf32> -> vector<6400x128xf32>
    %get3A_13 = arith.constant 0 : index
    %get3A_14 = arith.constant 0 : index
    %get3A_15 = vector.load %arg4[%get3A_13, %get3A_14] : memref<6400x1xf32, #tpu.memory_space<vmem>>, vector<6400x1xf32>
    %get3A_16 = arith.constant 0 : index
    %get3A_17 = arith.constant 0 : index
    %get3A_18 = vector.load %arg6[%get3A_16, %get3A_17] : memref<1x128xf32, #tpu.memory_space<vmem>>, vector<1x128xf32>
    %mul3A_19 = vector.broadcast %get3A_15 : vector<6400x1xf32> to vector<6400x128xf32>
    %mul3A_20 = vector.broadcast %get3A_18 : vector<1x128xf32> to vector<6400x128xf32>
    %mul3A_21 = arith.mulf %mul3A_19, %mul3A_20 : vector<6400x128xf32>
    %add3A = arith.addf %dot_general3A_12, %mul3A_21 : vector<6400x128xf32>
    %get3A_22 = arith.constant 0 : index
    %get3A_23 = arith.constant 0 : index
    %get3A_24 = vector.load %arg7[%get3A_22, %get3A_23] : memref<1x128xf32, #tpu.memory_space<vmem>>, vector<1x128xf32>
    %add3A_25 = vector.broadcast %get3A_24 : vector<1x128xf32> to vector<6400x128xf32>
    %add3A_26 = arith.addf %add3A, %add3A_25 : vector<6400x128xf32>
    %tanh3A = math.tanh %add3A_26 : vector<6400x128xf32>
    %get3A_27 = arith.constant 0 : index
    %get3A_28 = arith.constant 0 : index
    %get3A_29 = vector.load %arg8[%get3A_27, %get3A_28] : memref<1x128xf32, #tpu.memory_space<vmem>>, vector<1x128xf32>
    %mul3A_30 = vector.broadcast %get3A_29 : vector<1x128xf32> to vector<6400x128xf32>
    %mul3A_31 = arith.mulf %tanh3A, %mul3A_30 : vector<6400x128xf32>
    %reduce_sum3A = arith.constant dense<0.000000e+00> : vector<6400xf32>
    %reduce_sum3A_32 = vector.multi_reduction <add>, %mul3A_31, %reduce_sum3A [1] : vector<6400x128xf32> to vector<6400xf32>
    %broadcast_in_dim3A_33 = vector.shape_cast %reduce_sum3A_32 : vector<6400xf32> to vector<6400x1xf32>
    %reshape3A_34 = vector.shape_cast %broadcast_in_dim3A_33 : vector<6400x1xf32> to vector<400x16x1xf32>
    %reduce_max3A = arith.constant dense<0xFF800000> : vector<400x1xf32>
    %reduce_max3A_35 = vector.multi_reduction <maximumf>, %reshape3A_34, %reduce_max3A [1] : vector<400x16x1xf32> to vector<400x1xf32>
    %broadcast_in_dim3A_36 = vector.shape_cast %reduce_max3A_35 : vector<400x1xf32> to vector<400x1x1xf32>
    %sub3A = vector.broadcast %broadcast_in_dim3A_36 : vector<400x1x1xf32> to vector<400x16x1xf32>
    %sub3A_37 = arith.subf %reshape3A_34, %sub3A : vector<400x16x1xf32>
    %exp3A = math.exp %sub3A_37 : vector<400x16x1xf32>
    %reduce_sum3A_38 = arith.constant dense<0.000000e+00> : vector<400x1xf32>
    %reduce_sum3A_39 = vector.multi_reduction <add>, %exp3A, %reduce_sum3A_38 [1] : vector<400x16x1xf32> to vector<400x1xf32>
    %broadcast_in_dim3A_40 = vector.shape_cast %reduce_sum3A_39 : vector<400x1xf32> to vector<400x1x1xf32>
    %div3A = vector.broadcast %broadcast_in_dim3A_40 : vector<400x1x1xf32> to vector<400x16x1xf32>
    %div3A_41 = arith.divf %exp3A, %div3A : vector<400x16x1xf32>
    %reshape3A_42 = vector.shape_cast %div3A_41 : vector<400x16x1xf32> to vector<6400x1xf32>
    %mul3A_43 = vector.broadcast %reshape3A_42 : vector<6400x1xf32> to vector<6400x128xf32>
    %mul3A_44 = arith.mulf %mul3A_43, %get3A_1 : vector<6400x128xf32>
    %reshape3A_45 = vector.shape_cast %mul3A_44 : vector<6400x128xf32> to vector<400x16x128xf32>
    %reduce_sum3A_46 = arith.constant dense<0.000000e+00> : vector<400x128xf32>
    %reduce_sum3A_47 = vector.multi_reduction <add>, %reshape3A_45, %reduce_sum3A_46 [1] : vector<400x16x128xf32> to vector<400x128xf32>
    %get3A_48 = arith.constant 0 : index
    %get3A_49 = arith.constant 0 : index
    %get3A_50 = vector.load %arg10[%get3A_48, %get3A_49] : memref<128x128xf32, #tpu.memory_space<vmem>>, vector<128x128xf32>
    %dot_general3A_51 = arith.constant dense<0.000000e+00> : vector<400x128xf32>
    %dot_general3A_52 = tpu.matmul %reduce_sum3A_47, %get3A_50, %dot_general3A_51 {dimension_numbers = #tpu.dot_dimension_numbers<[1], [0], [0], [1], [0, 0, 1, 1], [], []>, transpose_lhs_hint = false} : vector<400x128xf32>, vector<128x128xf32>, vector<400x128xf32> -> vector<400x128xf32>
    %get3A_53 = arith.constant 0 : index
    %get3A_54 = arith.constant 0 : index
    %get3A_55 = vector.load %arg11[%get3A_53, %get3A_54] : memref<1x128xf32, #tpu.memory_space<vmem>>, vector<1x128xf32>
    %add3A_56 = vector.broadcast %get3A_55 : vector<1x128xf32> to vector<400x128xf32>
    %add3A_57 = arith.addf %dot_general3A_52, %add3A_56 : vector<400x128xf32>
    %get3A_58 = arith.constant 0 : index
    %get3A_59 = arith.constant 0 : index
    %get3A_60 = vector.load %arg1[%get3A_58, %get3A_59] : memref<400x128xf32, #tpu.memory_space<vmem>>, vector<400x128xf32>
    %get3A_61 = arith.constant 0 : index
    %get3A_62 = arith.constant 0 : index
    %get3A_63 = vector.load %arg9[%get3A_61, %get3A_62] : memref<128x128xf32, #tpu.memory_space<vmem>>, vector<128x128xf32>
    %dot_general3A_64 = arith.constant dense<0.000000e+00> : vector<400x128xf32>
    %dot_general3A_65 = tpu.matmul %get3A_60, %get3A_63, %dot_general3A_64 {dimension_numbers = #tpu.dot_dimension_numbers<[1], [0], [0], [1], [0, 0, 1, 1], [], []>, transpose_lhs_hint = false} : vector<400x128xf32>, vector<128x128xf32>, vector<400x128xf32> -> vector<400x128xf32>
    %add3A_66 = arith.addf %dot_general3A_65, %add3A_57 : vector<400x128xf32>
    %max3A = arith.constant 0.000000e+00 : f32
    %max3A_67 = vector.broadcast %max3A : f32 to vector<400x128xf32>
    %max3A_68 = arith.maximumf %add3A_66, %max3A_67 : vector<400x128xf32>
    %get3A_69 = arith.constant 0 : index
    %get3A_70 = arith.constant 0 : index
    %get3A_71 = vector.load %arg9[%get3A_69, %get3A_70] : memref<128x128xf32, #tpu.memory_space<vmem>>, vector<128x128xf32>
    %dot_general3A_72 = arith.constant dense<0.000000e+00> : vector<400x128xf32>
    %dot_general3A_73 = tpu.matmul %max3A_68, %get3A_71, %dot_general3A_72 {dimension_numbers = #tpu.dot_dimension_numbers<[1], [0], [0], [1], [0, 0, 1, 1], [], []>, transpose_lhs_hint = false} : vector<400x128xf32>, vector<128x128xf32>, vector<400x128xf32> -> vector<400x128xf32>
    %add3A_74 = arith.addf %dot_general3A_73, %add3A_57 : vector<400x128xf32>
    %max3A_75 = arith.constant 0.000000e+00 : f32
    %max3A_76 = vector.broadcast %max3A_75 : f32 to vector<400x128xf32>
    %max3A_77 = arith.maximumf %add3A_74, %max3A_76 : vector<400x128xf32>
    %slice3A = vector.extract_strided_slice %max3A_77 {offsets = [0, 0], sizes = [400, 100], strides = [1, 1]} : vector<400x128xf32> to vector<400x100xf32>
    %swap3A = arith.constant 0 : index
    %swap3A_78 = arith.constant 0 : index
    %swap3A_79 = vector.load %arg12[%swap3A, %swap3A_78] : memref<400x100xf32, #tpu.memory_space<vmem>>, vector<400x100xf32>
    tpu.vector_store %arg12[%swap3A, %swap3A_78], %slice3A {strides = array<i32>} : memref<400x100xf32, #tpu.memory_space<vmem>>, vector<400x100xf32>,
    return
  }
  func.func @transform_0(%arg0: i32) -> (i32, i32) {
    %c0_i32 = arith.constant 0 : i32
    %c0_i32_0 = arith.constant 0 : i32
    return %arg0, %c0_i32 : i32, i32
  }
  func.func @transform_1(%arg0: i32) -> (i32, i32) {
    %c0_i32 = arith.constant 0 : i32
    %c0_i32_0 = arith.constant 0 : i32
    return %arg0, %c0_i32 : i32, i32
  }
  func.func @transform_2(%arg0: i32) -> (i32, i32) {
    %add3A = arith.constant 0 : i32
    %add3A_0 = arith.addi %arg0, %add3A : i32
    %c0_i32 = arith.constant 0 : i32
    %c0_i32_1 = arith.constant 0 : i32
    return %add3A_0, %c0_i32 : i32, i32
  }
  func.func @transform_3(%arg0: i32) -> (i32, i32) {
    %add3A = arith.constant 0 : i32
    %add3A_0 = arith.addi %arg0, %add3A : i32
    %c0_i32 = arith.constant 0 : i32
    %c0_i32_1 = arith.constant 0 : i32
    return %add3A_0, %c0_i32 : i32, i32
  }
  func.func @transform_4(%arg0: i32) -> (i32, i32) {
    %c0_i32 = arith.constant 0 : i32
    %c0_i32_0 = arith.constant 0 : i32
    %c0_i32_1 = arith.constant 0 : i32
    return %c0_i32, %c0_i32_0 : i32, i32
  }
  func.func @transform_5(%arg0: i32) -> (i32, i32) {
    %c0_i32 = arith.constant 0 : i32
    %c0_i32_0 = arith.constant 0 : i32
    %c0_i32_1 = arith.constant 0 : i32
    return %c0_i32, %c0_i32_0 : i32, i32
  }
  func.func @transform_6(%arg0: i32) -> (i32, i32) {
    %c0_i32 = arith.constant 0 : i32
    %c0_i32_0 = arith.constant 0 : i32
    %c0_i32_1 = arith.constant 0 : i32
    return %c0_i32, %c0_i32_0 : i32, i32
  }
  func.func @transform_7(%arg0: i32) -> (i32, i32) {
    %c0_i32 = arith.constant 0 : i32
    %c0_i32_0 = arith.constant 0 : i32
    %c0_i32_1 = arith.constant 0 : i32
    return %c0_i32, %c0_i32_0 : i32, i32
  }
  func.func @transform_8(%arg0: i32) -> (i32, i32) {
    %c0_i32 = arith.constant 0 : i32
    %c0_i32_0 = arith.constant 0 : i32
    %c0_i32_1 = arith.constant 0 : i32
    return %c0_i32, %c0_i32_0 : i32, i32
  }
  func.func @transform_9(%arg0: i32) -> (i32, i32) {
    %c0_i32 = arith.constant 0 : i32
    %c0_i32_0 = arith.constant 0 : i32
    %c0_i32_1 = arith.constant 0 : i32
    return %c0_i32, %c0_i32_0 : i32, i32
  }
  func.func @transform_10(%arg0: i32) -> (i32, i32) {
    %c0_i32 = arith.constant 0 : i32
    %c0_i32_0 = arith.constant 0 : i32
    %c0_i32_1 = arith.constant 0 : i32
    return %c0_i32, %c0_i32_0 : i32, i32
  }
  func.func @transform_11(%arg0: i32) -> (i32, i32) {
    %c0_i32 = arith.constant 0 : i32
    %c0_i32_0 = arith.constant 0 : i32
    return %arg0, %c0_i32 : i32, i32
  }
}

module attributes {stable_mosaic.version = 14 : i64} {
  func.func @_enc_body(%arg0: i32, %arg1: memref<400x128xf32, #tpu.memory_space<vmem>>, %arg2: memref<6400x128xf32, #tpu.memory_space<vmem>>, %arg3: memref<400x100xf32, #tpu.memory_space<vmem>>, %arg4: memref<6400x1xf32, #tpu.memory_space<vmem>>, %arg5: memref<128x128xf32, #tpu.memory_space<vmem>>, %arg6: memref<1x128xf32, #tpu.memory_space<vmem>>, %arg7: memref<1x128xf32, #tpu.memory_space<vmem>>, %arg8: memref<1x128xf32, #tpu.memory_space<vmem>>, %arg9: memref<128x128xf32, #tpu.memory_space<vmem>>, %arg10: memref<128x128xf32, #tpu.memory_space<vmem>>, %arg11: memref<1x128xf32, #tpu.memory_space<vmem>>, %arg12: memref<400x100xf32, #tpu.memory_space<vmem>>) attributes {dimension_semantics = [#tpu.dimension_semantics<arbitrary>], iteration_bounds = array<i64: 32>, scalar_prefetch = 0 : i64, scratch_operands = 0 : i64, tpu.core_type = #tpu.core_type<tc>, window_params = [{transform_indices = @transform_0, window_bounds = array<i64: 400, 128>}, {transform_indices = @transform_1, window_bounds = array<i64: 6400, 128>}, {transform_indices = @transform_2, window_bounds = array<i64: 400, 100>}, {transform_indices = @transform_3, window_bounds = array<i64: 6400, 1>}, {pipeline_mode = #tpu.pipeline_mode<synchronous>, transform_indices = @transform_4, window_bounds = array<i64: 128, 128>}, {pipeline_mode = #tpu.pipeline_mode<synchronous>, transform_indices = @transform_5, window_bounds = array<i64: 1, 128>}, {pipeline_mode = #tpu.pipeline_mode<synchronous>, transform_indices = @transform_6, window_bounds = array<i64: 1, 128>}, {pipeline_mode = #tpu.pipeline_mode<synchronous>, transform_indices = @transform_7, window_bounds = array<i64: 1, 128>}, {pipeline_mode = #tpu.pipeline_mode<synchronous>, transform_indices = @transform_8, window_bounds = array<i64: 128, 128>}, {pipeline_mode = #tpu.pipeline_mode<synchronous>, transform_indices = @transform_9, window_bounds = array<i64: 128, 128>}, {pipeline_mode = #tpu.pipeline_mode<synchronous>, transform_indices = @transform_10, window_bounds = array<i64: 1, 128>}, {transform_indices = @transform_11, window_bounds = array<i64: 400, 100>}]} {
    %get3A = arith.constant 0 : index
    %get3A_0 = arith.constant 0 : index
    %get3A_1 = vector.load %arg2[%get3A, %get3A_0] : memref<6400x128xf32, #tpu.memory_space<vmem>>, vector<6400x128xf32>
    %get3A_2 = arith.constant 0 : index
    %get3A_3 = arith.constant 0 : index
    %get3A_4 = vector.load %arg3[%get3A_2, %get3A_3] : memref<400x100xf32, #tpu.memory_space<vmem>>, vector<400x100xf32>
    %broadcast_in_dim3A = arith.constant 0.000000e+00 : f32
    %broadcast_in_dim3A_5 = vector.broadcast %broadcast_in_dim3A : f32 to vector<400x28xf32>
    %concatenate3A = tpu.concatenate %get3A_4, %broadcast_in_dim3A_5 in 1 : vector<400x100xf32>, vector<400x28xf32> -> vector<400x128xf32>
    %broadcast_in_dim3A_6 = vector.shape_cast %concatenate3A : vector<400x128xf32> to vector<400x1x128xf32>
    %broadcast_in_dim3A_7 = vector.shape_cast %broadcast_in_dim3A_6 : vector<400x1x128xf32> to vector<400x1x128xf32>
    %broadcast_in_dim3A_8 = vector.broadcast %broadcast_in_dim3A_7 : vector<400x1x128xf32> to vector<400x16x128xf32>
    %reshape3A = vector.shape_cast %broadcast_in_dim3A_8 : vector<400x16x128xf32> to vector<6400x128xf32>
    %mul3A = arith.mulf %get3A_1, %reshape3A : vector<6400x128xf32>
    %get3A_9 = arith.constant 0 : index
    %get3A_10 = arith.constant 0 : index
    %get3A_11 = vector.load %arg5[%get3A_9, %get3A_10] : memref<128x128xf32, #tpu.memory_space<vmem>>, vector<128x128xf32>
    %dot_general3A = arith.constant dense<0.000000e+00> : vector<6400x128xf32>
    %dot_general3A_12 = tpu.matmul %mul3A, %get3A_11, %dot_general3A {dimension_numbers = #tpu.dot_dimension_numbers<[1], [0], [0], [1], [0, 0, 1, 1], [], []>, transpose_lhs_hint = false} : vector<6400x128xf32>, vector<128x128xf32>, vector<6400x128xf32> -> vector<6400x128xf32>
    %get3A_13 = arith.constant 0 : index
    %get3A_14 = arith.constant 0 : index
    %get3A_15 = vector.load %arg4[%get3A_13, %get3A_14] : memref<6400x1xf32, #tpu.memory_space<vmem>>, vector<6400x1xf32>
    %get3A_16 = arith.constant 0 : index
    %get3A_17 = arith.constant 0 : index
    %get3A_18 = vector.load %arg6[%get3A_16, %get3A_17] : memref<1x128xf32, #tpu.memory_space<vmem>>, vector<1x128xf32>
    %mul3A_19 = vector.broadcast %get3A_15 : vector<6400x1xf32> to vector<6400x128xf32>
    %mul3A_20 = vector.broadcast %get3A_18 : vector<1x128xf32> to vector<6400x128xf32>
    %mul3A_21 = arith.mulf %mul3A_19, %mul3A_20 : vector<6400x128xf32>
    %add3A = arith.addf %dot_general3A_12, %mul3A_21 : vector<6400x128xf32>
    %get3A_22 = arith.constant 0 : index
    %get3A_23 = arith.constant 0 : index
    %get3A_24 = vector.load %arg7[%get3A_22, %get3A_23] : memref<1x128xf32, #tpu.memory_space<vmem>>, vector<1x128xf32>
    %add3A_25 = vector.broadcast %get3A_24 : vector<1x128xf32> to vector<6400x128xf32>
    %add3A_26 = arith.addf %add3A, %add3A_25 : vector<6400x128xf32>
    %tanh3A = math.tanh %add3A_26 : vector<6400x128xf32>
    %get3A_27 = arith.constant 0 : index
    %get3A_28 = arith.constant 0 : index
    %get3A_29 = vector.load %arg8[%get3A_27, %get3A_28] : memref<1x128xf32, #tpu.memory_space<vmem>>, vector<1x128xf32>
    %mul3A_30 = vector.broadcast %get3A_29 : vector<1x128xf32> to vector<6400x128xf32>
    %mul3A_31 = arith.mulf %tanh3A, %mul3A_30 : vector<6400x128xf32>
    %reduce_sum3A = arith.constant dense<0.000000e+00> : vector<6400xf32>
    %reduce_sum3A_32 = vector.multi_reduction <add>, %mul3A_31, %reduce_sum3A [1] : vector<6400x128xf32> to vector<6400xf32>
    %broadcast_in_dim3A_33 = vector.shape_cast %reduce_sum3A_32 : vector<6400xf32> to vector<6400x1xf32>
    %reshape3A_34 = vector.shape_cast %broadcast_in_dim3A_33 : vector<6400x1xf32> to vector<400x16x1xf32>
    %reduce_max3A = arith.constant dense<0xFF800000> : vector<400x1xf32>
    %reduce_max3A_35 = vector.multi_reduction <maximumf>, %reshape3A_34, %reduce_max3A [1] : vector<400x16x1xf32> to vector<400x1xf32>
    %broadcast_in_dim3A_36 = vector.shape_cast %reduce_max3A_35 : vector<400x1xf32> to vector<400x1x1xf32>
    %sub3A = vector.broadcast %broadcast_in_dim3A_36 : vector<400x1x1xf32> to vector<400x16x1xf32>
    %sub3A_37 = arith.subf %reshape3A_34, %sub3A : vector<400x16x1xf32>
    %exp3A = math.exp %sub3A_37 : vector<400x16x1xf32>
    %reduce_sum3A_38 = arith.constant dense<0.000000e+00> : vector<400x1xf32>
    %reduce_sum3A_39 = vector.multi_reduction <add>, %exp3A, %reduce_sum3A_38 [1] : vector<400x16x1xf32> to vector<400x1xf32>
    %broadcast_in_dim3A_40 = vector.shape_cast %reduce_sum3A_39 : vector<400x1xf32> to vector<400x1x1xf32>
    %div3A = vector.broadcast %broadcast_in_dim3A_40 : vector<400x1x1xf32> to vector<400x16x1xf32>
    %div3A_41 = arith.divf %exp3A, %div3A : vector<400x16x1xf32>
    %reshape3A_42 = vector.shape_cast %div3A_41 : vector<400x16x1xf32> to vector<6400x1xf32>
    %mul3A_43 = vector.broadcast %reshape3A_42 : vector<6400x1xf32> to vector<6400x128xf32>
    %mul3A_44 = arith.mulf %mul3A_43, %get3A_1 : vector<6400x128xf32>
    %reshape3A_45 = vector.shape_cast %mul3A_44 : vector<6400x128xf32> to vector<400x16x128xf32>
    %reduce_sum3A_46 = arith.constant dense<0.000000e+00> : vector<400x128xf32>
    %reduce_sum3A_47 = vector.multi_reduction <add>, %reshape3A_45, %reduce_sum3A_46 [1] : vector<400x16x128xf32> to vector<400x128xf32>
    %get3A_48 = arith.constant 0 : index
    %get3A_49 = arith.constant 0 : index
    %get3A_50 = vector.load %arg10[%get3A_48, %get3A_49] : memref<128x128xf32, #tpu.memory_space<vmem>>, vector<128x128xf32>
    %dot_general3A_51 = arith.constant dense<0.000000e+00> : vector<400x128xf32>
    %dot_general3A_52 = tpu.matmul %reduce_sum3A_47, %get3A_50, %dot_general3A_51 {dimension_numbers = #tpu.dot_dimension_numbers<[1], [0], [0], [1], [0, 0, 1, 1], [], []>, transpose_lhs_hint = false} : vector<400x128xf32>, vector<128x128xf32>, vector<400x128xf32> -> vector<400x128xf32>
    %get3A_53 = arith.constant 0 : index
    %get3A_54 = arith.constant 0 : index
    %get3A_55 = vector.load %arg11[%get3A_53, %get3A_54] : memref<1x128xf32, #tpu.memory_space<vmem>>, vector<1x128xf32>
    %add3A_56 = vector.broadcast %get3A_55 : vector<1x128xf32> to vector<400x128xf32>
    %add3A_57 = arith.addf %dot_general3A_52, %add3A_56 : vector<400x128xf32>
    %get3A_58 = arith.constant 0 : index
    %get3A_59 = arith.constant 0 : index
    %get3A_60 = vector.load %arg1[%get3A_58, %get3A_59] : memref<400x128xf32, #tpu.memory_space<vmem>>, vector<400x128xf32>
    %get3A_61 = arith.constant 0 : index
    %get3A_62 = arith.constant 0 : index
    %get3A_63 = vector.load %arg9[%get3A_61, %get3A_62] : memref<128x128xf32, #tpu.memory_space<vmem>>, vector<128x128xf32>
    %dot_general3A_64 = arith.constant dense<0.000000e+00> : vector<400x128xf32>
    %dot_general3A_65 = tpu.matmul %get3A_60, %get3A_63, %dot_general3A_64 {dimension_numbers = #tpu.dot_dimension_numbers<[1], [0], [0], [1], [0, 0, 1, 1], [], []>, transpose_lhs_hint = false} : vector<400x128xf32>, vector<128x128xf32>, vector<400x128xf32> -> vector<400x128xf32>
    %add3A_66 = arith.addf %dot_general3A_65, %add3A_57 : vector<400x128xf32>
    %max3A = arith.constant 0.000000e+00 : f32
    %max3A_67 = vector.broadcast %max3A : f32 to vector<400x128xf32>
    %max3A_68 = arith.maximumf %add3A_66, %max3A_67 : vector<400x128xf32>
    %get3A_69 = arith.constant 0 : index
    %get3A_70 = arith.constant 0 : index
    %get3A_71 = vector.load %arg9[%get3A_69, %get3A_70] : memref<128x128xf32, #tpu.memory_space<vmem>>, vector<128x128xf32>
    %dot_general3A_72 = arith.constant dense<0.000000e+00> : vector<400x128xf32>
    %dot_general3A_73 = tpu.matmul %max3A_68, %get3A_71, %dot_general3A_72 {dimension_numbers = #tpu.dot_dimension_numbers<[1], [0], [0], [1], [0, 0, 1, 1], [], []>, transpose_lhs_hint = false} : vector<400x128xf32>, vector<128x128xf32>, vector<400x128xf32> -> vector<400x128xf32>
    %add3A_74 = arith.addf %dot_general3A_73, %add3A_57 : vector<400x128xf32>
    %max3A_75 = arith.constant 0.000000e+00 : f32
    %max3A_76 = vector.broadcast %max3A_75 : f32 to vector<400x128xf32>
    %max3A_77 = arith.maximumf %add3A_74, %max3A_76 : vector<400x128xf32>
    %slice3A = vector.extract_strided_slice %max3A_77 {offsets = [0, 0], sizes = [400, 100], strides = [1, 1]} : vector<400x128xf32> to vector<400x100xf32>
    %swap3A = arith.constant 0 : index
    %swap3A_78 = arith.constant 0 : index
    %swap3A_79 = vector.load %arg12[%swap3A, %swap3A_78] : memref<400x100xf32, #tpu.memory_space<vmem>>, vector<400x100xf32>
    tpu.vector_store %arg12[%swap3A, %swap3A_78], %slice3A {strides = array<i32>} : memref<400x100xf32, #tpu.memory_space<vmem>>, vector<400x100xf32>,
    return
  }
  func.func @transform_0(%arg0: i32) -> (i32, i32) {
    %c0_i32 = arith.constant 0 : i32
    %c0_i32_0 = arith.constant 0 : i32
    return %arg0, %c0_i32 : i32, i32
  }
  func.func @transform_1(%arg0: i32) -> (i32, i32) {
    %c0_i32 = arith.constant 0 : i32
    %c0_i32_0 = arith.constant 0 : i32
    return %arg0, %c0_i32 : i32, i32
  }
  func.func @transform_2(%arg0: i32) -> (i32, i32) {
    %add3A = arith.constant 40 : i32
    %add3A_0 = arith.addi %arg0, %add3A : i32
    %c0_i32 = arith.constant 0 : i32
    %c0_i32_1 = arith.constant 0 : i32
    return %add3A_0, %c0_i32 : i32, i32
  }
  func.func @transform_3(%arg0: i32) -> (i32, i32) {
    %add3A = arith.constant 40 : i32
    %add3A_0 = arith.addi %arg0, %add3A : i32
    %c0_i32 = arith.constant 0 : i32
    %c0_i32_1 = arith.constant 0 : i32
    return %add3A_0, %c0_i32 : i32, i32
  }
  func.func @transform_4(%arg0: i32) -> (i32, i32) {
    %c0_i32 = arith.constant 0 : i32
    %c0_i32_0 = arith.constant 0 : i32
    %c0_i32_1 = arith.constant 0 : i32
    return %c0_i32, %c0_i32_0 : i32, i32
  }
  func.func @transform_5(%arg0: i32) -> (i32, i32) {
    %c0_i32 = arith.constant 0 : i32
    %c0_i32_0 = arith.constant 0 : i32
    %c0_i32_1 = arith.constant 0 : i32
    return %c0_i32, %c0_i32_0 : i32, i32
  }
  func.func @transform_6(%arg0: i32) -> (i32, i32) {
    %c0_i32 = arith.constant 0 : i32
    %c0_i32_0 = arith.constant 0 : i32
    %c0_i32_1 = arith.constant 0 : i32
    return %c0_i32, %c0_i32_0 : i32, i32
  }
  func.func @transform_7(%arg0: i32) -> (i32, i32) {
    %c0_i32 = arith.constant 0 : i32
    %c0_i32_0 = arith.constant 0 : i32
    %c0_i32_1 = arith.constant 0 : i32
    return %c0_i32, %c0_i32_0 : i32, i32
  }
  func.func @transform_8(%arg0: i32) -> (i32, i32) {
    %c0_i32 = arith.constant 0 : i32
    %c0_i32_0 = arith.constant 0 : i32
    %c0_i32_1 = arith.constant 0 : i32
    return %c0_i32, %c0_i32_0 : i32, i32
  }
  func.func @transform_9(%arg0: i32) -> (i32, i32) {
    %c0_i32 = arith.constant 0 : i32
    %c0_i32_0 = arith.constant 0 : i32
    %c0_i32_1 = arith.constant 0 : i32
    return %c0_i32, %c0_i32_0 : i32, i32
  }
  func.func @transform_10(%arg0: i32) -> (i32, i32) {
    %c0_i32 = arith.constant 0 : i32
    %c0_i32_0 = arith.constant 0 : i32
    %c0_i32_1 = arith.constant 0 : i32
    return %c0_i32, %c0_i32_0 : i32, i32
  }
  func.func @transform_11(%arg0: i32) -> (i32, i32) {
    %c0_i32 = arith.constant 0 : i32
    %c0_i32_0 = arith.constant 0 : i32
    return %arg0, %c0_i32 : i32, i32
  }
}

module attributes {stable_mosaic.version = 14 : i64} {
  func.func @_enc_body(%arg0: i32, %arg1: memref<400x128xf32, #tpu.memory_space<vmem>>, %arg2: memref<6400x128xf32, #tpu.memory_space<vmem>>, %arg3: memref<400x100xf32, #tpu.memory_space<vmem>>, %arg4: memref<6400x1xf32, #tpu.memory_space<vmem>>, %arg5: memref<128x128xf32, #tpu.memory_space<vmem>>, %arg6: memref<1x128xf32, #tpu.memory_space<vmem>>, %arg7: memref<1x128xf32, #tpu.memory_space<vmem>>, %arg8: memref<1x128xf32, #tpu.memory_space<vmem>>, %arg9: memref<128x128xf32, #tpu.memory_space<vmem>>, %arg10: memref<128x128xf32, #tpu.memory_space<vmem>>, %arg11: memref<1x128xf32, #tpu.memory_space<vmem>>, %arg12: memref<400x100xf32, #tpu.memory_space<vmem>>) attributes {dimension_semantics = [#tpu.dimension_semantics<arbitrary>], iteration_bounds = array<i64: 40>, scalar_prefetch = 0 : i64, scratch_operands = 0 : i64, tpu.core_type = #tpu.core_type<tc>, window_params = [{transform_indices = @transform_0, window_bounds = array<i64: 400, 128>}, {transform_indices = @transform_1, window_bounds = array<i64: 6400, 128>}, {transform_indices = @transform_2, window_bounds = array<i64: 400, 100>}, {transform_indices = @transform_3, window_bounds = array<i64: 6400, 1>}, {pipeline_mode = #tpu.pipeline_mode<synchronous>, transform_indices = @transform_4, window_bounds = array<i64: 128, 128>}, {pipeline_mode = #tpu.pipeline_mode<synchronous>, transform_indices = @transform_5, window_bounds = array<i64: 1, 128>}, {pipeline_mode = #tpu.pipeline_mode<synchronous>, transform_indices = @transform_6, window_bounds = array<i64: 1, 128>}, {pipeline_mode = #tpu.pipeline_mode<synchronous>, transform_indices = @transform_7, window_bounds = array<i64: 1, 128>}, {pipeline_mode = #tpu.pipeline_mode<synchronous>, transform_indices = @transform_8, window_bounds = array<i64: 128, 128>}, {pipeline_mode = #tpu.pipeline_mode<synchronous>, transform_indices = @transform_9, window_bounds = array<i64: 128, 128>}, {pipeline_mode = #tpu.pipeline_mode<synchronous>, transform_indices = @transform_10, window_bounds = array<i64: 1, 128>}, {transform_indices = @transform_11, window_bounds = array<i64: 400, 100>}]} {
    %get3A = arith.constant 0 : index
    %get3A_0 = arith.constant 0 : index
    %get3A_1 = vector.load %arg2[%get3A, %get3A_0] : memref<6400x128xf32, #tpu.memory_space<vmem>>, vector<6400x128xf32>
    %get3A_2 = arith.constant 0 : index
    %get3A_3 = arith.constant 0 : index
    %get3A_4 = vector.load %arg3[%get3A_2, %get3A_3] : memref<400x100xf32, #tpu.memory_space<vmem>>, vector<400x100xf32>
    %broadcast_in_dim3A = arith.constant 0.000000e+00 : f32
    %broadcast_in_dim3A_5 = vector.broadcast %broadcast_in_dim3A : f32 to vector<400x28xf32>
    %concatenate3A = tpu.concatenate %get3A_4, %broadcast_in_dim3A_5 in 1 : vector<400x100xf32>, vector<400x28xf32> -> vector<400x128xf32>
    %broadcast_in_dim3A_6 = vector.shape_cast %concatenate3A : vector<400x128xf32> to vector<400x1x128xf32>
    %broadcast_in_dim3A_7 = vector.shape_cast %broadcast_in_dim3A_6 : vector<400x1x128xf32> to vector<400x1x128xf32>
    %broadcast_in_dim3A_8 = vector.broadcast %broadcast_in_dim3A_7 : vector<400x1x128xf32> to vector<400x16x128xf32>
    %reshape3A = vector.shape_cast %broadcast_in_dim3A_8 : vector<400x16x128xf32> to vector<6400x128xf32>
    %mul3A = arith.mulf %get3A_1, %reshape3A : vector<6400x128xf32>
    %get3A_9 = arith.constant 0 : index
    %get3A_10 = arith.constant 0 : index
    %get3A_11 = vector.load %arg5[%get3A_9, %get3A_10] : memref<128x128xf32, #tpu.memory_space<vmem>>, vector<128x128xf32>
    %dot_general3A = arith.constant dense<0.000000e+00> : vector<6400x128xf32>
    %dot_general3A_12 = tpu.matmul %mul3A, %get3A_11, %dot_general3A {dimension_numbers = #tpu.dot_dimension_numbers<[1], [0], [0], [1], [0, 0, 1, 1], [], []>, transpose_lhs_hint = false} : vector<6400x128xf32>, vector<128x128xf32>, vector<6400x128xf32> -> vector<6400x128xf32>
    %get3A_13 = arith.constant 0 : index
    %get3A_14 = arith.constant 0 : index
    %get3A_15 = vector.load %arg4[%get3A_13, %get3A_14] : memref<6400x1xf32, #tpu.memory_space<vmem>>, vector<6400x1xf32>
    %get3A_16 = arith.constant 0 : index
    %get3A_17 = arith.constant 0 : index
    %get3A_18 = vector.load %arg6[%get3A_16, %get3A_17] : memref<1x128xf32, #tpu.memory_space<vmem>>, vector<1x128xf32>
    %mul3A_19 = vector.broadcast %get3A_15 : vector<6400x1xf32> to vector<6400x128xf32>
    %mul3A_20 = vector.broadcast %get3A_18 : vector<1x128xf32> to vector<6400x128xf32>
    %mul3A_21 = arith.mulf %mul3A_19, %mul3A_20 : vector<6400x128xf32>
    %add3A = arith.addf %dot_general3A_12, %mul3A_21 : vector<6400x128xf32>
    %get3A_22 = arith.constant 0 : index
    %get3A_23 = arith.constant 0 : index
    %get3A_24 = vector.load %arg7[%get3A_22, %get3A_23] : memref<1x128xf32, #tpu.memory_space<vmem>>, vector<1x128xf32>
    %add3A_25 = vector.broadcast %get3A_24 : vector<1x128xf32> to vector<6400x128xf32>
    %add3A_26 = arith.addf %add3A, %add3A_25 : vector<6400x128xf32>
    %tanh3A = math.tanh %add3A_26 : vector<6400x128xf32>
    %get3A_27 = arith.constant 0 : index
    %get3A_28 = arith.constant 0 : index
    %get3A_29 = vector.load %arg8[%get3A_27, %get3A_28] : memref<1x128xf32, #tpu.memory_space<vmem>>, vector<1x128xf32>
    %mul3A_30 = vector.broadcast %get3A_29 : vector<1x128xf32> to vector<6400x128xf32>
    %mul3A_31 = arith.mulf %tanh3A, %mul3A_30 : vector<6400x128xf32>
    %reduce_sum3A = arith.constant dense<0.000000e+00> : vector<6400xf32>
    %reduce_sum3A_32 = vector.multi_reduction <add>, %mul3A_31, %reduce_sum3A [1] : vector<6400x128xf32> to vector<6400xf32>
    %broadcast_in_dim3A_33 = vector.shape_cast %reduce_sum3A_32 : vector<6400xf32> to vector<6400x1xf32>
    %reshape3A_34 = vector.shape_cast %broadcast_in_dim3A_33 : vector<6400x1xf32> to vector<400x16x1xf32>
    %reduce_max3A = arith.constant dense<0xFF800000> : vector<400x1xf32>
    %reduce_max3A_35 = vector.multi_reduction <maximumf>, %reshape3A_34, %reduce_max3A [1] : vector<400x16x1xf32> to vector<400x1xf32>
    %broadcast_in_dim3A_36 = vector.shape_cast %reduce_max3A_35 : vector<400x1xf32> to vector<400x1x1xf32>
    %sub3A = vector.broadcast %broadcast_in_dim3A_36 : vector<400x1x1xf32> to vector<400x16x1xf32>
    %sub3A_37 = arith.subf %reshape3A_34, %sub3A : vector<400x16x1xf32>
    %exp3A = math.exp %sub3A_37 : vector<400x16x1xf32>
    %reduce_sum3A_38 = arith.constant dense<0.000000e+00> : vector<400x1xf32>
    %reduce_sum3A_39 = vector.multi_reduction <add>, %exp3A, %reduce_sum3A_38 [1] : vector<400x16x1xf32> to vector<400x1xf32>
    %broadcast_in_dim3A_40 = vector.shape_cast %reduce_sum3A_39 : vector<400x1xf32> to vector<400x1x1xf32>
    %div3A = vector.broadcast %broadcast_in_dim3A_40 : vector<400x1x1xf32> to vector<400x16x1xf32>
    %div3A_41 = arith.divf %exp3A, %div3A : vector<400x16x1xf32>
    %reshape3A_42 = vector.shape_cast %div3A_41 : vector<400x16x1xf32> to vector<6400x1xf32>
    %mul3A_43 = vector.broadcast %reshape3A_42 : vector<6400x1xf32> to vector<6400x128xf32>
    %mul3A_44 = arith.mulf %mul3A_43, %get3A_1 : vector<6400x128xf32>
    %reshape3A_45 = vector.shape_cast %mul3A_44 : vector<6400x128xf32> to vector<400x16x128xf32>
    %reduce_sum3A_46 = arith.constant dense<0.000000e+00> : vector<400x128xf32>
    %reduce_sum3A_47 = vector.multi_reduction <add>, %reshape3A_45, %reduce_sum3A_46 [1] : vector<400x16x128xf32> to vector<400x128xf32>
    %get3A_48 = arith.constant 0 : index
    %get3A_49 = arith.constant 0 : index
    %get3A_50 = vector.load %arg10[%get3A_48, %get3A_49] : memref<128x128xf32, #tpu.memory_space<vmem>>, vector<128x128xf32>
    %dot_general3A_51 = arith.constant dense<0.000000e+00> : vector<400x128xf32>
    %dot_general3A_52 = tpu.matmul %reduce_sum3A_47, %get3A_50, %dot_general3A_51 {dimension_numbers = #tpu.dot_dimension_numbers<[1], [0], [0], [1], [0, 0, 1, 1], [], []>, transpose_lhs_hint = false} : vector<400x128xf32>, vector<128x128xf32>, vector<400x128xf32> -> vector<400x128xf32>
    %get3A_53 = arith.constant 0 : index
    %get3A_54 = arith.constant 0 : index
    %get3A_55 = vector.load %arg11[%get3A_53, %get3A_54] : memref<1x128xf32, #tpu.memory_space<vmem>>, vector<1x128xf32>
    %add3A_56 = vector.broadcast %get3A_55 : vector<1x128xf32> to vector<400x128xf32>
    %add3A_57 = arith.addf %dot_general3A_52, %add3A_56 : vector<400x128xf32>
    %get3A_58 = arith.constant 0 : index
    %get3A_59 = arith.constant 0 : index
    %get3A_60 = vector.load %arg1[%get3A_58, %get3A_59] : memref<400x128xf32, #tpu.memory_space<vmem>>, vector<400x128xf32>
    %get3A_61 = arith.constant 0 : index
    %get3A_62 = arith.constant 0 : index
    %get3A_63 = vector.load %arg9[%get3A_61, %get3A_62] : memref<128x128xf32, #tpu.memory_space<vmem>>, vector<128x128xf32>
    %dot_general3A_64 = arith.constant dense<0.000000e+00> : vector<400x128xf32>
    %dot_general3A_65 = tpu.matmul %get3A_60, %get3A_63, %dot_general3A_64 {dimension_numbers = #tpu.dot_dimension_numbers<[1], [0], [0], [1], [0, 0, 1, 1], [], []>, transpose_lhs_hint = false} : vector<400x128xf32>, vector<128x128xf32>, vector<400x128xf32> -> vector<400x128xf32>
    %add3A_66 = arith.addf %dot_general3A_65, %add3A_57 : vector<400x128xf32>
    %max3A = arith.constant 0.000000e+00 : f32
    %max3A_67 = vector.broadcast %max3A : f32 to vector<400x128xf32>
    %max3A_68 = arith.maximumf %add3A_66, %max3A_67 : vector<400x128xf32>
    %get3A_69 = arith.constant 0 : index
    %get3A_70 = arith.constant 0 : index
    %get3A_71 = vector.load %arg9[%get3A_69, %get3A_70] : memref<128x128xf32, #tpu.memory_space<vmem>>, vector<128x128xf32>
    %dot_general3A_72 = arith.constant dense<0.000000e+00> : vector<400x128xf32>
    %dot_general3A_73 = tpu.matmul %max3A_68, %get3A_71, %dot_general3A_72 {dimension_numbers = #tpu.dot_dimension_numbers<[1], [0], [0], [1], [0, 0, 1, 1], [], []>, transpose_lhs_hint = false} : vector<400x128xf32>, vector<128x128xf32>, vector<400x128xf32> -> vector<400x128xf32>
    %add3A_74 = arith.addf %dot_general3A_73, %add3A_57 : vector<400x128xf32>
    %max3A_75 = arith.constant 0.000000e+00 : f32
    %max3A_76 = vector.broadcast %max3A_75 : f32 to vector<400x128xf32>
    %max3A_77 = arith.maximumf %add3A_74, %max3A_76 : vector<400x128xf32>
    %slice3A = vector.extract_strided_slice %max3A_77 {offsets = [0, 0], sizes = [400, 100], strides = [1, 1]} : vector<400x128xf32> to vector<400x100xf32>
    %swap3A = arith.constant 0 : index
    %swap3A_78 = arith.constant 0 : index
    %swap3A_79 = vector.load %arg12[%swap3A, %swap3A_78] : memref<400x100xf32, #tpu.memory_space<vmem>>, vector<400x100xf32>
    tpu.vector_store %arg12[%swap3A, %swap3A_78], %slice3A {strides = array<i32>} : memref<400x100xf32, #tpu.memory_space<vmem>>, vector<400x100xf32>,
    return
  }
  func.func @transform_0(%arg0: i32) -> (i32, i32) {
    %c0_i32 = arith.constant 0 : i32
    %c0_i32_0 = arith.constant 0 : i32
    return %arg0, %c0_i32 : i32, i32
  }
  func.func @transform_1(%arg0: i32) -> (i32, i32) {
    %c0_i32 = arith.constant 0 : i32
    %c0_i32_0 = arith.constant 0 : i32
    return %arg0, %c0_i32 : i32, i32
  }
  func.func @transform_2(%arg0: i32) -> (i32, i32) {
    %add3A = arith.constant 72 : i32
    %add3A_0 = arith.addi %arg0, %add3A : i32
    %c0_i32 = arith.constant 0 : i32
    %c0_i32_1 = arith.constant 0 : i32
    return %add3A_0, %c0_i32 : i32, i32
  }
  func.func @transform_3(%arg0: i32) -> (i32, i32) {
    %add3A = arith.constant 72 : i32
    %add3A_0 = arith.addi %arg0, %add3A : i32
    %c0_i32 = arith.constant 0 : i32
    %c0_i32_1 = arith.constant 0 : i32
    return %add3A_0, %c0_i32 : i32, i32
  }
  func.func @transform_4(%arg0: i32) -> (i32, i32) {
    %c0_i32 = arith.constant 0 : i32
    %c0_i32_0 = arith.constant 0 : i32
    %c0_i32_1 = arith.constant 0 : i32
    return %c0_i32, %c0_i32_0 : i32, i32
  }
  func.func @transform_5(%arg0: i32) -> (i32, i32) {
    %c0_i32 = arith.constant 0 : i32
    %c0_i32_0 = arith.constant 0 : i32
    %c0_i32_1 = arith.constant 0 : i32
    return %c0_i32, %c0_i32_0 : i32, i32
  }
  func.func @transform_6(%arg0: i32) -> (i32, i32) {
    %c0_i32 = arith.constant 0 : i32
    %c0_i32_0 = arith.constant 0 : i32
    %c0_i32_1 = arith.constant 0 : i32
    return %c0_i32, %c0_i32_0 : i32, i32
  }
  func.func @transform_7(%arg0: i32) -> (i32, i32) {
    %c0_i32 = arith.constant 0 : i32
    %c0_i32_0 = arith.constant 0 : i32
    %c0_i32_1 = arith.constant 0 : i32
    return %c0_i32, %c0_i32_0 : i32, i32
  }
  func.func @transform_8(%arg0: i32) -> (i32, i32) {
    %c0_i32 = arith.constant 0 : i32
    %c0_i32_0 = arith.constant 0 : i32
    %c0_i32_1 = arith.constant 0 : i32
    return %c0_i32, %c0_i32_0 : i32, i32
  }
  func.func @transform_9(%arg0: i32) -> (i32, i32) {
    %c0_i32 = arith.constant 0 : i32
    %c0_i32_0 = arith.constant 0 : i32
    %c0_i32_1 = arith.constant 0 : i32
    return %c0_i32, %c0_i32_0 : i32, i32
  }
  func.func @transform_10(%arg0: i32) -> (i32, i32) {
    %c0_i32 = arith.constant 0 : i32
    %c0_i32_0 = arith.constant 0 : i32
    %c0_i32_1 = arith.constant 0 : i32
    return %c0_i32, %c0_i32_0 : i32, i32
  }
  func.func @transform_11(%arg0: i32) -> (i32, i32) {
    %c0_i32 = arith.constant 0 : i32
    %c0_i32_0 = arith.constant 0 : i32
    return %arg0, %c0_i32 : i32, i32
  }
}

module attributes {stable_mosaic.version = 14 : i64} {
  func.func @_enc_body(%arg0: i32, %arg1: memref<400x128xf32, #tpu.memory_space<vmem>>, %arg2: memref<6400x128xf32, #tpu.memory_space<vmem>>, %arg3: memref<400x100xf32, #tpu.memory_space<vmem>>, %arg4: memref<6400x1xf32, #tpu.memory_space<vmem>>, %arg5: memref<128x128xf32, #tpu.memory_space<vmem>>, %arg6: memref<1x128xf32, #tpu.memory_space<vmem>>, %arg7: memref<1x128xf32, #tpu.memory_space<vmem>>, %arg8: memref<1x128xf32, #tpu.memory_space<vmem>>, %arg9: memref<128x128xf32, #tpu.memory_space<vmem>>, %arg10: memref<128x128xf32, #tpu.memory_space<vmem>>, %arg11: memref<1x128xf32, #tpu.memory_space<vmem>>, %arg12: memref<400x100xf32, #tpu.memory_space<vmem>>) attributes {dimension_semantics = [#tpu.dimension_semantics<arbitrary>], iteration_bounds = array<i64: 13>, scalar_prefetch = 0 : i64, scratch_operands = 0 : i64, tpu.core_type = #tpu.core_type<tc>, window_params = [{transform_indices = @transform_0, window_bounds = array<i64: 400, 128>}, {transform_indices = @transform_1, window_bounds = array<i64: 6400, 128>}, {transform_indices = @transform_2, window_bounds = array<i64: 400, 100>}, {transform_indices = @transform_3, window_bounds = array<i64: 6400, 1>}, {pipeline_mode = #tpu.pipeline_mode<synchronous>, transform_indices = @transform_4, window_bounds = array<i64: 128, 128>}, {pipeline_mode = #tpu.pipeline_mode<synchronous>, transform_indices = @transform_5, window_bounds = array<i64: 1, 128>}, {pipeline_mode = #tpu.pipeline_mode<synchronous>, transform_indices = @transform_6, window_bounds = array<i64: 1, 128>}, {pipeline_mode = #tpu.pipeline_mode<synchronous>, transform_indices = @transform_7, window_bounds = array<i64: 1, 128>}, {pipeline_mode = #tpu.pipeline_mode<synchronous>, transform_indices = @transform_8, window_bounds = array<i64: 128, 128>}, {pipeline_mode = #tpu.pipeline_mode<synchronous>, transform_indices = @transform_9, window_bounds = array<i64: 128, 128>}, {pipeline_mode = #tpu.pipeline_mode<synchronous>, transform_indices = @transform_10, window_bounds = array<i64: 1, 128>}, {transform_indices = @transform_11, window_bounds = array<i64: 400, 100>}]} {
    %get3A = arith.constant 0 : index
    %get3A_0 = arith.constant 0 : index
    %get3A_1 = vector.load %arg2[%get3A, %get3A_0] : memref<6400x128xf32, #tpu.memory_space<vmem>>, vector<6400x128xf32>
    %get3A_2 = arith.constant 0 : index
    %get3A_3 = arith.constant 0 : index
    %get3A_4 = vector.load %arg3[%get3A_2, %get3A_3] : memref<400x100xf32, #tpu.memory_space<vmem>>, vector<400x100xf32>
    %broadcast_in_dim3A = arith.constant 0.000000e+00 : f32
    %broadcast_in_dim3A_5 = vector.broadcast %broadcast_in_dim3A : f32 to vector<400x28xf32>
    %concatenate3A = tpu.concatenate %get3A_4, %broadcast_in_dim3A_5 in 1 : vector<400x100xf32>, vector<400x28xf32> -> vector<400x128xf32>
    %broadcast_in_dim3A_6 = vector.shape_cast %concatenate3A : vector<400x128xf32> to vector<400x1x128xf32>
    %broadcast_in_dim3A_7 = vector.shape_cast %broadcast_in_dim3A_6 : vector<400x1x128xf32> to vector<400x1x128xf32>
    %broadcast_in_dim3A_8 = vector.broadcast %broadcast_in_dim3A_7 : vector<400x1x128xf32> to vector<400x16x128xf32>
    %reshape3A = vector.shape_cast %broadcast_in_dim3A_8 : vector<400x16x128xf32> to vector<6400x128xf32>
    %mul3A = arith.mulf %get3A_1, %reshape3A : vector<6400x128xf32>
    %get3A_9 = arith.constant 0 : index
    %get3A_10 = arith.constant 0 : index
    %get3A_11 = vector.load %arg5[%get3A_9, %get3A_10] : memref<128x128xf32, #tpu.memory_space<vmem>>, vector<128x128xf32>
    %dot_general3A = arith.constant dense<0.000000e+00> : vector<6400x128xf32>
    %dot_general3A_12 = tpu.matmul %mul3A, %get3A_11, %dot_general3A {dimension_numbers = #tpu.dot_dimension_numbers<[1], [0], [0], [1], [0, 0, 1, 1], [], []>, transpose_lhs_hint = false} : vector<6400x128xf32>, vector<128x128xf32>, vector<6400x128xf32> -> vector<6400x128xf32>
    %get3A_13 = arith.constant 0 : index
    %get3A_14 = arith.constant 0 : index
    %get3A_15 = vector.load %arg4[%get3A_13, %get3A_14] : memref<6400x1xf32, #tpu.memory_space<vmem>>, vector<6400x1xf32>
    %get3A_16 = arith.constant 0 : index
    %get3A_17 = arith.constant 0 : index
    %get3A_18 = vector.load %arg6[%get3A_16, %get3A_17] : memref<1x128xf32, #tpu.memory_space<vmem>>, vector<1x128xf32>
    %mul3A_19 = vector.broadcast %get3A_15 : vector<6400x1xf32> to vector<6400x128xf32>
    %mul3A_20 = vector.broadcast %get3A_18 : vector<1x128xf32> to vector<6400x128xf32>
    %mul3A_21 = arith.mulf %mul3A_19, %mul3A_20 : vector<6400x128xf32>
    %add3A = arith.addf %dot_general3A_12, %mul3A_21 : vector<6400x128xf32>
    %get3A_22 = arith.constant 0 : index
    %get3A_23 = arith.constant 0 : index
    %get3A_24 = vector.load %arg7[%get3A_22, %get3A_23] : memref<1x128xf32, #tpu.memory_space<vmem>>, vector<1x128xf32>
    %add3A_25 = vector.broadcast %get3A_24 : vector<1x128xf32> to vector<6400x128xf32>
    %add3A_26 = arith.addf %add3A, %add3A_25 : vector<6400x128xf32>
    %tanh3A = math.tanh %add3A_26 : vector<6400x128xf32>
    %get3A_27 = arith.constant 0 : index
    %get3A_28 = arith.constant 0 : index
    %get3A_29 = vector.load %arg8[%get3A_27, %get3A_28] : memref<1x128xf32, #tpu.memory_space<vmem>>, vector<1x128xf32>
    %mul3A_30 = vector.broadcast %get3A_29 : vector<1x128xf32> to vector<6400x128xf32>
    %mul3A_31 = arith.mulf %tanh3A, %mul3A_30 : vector<6400x128xf32>
    %reduce_sum3A = arith.constant dense<0.000000e+00> : vector<6400xf32>
    %reduce_sum3A_32 = vector.multi_reduction <add>, %mul3A_31, %reduce_sum3A [1] : vector<6400x128xf32> to vector<6400xf32>
    %broadcast_in_dim3A_33 = vector.shape_cast %reduce_sum3A_32 : vector<6400xf32> to vector<6400x1xf32>
    %reshape3A_34 = vector.shape_cast %broadcast_in_dim3A_33 : vector<6400x1xf32> to vector<400x16x1xf32>
    %reduce_max3A = arith.constant dense<0xFF800000> : vector<400x1xf32>
    %reduce_max3A_35 = vector.multi_reduction <maximumf>, %reshape3A_34, %reduce_max3A [1] : vector<400x16x1xf32> to vector<400x1xf32>
    %broadcast_in_dim3A_36 = vector.shape_cast %reduce_max3A_35 : vector<400x1xf32> to vector<400x1x1xf32>
    %sub3A = vector.broadcast %broadcast_in_dim3A_36 : vector<400x1x1xf32> to vector<400x16x1xf32>
    %sub3A_37 = arith.subf %reshape3A_34, %sub3A : vector<400x16x1xf32>
    %exp3A = math.exp %sub3A_37 : vector<400x16x1xf32>
    %reduce_sum3A_38 = arith.constant dense<0.000000e+00> : vector<400x1xf32>
    %reduce_sum3A_39 = vector.multi_reduction <add>, %exp3A, %reduce_sum3A_38 [1] : vector<400x16x1xf32> to vector<400x1xf32>
    %broadcast_in_dim3A_40 = vector.shape_cast %reduce_sum3A_39 : vector<400x1xf32> to vector<400x1x1xf32>
    %div3A = vector.broadcast %broadcast_in_dim3A_40 : vector<400x1x1xf32> to vector<400x16x1xf32>
    %div3A_41 = arith.divf %exp3A, %div3A : vector<400x16x1xf32>
    %reshape3A_42 = vector.shape_cast %div3A_41 : vector<400x16x1xf32> to vector<6400x1xf32>
    %mul3A_43 = vector.broadcast %reshape3A_42 : vector<6400x1xf32> to vector<6400x128xf32>
    %mul3A_44 = arith.mulf %mul3A_43, %get3A_1 : vector<6400x128xf32>
    %reshape3A_45 = vector.shape_cast %mul3A_44 : vector<6400x128xf32> to vector<400x16x128xf32>
    %reduce_sum3A_46 = arith.constant dense<0.000000e+00> : vector<400x128xf32>
    %reduce_sum3A_47 = vector.multi_reduction <add>, %reshape3A_45, %reduce_sum3A_46 [1] : vector<400x16x128xf32> to vector<400x128xf32>
    %get3A_48 = arith.constant 0 : index
    %get3A_49 = arith.constant 0 : index
    %get3A_50 = vector.load %arg10[%get3A_48, %get3A_49] : memref<128x128xf32, #tpu.memory_space<vmem>>, vector<128x128xf32>
    %dot_general3A_51 = arith.constant dense<0.000000e+00> : vector<400x128xf32>
    %dot_general3A_52 = tpu.matmul %reduce_sum3A_47, %get3A_50, %dot_general3A_51 {dimension_numbers = #tpu.dot_dimension_numbers<[1], [0], [0], [1], [0, 0, 1, 1], [], []>, transpose_lhs_hint = false} : vector<400x128xf32>, vector<128x128xf32>, vector<400x128xf32> -> vector<400x128xf32>
    %get3A_53 = arith.constant 0 : index
    %get3A_54 = arith.constant 0 : index
    %get3A_55 = vector.load %arg11[%get3A_53, %get3A_54] : memref<1x128xf32, #tpu.memory_space<vmem>>, vector<1x128xf32>
    %add3A_56 = vector.broadcast %get3A_55 : vector<1x128xf32> to vector<400x128xf32>
    %add3A_57 = arith.addf %dot_general3A_52, %add3A_56 : vector<400x128xf32>
    %get3A_58 = arith.constant 0 : index
    %get3A_59 = arith.constant 0 : index
    %get3A_60 = vector.load %arg1[%get3A_58, %get3A_59] : memref<400x128xf32, #tpu.memory_space<vmem>>, vector<400x128xf32>
    %get3A_61 = arith.constant 0 : index
    %get3A_62 = arith.constant 0 : index
    %get3A_63 = vector.load %arg9[%get3A_61, %get3A_62] : memref<128x128xf32, #tpu.memory_space<vmem>>, vector<128x128xf32>
    %dot_general3A_64 = arith.constant dense<0.000000e+00> : vector<400x128xf32>
    %dot_general3A_65 = tpu.matmul %get3A_60, %get3A_63, %dot_general3A_64 {dimension_numbers = #tpu.dot_dimension_numbers<[1], [0], [0], [1], [0, 0, 1, 1], [], []>, transpose_lhs_hint = false} : vector<400x128xf32>, vector<128x128xf32>, vector<400x128xf32> -> vector<400x128xf32>
    %add3A_66 = arith.addf %dot_general3A_65, %add3A_57 : vector<400x128xf32>
    %max3A = arith.constant 0.000000e+00 : f32
    %max3A_67 = vector.broadcast %max3A : f32 to vector<400x128xf32>
    %max3A_68 = arith.maximumf %add3A_66, %max3A_67 : vector<400x128xf32>
    %get3A_69 = arith.constant 0 : index
    %get3A_70 = arith.constant 0 : index
    %get3A_71 = vector.load %arg9[%get3A_69, %get3A_70] : memref<128x128xf32, #tpu.memory_space<vmem>>, vector<128x128xf32>
    %dot_general3A_72 = arith.constant dense<0.000000e+00> : vector<400x128xf32>
    %dot_general3A_73 = tpu.matmul %max3A_68, %get3A_71, %dot_general3A_72 {dimension_numbers = #tpu.dot_dimension_numbers<[1], [0], [0], [1], [0, 0, 1, 1], [], []>, transpose_lhs_hint = false} : vector<400x128xf32>, vector<128x128xf32>, vector<400x128xf32> -> vector<400x128xf32>
    %add3A_74 = arith.addf %dot_general3A_73, %add3A_57 : vector<400x128xf32>
    %max3A_75 = arith.constant 0.000000e+00 : f32
    %max3A_76 = vector.broadcast %max3A_75 : f32 to vector<400x128xf32>
    %max3A_77 = arith.maximumf %add3A_74, %max3A_76 : vector<400x128xf32>
    %slice3A = vector.extract_strided_slice %max3A_77 {offsets = [0, 0], sizes = [400, 100], strides = [1, 1]} : vector<400x128xf32> to vector<400x100xf32>
    %swap3A = arith.constant 0 : index
    %swap3A_78 = arith.constant 0 : index
    %swap3A_79 = vector.load %arg12[%swap3A, %swap3A_78] : memref<400x100xf32, #tpu.memory_space<vmem>>, vector<400x100xf32>
    tpu.vector_store %arg12[%swap3A, %swap3A_78], %slice3A {strides = array<i32>} : memref<400x100xf32, #tpu.memory_space<vmem>>, vector<400x100xf32>,
    return
  }
  func.func @transform_0(%arg0: i32) -> (i32, i32) {
    %c0_i32 = arith.constant 0 : i32
    %c0_i32_0 = arith.constant 0 : i32
    return %arg0, %c0_i32 : i32, i32
  }
  func.func @transform_1(%arg0: i32) -> (i32, i32) {
    %c0_i32 = arith.constant 0 : i32
    %c0_i32_0 = arith.constant 0 : i32
    return %arg0, %c0_i32 : i32, i32
  }
  func.func @transform_2(%arg0: i32) -> (i32, i32) {
    %add3A = arith.constant 112 : i32
    %add3A_0 = arith.addi %arg0, %add3A : i32
    %c0_i32 = arith.constant 0 : i32
    %c0_i32_1 = arith.constant 0 : i32
    return %add3A_0, %c0_i32 : i32, i32
  }
  func.func @transform_3(%arg0: i32) -> (i32, i32) {
    %add3A = arith.constant 112 : i32
    %add3A_0 = arith.addi %arg0, %add3A : i32
    %c0_i32 = arith.constant 0 : i32
    %c0_i32_1 = arith.constant 0 : i32
    return %add3A_0, %c0_i32 : i32, i32
  }
  func.func @transform_4(%arg0: i32) -> (i32, i32) {
    %c0_i32 = arith.constant 0 : i32
    %c0_i32_0 = arith.constant 0 : i32
    %c0_i32_1 = arith.constant 0 : i32
    return %c0_i32, %c0_i32_0 : i32, i32
  }
  func.func @transform_5(%arg0: i32) -> (i32, i32) {
    %c0_i32 = arith.constant 0 : i32
    %c0_i32_0 = arith.constant 0 : i32
    %c0_i32_1 = arith.constant 0 : i32
    return %c0_i32, %c0_i32_0 : i32, i32
  }
  func.func @transform_6(%arg0: i32) -> (i32, i32) {
    %c0_i32 = arith.constant 0 : i32
    %c0_i32_0 = arith.constant 0 : i32
    %c0_i32_1 = arith.constant 0 : i32
    return %c0_i32, %c0_i32_0 : i32, i32
  }
  func.func @transform_7(%arg0: i32) -> (i32, i32) {
    %c0_i32 = arith.constant 0 : i32
    %c0_i32_0 = arith.constant 0 : i32
    %c0_i32_1 = arith.constant 0 : i32
    return %c0_i32, %c0_i32_0 : i32, i32
  }
  func.func @transform_8(%arg0: i32) -> (i32, i32) {
    %c0_i32 = arith.constant 0 : i32
    %c0_i32_0 = arith.constant 0 : i32
    %c0_i32_1 = arith.constant 0 : i32
    return %c0_i32, %c0_i32_0 : i32, i32
  }
  func.func @transform_9(%arg0: i32) -> (i32, i32) {
    %c0_i32 = arith.constant 0 : i32
    %c0_i32_0 = arith.constant 0 : i32
    %c0_i32_1 = arith.constant 0 : i32
    return %c0_i32, %c0_i32_0 : i32, i32
  }
  func.func @transform_10(%arg0: i32) -> (i32, i32) {
    %c0_i32 = arith.constant 0 : i32
    %c0_i32_0 = arith.constant 0 : i32
    %c0_i32_1 = arith.constant 0 : i32
    return %c0_i32, %c0_i32_0 : i32, i32
  }
  func.func @transform_11(%arg0: i32) -> (i32, i32) {
    %c0_i32 = arith.constant 0 : i32
    %c0_i32_0 = arith.constant 0 : i32
    return %arg0, %c0_i32 : i32, i32
  }
}

</mosaic_0001>

<sc_bundles>
// kernel: kernel.13.cloned.1.call-start
scs
__scs_entry_jumppad:
0x0: {  	(pc) =	sbr.rel $0x88, $3  }
0x1: {  	(tag) =	ssettag $0x0;
	lr =	simm.s32 $0x1  }
0x2: {  	[smem:$0x3F97] =	sst lr;
	_ =	strace $0xD0000000  }
0x3: {  	_ = 	snop  }
0x4: {  	_ = 	snop  }
0x5: {  	_ = 	snop  }
0x6: {  	_ = 	snop  }
0x7: {  	_ = 	snop  }
__scs_overlays_trampoline_lowered:
0x8: {  	[smem:$0x3FA6] =	sst s0  }
0x9: {  	[smem:$0x3FA7] =	sst s1  }
0xa: {  	[smem:$0x3FA8] =	sst s2  }
0xb: {  	[smem:$0x3FA9] =	sst s3  }
0xc: {  	[smem:$0x3FAA] =	sst s4  }
0xd: {  	[smem:$0x3FAB] =	sst s5  }
0xe: {  	[smem:$0x3FAC] =	sst s6  }
0xf: {  	[smem:$0x3FAD] =	sst s7  }
0x10: {  	[smem:$0x3FAE] =	sst s8  }
0x11: {  	[smem:$0x3FAF] =	sst s9;
	s0 =	simm.s32 @!p0 $0x0  }
0x12: {  	s1 =	sld [smem:$0x3F95];
	s0 =	simm.s32 @p0 $0x1  }
0x13: {  	[smem:$0x3FB0] =	sst s0;
	s0 =	simm.s32 @!p1 $0x0  }
0x14: {  	s2 =	sld [smem:$0x3F94];
	s0 =	simm.s32 @p1 $0x1  }
0x15: {  	[smem:$0x3FB1] =	sst s0;
	s0 =	simm.s32 @!p2 $0x0  }
0x16: {  	s3 =	sld [smem:$0x3FDB];
	s0 =	simm.s32 @p2 $0x1  }
0x17: {  	s4 =	simm.s32 $0x1BF5;
	[smem:$0x3FB3] =	sst s0  }
0x18: {  	s0 =	sld [smem:$0x3F96];
	_ =	swait.ge [sflag:s4], $0x0  }
0x19: {  	s7 =	sld [smem:$0x3F97]  }
0x1a: {  	s8 =	sadd.s32 $0xFFFFE003, lr  }
0x1b: {  	s9 =	sadd.s32 $0xFFFFFEF7, lr;
	s5 =	simm.s32 $0xFFFFFFFF;
	p2 =	slt.u32 s8, $0xFFFFF086  }
0x1c: {  	p1 =	slt.u32 s9, $0xF7A;
	s5 =	simm.s32 @!p2 $0x0  }
0x1d: {  	s5 =	simm.s32 @p1 $0x1;
	p0 =	seq.s32 s7, s2  }
0x1e: {  	s7 =	smul.u32 @!p0 $0xF7A, s2;
	p2 =	seq.s32 @!p0 s5, $0x0  }
0x1f: {  	s9 =	smul.u32 $0xF7A, s1;
	s8 =	simm.s32 @!p0 $0x1BF5;
	p2 =	por !p2, p0  }
0x20: {  	[sflag:s8] =	ssyncset.s32 @!p0 $0xFFFFF086;
	s6 =	sadd.s32 @!p0 s3, s7;
	s7 =	simm.s32 @!p0 $0x108  }
0x21: {  	s3 =	sadd.s32 s3, s9;
	s6 =	sadd.s32 @!p0 $0x88, s6;
	s7 =	simm.s32 @p2 $0x1082  }
0x22: {  	[simem:s7], [sflag:s8] =	dma.local @!p0 [hbm:s6], $0xF7A  }
0x23: {  	s9 =	sor.u32 $0xD0000000, s2;
	s6 =	simm.s32 $0x108;
	_ =	swait.ge @!p0 [sflag:s8], $0x0  }
0x24: {  	s3 =	sadd.s32 $0x88, s3;
	s6 =	simm.s32 @!p1 $0x1082;
	[sflag:s4] =	ssyncset.s32 $0xFFFFF086  }
0x25: {  	[simem:s6], [sflag:s4] =	dma.local [hbm:s3], $0xF7A  }
0x26: {  	[smem:$0x3F97] =	sst s1;
	(tag) =	ssettag s2;
	_ =	strace s9  }
0x27: {  	s1 =	sld [smem:$0x3FA7]  }
0x28: {  	s2 =	sld [smem:$0x3FA8]  }
0x29: {  	s4 =	sld [smem:$0x3FAA]  }
0x2a: {  	p0 =	seq.s32 s5, $0x0;
	s5 =	sld [smem:$0x3FAB]  }
0x2b: {  	s6 =	sld [smem:$0x3FAC]  }
0x2c: {  	s7 =	sld [smem:$0x3FAD]  }
0x2d: {  	s3 =	simm.s32 $0x108;
	s8 =	sld [smem:$0x3FAE]  }
0x2e: {  	s3 =	simm.s32 @!p0 $0x1082;
	s9 =	sld [smem:$0x3FAF]  }
0x2f: {  	lr =	sadd.s32 s0, s3;
	s0 =	sld [smem:$0x3FA6]  }
0x30: {  	s3 =	sld [smem:$0x3FA9]  }
0x31: {  	[smem:$0x3FB2] =	sst s10  }
0x32: {  	s10 =	sld [smem:$0x3FB0];
	_ =	sdelay $0x3  }
0x33: {  	p0 =	seq.s32 s10, $0x1;
	s10 =	sld [smem:$0x3FB2];
	_ =	sdelay $0x3  }
0x34: {  	[smem:$0x3FB2] =	sst s10  }
0x35: {  	s10 =	sld [smem:$0x3FB1];
	_ =	sdelay $0x3  }
0x36: {  	p1 =	seq.s32 s10, $0x1;
	s10 =	sld [smem:$0x3FB2];
	_ =	sdelay $0x3  }
0x37: {  	[smem:$0x3FB2] =	sst s10  }
0x38: {  	s10 =	sld [smem:$0x3FB3]  }
0x39: {  	_ = 	snop;
	(pc) =	sbr.ind lr, $3  }
0x3a: {  	_ = 	snop  }
0x3b: {  	_ = 	snop  }
0x3c: {  	p2 =	seq.s32 s10, $0x1;
	s10 =	sld [smem:$0x3FB2]  }
0x3d: {  	_ =	shalt  }
0x3e: {  	_ =	shalt  }
0x3f: {  	_ =	shalt  }
0x40: {  	_ =	shalt  }
0x41: {  	_ =	shalt  }
0x42: {  	_ =	shalt  }
0x43: {  	_ =	shalt  }
0x44: {  	_ =	shalt  }
0x45: {  	_ =	shalt  }
0x46: {  	_ =	shalt  }
0x47: {  	_ =	shalt  }
0x48: {  	_ =	shalt  }
0x49: {  	_ =	shalt  }
0x4a: {  	_ =	shalt  }
0x4b: {  	_ =	shalt  }
0x4c: {  	_ =	shalt  }
0x4d: {  	_ =	shalt  }
0x4e: {  	_ =	shalt  }
0x4f: {  	_ =	shalt  }
0x50: {  	_ =	shalt  }
0x51: {  	_ =	shalt  }
0x52: {  	_ =	shalt  }
0x53: {  	_ =	shalt  }
0x54: {  	_ =	shalt  }
0x55: {  	_ =	shalt  }
0x56: {  	_ =	shalt  }
0x57: {  	_ =	shalt  }
0x58: {  	_ =	shalt  }
0x59: {  	_ =	shalt  }
0x5a: {  	_ =	shalt  }
0x5b: {  	_ =	shalt  }
0x5c: {  	_ =	shalt  }
0x5d: {  	_ =	shalt  }
0x5e: {  	_ =	shalt  }
0x5f: {  	_ =	shalt  }
0x60: {  	_ =	shalt  }
0x61: {  	_ =	shalt  }
0x62: {  	_ =	shalt  }
0x63: {  	_ =	shalt  }
0x64: {  	_ =	shalt  }
0x65: {  	_ =	shalt  }
0x66: {  	_ =	shalt  }
0x67: {  	_ =	shalt  }
0x68: {  	_ =	shalt  }
0x69: {  	_ =	shalt  }
0x6a: {  	_ =	shalt  }
0x6b: {  	_ =	shalt  }
0x6c: {  	_ =	shalt  }
0x6d: {  	_ =	shalt  }
0x6e: {  	_ =	shalt  }
0x6f: {  	_ =	shalt  }
0x70: {  	_ =	shalt  }
0x71: {  	_ =	shalt  }
0x72: {  	_ =	shalt  }
0x73: {  	_ =	shalt  }
0x74: {  	_ =	shalt  }
0x75: {  	_ =	shalt  }
0x76: {  	_ =	shalt  }
0x77: {  	_ =	shalt  }
0x78: {  	_ =	shalt  }
0x79: {  	_ =	shalt  }
0x7a: {  	_ =	shalt  }
0x7b: {  	_ =	shalt  }
0x7c: {  	_ =	shalt  }
0x7d: {  	_ =	shalt  }
0x7e: {  	_ =	shalt  }
0x7f: {  	_ =	shalt  }
0x80: {  	_ =	shalt  }
0x81: {  	_ =	shalt  }
0x82: {  	_ =	shalt  }
0x83: {  	_ =	shalt  }
0x84: {  	_ =	shalt  }
0x85: {  	_ =	shalt  }
0x86: {  	_ =	shalt  }
0x87: {  	_ =	shalt  }
.Lfunc_end0:
.L_simem_size_0:
called_computation_lowered:
.L_overlay_start_0:
0x88: {  	s2 =	sld [smem:$0x3FD9]  }
0x89: {  	s3 =	sld [smem:$0x3FFE];
	_ =	sdelay $0x1  }
0x8a: {  	s1 =	srdreg.scid  }
0x8b: {  	s0 =	sand.u32 $0x1, s1  }
0x8c: {  	s17 =	sshll.u32 s0, $0xA;
	s2 =	sadd.s32 s3, s2  }
0x8d: {  	s2 =	sadd.s32 s2, s17  }
0x8e: {  	[smem:$0x3FBE] =	sst s2  }
0x8f: {  	_ = 	snop  }
0x90: {  	(tm) =	ssettm $0x1  }
0x91: {  	s18 =	sld [smem:$0x3FFB];
	_ =	sdelay $0x3  }
0x92: {  	_ =	strace s18  }
0x93: {  	s2 =	sld [smem:$0x3FFC];
	_ =	sdelay $0x3  }
0x94: {  	_ =	strace s2  }
0x95: {  	s2 =	sld [smem:$0x3FFD];
	_ =	sdelay $0x3  }
0x96: {  	_ =	strace s2  }
0x97: {  	_ =	strace $0x8FFFFFFF  }
0x98: {  	s19 =	sld [smem:$0x3FDB];
	_ =	sdelay $0x1  }
0x99: {  	s20 =	simm.s32 $_scs_section_size  }
0x9a: {  	s4 =	simm.s32 $_size__tile_overlayer_lowered;
	s5 =	simm.s32 $_tile_overlayer_lowered  }
0x9b: {  	s6 =	simm.s32 $0x1BFF;
	s21 =	sshll.u32 s5, $0x1;
	s3 =	sadd.s32 s20, s19  }
0x9c: {  	s22 =	simm.s32 $0x0;
	s4 =	sshll.u32 s4, $0x1;
	s5 =	sadd.s32 s21, s3  }
0x9d: {  	[timem:s22], [sflag:s6] =	dma.local [hbm:s5], s4  }
0x9e: {  	_ =	swait.ge [sflag:s6], s4  }
0x9f: {  	s4 =	ssub.s32 $0x0, s4;
	[sflag:s6] =	ssyncset.done $0x0  }
0xa0: {  	[sflag:s6] =	ssyncadd.s32 s4;
	_ =	sdelay $0x1  }
0xa1: {  	s23 =	simm.s32 $0x1B8B  }
0xa2: {  	_ =	swait.ge [sflag:s23], $0x1  }
0xa3: {  	[sflag:s23] =	ssyncset.done $0x0  }
0xa4: {  	[sflag:s23] =	ssyncadd.s32 $0xFFFFFFFF  }
0xa5: {  	s4 =	sld [smem:$0x0]  }
0xa6: {  	s5 =	sand.u32 $0xFFFFFFFE, s1  }
0xa7: {  	p0 =	sne.s32 s1, s5  }
0xa8: {  	s5 =	sshll.u32 @p0 s5, $0xE  }
0xa9: {  	s5 =	sadd.s32 @p0 $0x11B8D, s5;
	s6 =	sshll.u32 @p0 s4, $0x11  }
0xaa: {  	s5 =	sor.u32 @p0 s6, s5  }
0xab: {  	[sflag:s5] =	ssyncadd.remote.s32 @p0 $0x1;
	_ =	sdelay $0x1  }
0xac: {  	s5 =	simm.s32 @p0 $0x1B8D  }
0xad: {  	_ =	swait.eq @p0 [sflag:s5], $0x1  }
0xae: {  	[sflag:s5] =	ssyncadd.s32 @p0 $0xFFFFFFFF  }
0xaf: {  	s6 =	sshll.u32 @!p0 s1, $0xE  }
0xb0: {  	s6 =	sor.u32 @!p0 $0x4000, s6;
	s5 =	simm.s32 @!p0 $0x1B8D  }
0xb1: {  	s4 =	sshll.u32 @!p0 s4, $0x11;
	s6 =	sadd.s32 @!p0 $0x11B8D, s6;
	_ =	swait.eq @!p0 [sflag:s5], $0x1  }
0xb2: {  	s4 =	sor.u32 @!p0 s4, s6;
	[sflag:s5] =	ssyncadd.s32 @!p0 $0xFFFFFFFF  }
0xb3: {  	s25 =	simm.s32 $0x1B8E;
	s24 =	sld [smem:$0x3FFE];
	[sflag:s4] =	ssyncadd.remote.s32 @!p0 $0x1  }
0xb4: {  	s26 =	simm.s32 $execute0_lowered;
	[smem:$0x3FD2] =	sst s25  }
0xb5: {  	s5 =	sshll.u32 s26, $0x1;
	_ =	strace $0x80000049;
	[dreg:$0x1] =	wrdreg $0xFFFFFFFF  }
0xb6: {  	s28 =	simm.s32 $_size_execute0_lowered;
	s3 =	sadd.s32 s3, s5;
	[dreg:$0x0] =	wrdreg $0x0  }
0xb7: {  	s5 =	sshll.u32 s28, $0x1;
	[dreg:$0x2] =	wrdreg s3  }
0xb8: {  	[dreg:$0x3] =	wrdreg s5  }
0xb9: {  	[dreg:$0x4] =	wrdreg $0xC0  }
0xba: {  	_ =	task [dreg:s22], $0x5FFFF  }
0xbb: {  	[dreg:$0x1] =	wrdreg $0xFFFFFFFF  }
0xbc: {  	[dreg:$0x0] =	wrdreg $0x60  }
0xbd: {  	[dreg:$0x2] =	wrdreg s24  }
0xbe: {  	[dreg:$0x3] =	wrdreg $0x9  }
0xbf: {  	_ =	task.clear_ibuf [dreg:s22], $0x4FFFF;
	_ =	strace $0x90000049  }
0xc0: {  	s29 =	simm.s32 $0x9;
	_ =	strace $0x8000004B  }
0xc1: {  	_ =	swait.ge [sflag:s29], $0x1  }
0xc2: {  	[sflag:s29] =	ssyncadd.s32 $0xFFFFFFFF  }
0xc3: {  	_ =	strace $0x9000004B  }
0xc4: {  	_ =	sfence  }
0xc5: {  	s30 =	sld [smem:$0x0];
	_ =	sdelay $0x2  }
0xc6: {  	s31 =	sshll.u32 s1, $0xD;
	s1 =	sshrl.u32 s1, $0x2  }
0xc7: {  	s4 =	sand.u32 $0x4000, s31;
	s1 =	sadd.s32 s1, s30  }
0xc8: {  	s0 =	sor.u32 s4, s0;
	s1 =	sshll.u32 s1, $0x11  }
0xc9: {  	s0 =	sor.u32 s1, s0  }
0xca: {  	s0 =	sadd.s32 $0x8F2B, s0  }
0xcb: {  	[sflag:s0] =	ssyncadd.remote.s32 $0x1  }
0xcc: {  	_ =	sfence.sel $0xFFFF  }
0xcd: {  	[dreg:$0x0] =	wrdreg $0xFFFFFFFF;
	(pc) =	sbr.abs _section_cstart, $3  }
0xce: {  	[dreg:$0x1] =	wrdreg $0xFFFFFFFF  }
0xcf: {  	_ =	task.clear_ibuf [dreg:s22], $0x2FFFF;
	_ =	strace $0x9FFFFFFF  }
0xd0: {  	(tm) =	ssettm $0x7FFFFFFF  }
0xd1: {  	_ =	shalt  }
tec
execute0_lowered:
.L_overlay_start_1:
0x0: {  	(tag) =	ssettag $0x1  }
0x1: {  	s1 =	srdreg.scid  }
0x2: {  	s0 =	stileid.u32;
	s4 =	rddreg [dreg:$0x0]  }
0x3: {  	s2 =	simm.s32 $0x0;
	s7 =	sand.u32 $0x1, s1;
	s1 =	rddreg [dreg:$0x1]  }
0x4: {  	s3 =	sshll.u32 s0, $0x1;
	[smem:$0x7FF] =	sst s2  }
0x5: {  	s6 =	sshll.u32 s0, $0x5;
	s9 =	sshll.u32 s0, $0xC;
	s3 =	sor.u32 s7, s3  }
0x6: {  	_ =	strace $0x8000004A;
	s8 =	sadd.s32 s6, s4;
	s10 =	ssub.s32 $0x2, s7  }
0x7: {  	s9 =	sadd.s32 s9, s4;
	s31 =	sshll.u32 s7, $0x4;
	s12 =	sshll.u32 s7, $0xB  }
0x8: {  	s5 =	sshll.u32 s3, $0x4;
	s30 =	sshll.u32 s3, $0xB;
	s11 =	sshrl.u32 s10, $0x1  }
0x9: {  	s8 =	sadd.s32 s31, s8;
	s9 =	sadd.s32 s12, s9;
	p0 =	sgt.u32 s3, $0x18  }
0xa: {  	s5 =	sadd.s32 s5, s4;
	s6 =	sadd.s32 s30, s4;
	s4 =	sadd.s32 $0x18B800, s4  }
0xb: {  	s10 =	ssub.s32 s10, s11;
	s8 =	sadd.s32 $0x4E00, s8;
	s9 =	sadd.s32 $0x5D800, s9  }
0xc: {  	s5 =	sadd.s32 $0x1D600, s5;
	s6 =	sadd.s32 $0x51000, s6;
	s7 =	smax.u32 s10, $0x1  }
.LBB2_1:
0xd: {  	s10 =	simm.s32 @!p0 $0x0;
	s11 =	simm.s32 @!p0 $0x2  }
0xe: {  	[tilespmem:s10], [sflag:$0x2] =	stream.linear.gather @!p0 [hbm4b:s5+s10], $0x80, $0x38;
	[tilespmem:$0x4080] =	vst v63  }
0xf: {  	_ =	swait.ge @!p0 [sflag:s11], $0x80  }
0x10: {  	[sflag:s11] =	ssyncset.done @!p0 $0x0  }
0x11: {  	s12 =	simm.s32 @!p0 $0x80;
	s13 =	simm.s32 @!p0 $0x1;
	[sflag:s11] =	ssyncadd.s32 @!p0 $0xFFFFFF80  }
0x12: {  	[tilespmem:s12], [sflag:$0x1] =	stream.indirect.gather @!p0 [hbm4b:s4+s12], $0x80, s10, s12, $0xb8;
	[tilespmem:$0x4080] =	vst v63  }
0x13: {  	_ =	swait.ge @!p0 [sflag:s13], $0x4000  }
0x14: {  	[sflag:s13] =	ssyncset.done @!p0 $0x0  }
0x15: {  	[sflag:s13] =	ssyncadd.s32 @!p0 $0xFFFFC000  }
0x16: {  	[hbm4b:s6+s10] =	stream.linear.scatter @!p0 [tilespmem:s12], [sflag:$0x2], $0x4000, $0x38;
	[tilespmem:$0x4080] =	vst v63  }
0x17: {  	s30 =	sadd.s32 $0x0, s3;
	_ =	swait.ge @!p0 [sflag:s11], $0x4000  }
0x18: {  	p1 =	sgt.u32 s30, $0x18F;
	[sflag:s11] =	ssyncset.done @!p0 $0x0  }
0x19: {  	s10 =	simm.s32 @!p1 $0x0;
	[sflag:s11] =	ssyncadd.s32 @!p0 $0xFFFFC000;
	s11 =	simm.s32 @!p1 $0x3  }
0x1a: {  	[tilespmem:s10], [sflag:$0x3] =	stream.linear.gather @!p1 [hbm4b:s8+s10], $0x80, $0x38;
	[tilespmem:$0x4080] =	vst v63  }
0x1b: {  	_ =	swait.ge @!p1 [sflag:s11], $0x80  }
0x1c: {  	[sflag:s11] =	ssyncset.done @!p1 $0x0;
	p1 =	por p1, p1  }
0x1d: {  	[sflag:s11] =	ssyncadd.s32 @!p1 $0xFFFFFF80;
	s12 =	simm.s32 @!p1 $0x80;
	s13 =	simm.s32 @!p1 $0x1  }
0x1e: {  	[tilespmem:s12], [sflag:$0x1] =	stream.indirect.gather @!p1 [hbm4b:s4+s12], $0x80, s10, s12, $0xb8;
	[tilespmem:$0x4080] =	vst v63  }
0x1f: {  	_ =	swait.ge @!p1 [sflag:s13], $0x4000  }
0x20: {  	[sflag:s13] =	ssyncset.done @!p1 $0x0  }
0x21: {  	s31 =	sadd.s32 $0x20, s3;
	[sflag:s13] =	ssyncadd.s32 @!p1 $0xFFFFC000;
	s13 =	simm.s32 @!p1 $0x2  }
0x22: {  	[hbm4b:s9+s10] =	stream.linear.scatter @!p1 [tilespmem:s12], [sflag:$0x2], $0x4000, $0x38;
	[tilespmem:$0x4080] =	vst v63  }
0x23: {  	p2 =	sgt.u32 s31, $0x18F;
	s11 =	simm.s32 $0x40;
	_ =	swait.ge @!p1 [sflag:s13], $0x4000  }
0x24: {  	s10 =	sadd.s32 $0x10000, s9;
	s12 =	sadd.s32 $0x200, s8;
	[sflag:s13] =	ssyncset.done @!p1 $0x0  }
.LBB2_2:
0x25: {  	s14 =	simm.s32 @!p2 $0x0;
	s15 =	simm.s32 @!p2 $0x3;
	[sflag:s13] =	ssyncadd.s32 @!p1 $0xFFFFC000  }
0x26: {  	[tilespmem:s14], [sflag:$0x3] =	stream.linear.gather @!p2 [hbm4b:s12+s14], $0x80, $0x38;
	[tilespmem:$0x4080] =	vst v63  }
0x27: {  	s16 =	smov.u32 s11;
	s11 =	sadd.s32 $0x20, s11;
	_ =	swait.ge @!p2 [sflag:s15], $0x80  }
0x28: {  	p1 =	por p2, p2;
	p3 =	sne.s32 s11, $0x1A0;
	[sflag:s15] =	ssyncset.done @!p2 $0x0  }
0x29: {  	s13 =	simm.s32 @!p1 $0x1;
	[sflag:s15] =	ssyncadd.s32 @!p1 $0xFFFFFF80;
	s15 =	simm.s32 @!p1 $0x80  }
0x2a: {  	[tilespmem:s15], [sflag:$0x1] =	stream.indirect.gather @!p1 [hbm4b:s4+s15], $0x80, s14, s15, $0xb8;
	[tilespmem:$0x4080] =	vst v63  }
0x2b: {  	_ =	swait.ge @!p1 [sflag:s13], $0x4000  }
.Ltmp0:
0x2c: {  	[sflag:s13] =	ssyncset.done @!p1 $0x0;
	(pc) =	sbr.rel @p3 .LBB2_2-.Ltmp0, $4  }
0x2d: {  	[sflag:s13] =	ssyncadd.s32 @!p1 $0xFFFFC000;
	s13 =	simm.s32 @!p1 $0x2  }
0x2e: {  	[hbm4b:s10+s14] =	stream.linear.scatter @!p1 [tilespmem:s15], [sflag:$0x2], $0x4000, $0x38;
	[tilespmem:$0x4080] =	vst v63  }
0x2f: {  	s14 =	sadd.s32 s16, s3;
	s10 =	sadd.s32 $0x10000, s10;
	_ =	swait.ge @!p1 [sflag:s13], $0x4000  }
0x30: {  	s12 =	sadd.s32 $0x200, s12;
	p2 =	sgt.u32 s14, $0x18F;
	[sflag:s13] =	ssyncset.done @!p1 $0x0  }
0x31: {  	s11 =	simm.s32 @!p2 $0x0;
	s14 =	simm.s32 @!p2 $0x3;
	[sflag:s13] =	ssyncadd.s32 @!p1 $0xFFFFC000  }
0x32: {  	[tilespmem:s11], [sflag:$0x3] =	stream.linear.gather @!p2 [hbm4b:s12+s11], $0x80, $0x38;
	[tilespmem:$0x4080] =	vst v63  }
0x33: {  	_ =	swait.ge @!p2 [sflag:s14], $0x80  }
0x34: {  	p1 =	por p2, p2;
	[sflag:s14] =	ssyncset.done @!p2 $0x0  }
0x35: {  	s12 =	simm.s32 @!p1 $0x80;
	s13 =	simm.s32 @!p1 $0x1;
	[sflag:s14] =	ssyncadd.s32 @!p1 $0xFFFFFF80  }
0x36: {  	[tilespmem:s12], [sflag:$0x1] =	stream.indirect.gather @!p1 [hbm4b:s4+s12], $0x80, s11, s12, $0xb8;
	[tilespmem:$0x4080] =	vst v63  }
0x37: {  	s2 =	sadd.s32 $0x1, s2;
	_ =	swait.ge @!p1 [sflag:s13], $0x4000  }
0x38: {  	p2 =	sne.s32 s2, s7;
	[sflag:s13] =	ssyncset.done @!p1 $0x0  }
.Ltmp1:
0x39: {  	[sflag:s13] =	ssyncadd.s32 @!p1 $0xFFFFC000;
	s13 =	simm.s32 @!p1 $0x2;
	(pc) =	sbr.rel @p2 .LBB2_1-.Ltmp1, $4  }
0x3a: {  	[hbm4b:s10+s11] =	stream.linear.scatter @!p1 [tilespmem:s12], [sflag:$0x2], $0x4000, $0x38;
	[tilespmem:$0x4080] =	vst v63  }
0x3b: {  	_ =	swait.ge @!p1 [sflag:s13], $0x4000  }
0x3c: {  	[sflag:s13] =	ssyncset.done @!p1 $0x0  }
0x3d: {  	[sflag:s13] =	ssyncadd.s32 @!p1 $0xFFFFC000  }
0x3e: {  	_ =	sfence.sel $0x180000  }
0x3f: {  	[bflag:$0x0] =	sbarrier.arrive $0xFFFF  }
0x40: {  	p0 =	sne.s32 s0, $0x0;
	_ =	strace $0x9000004A  }
0x41: {  	s0 =	sadd.s32 @!p0 $0x100000, s1;
	[bflag:$0x2] =	sbarrier.arrive $0xFFFF  }
0x42: {  	[sflag:s0] =	ssyncadd.tile.s32 @!p0 $0x1;
	_ =	shalt  }
.Lfunc_end2:
_tile_overlayer_lowered:
.L_overlay_start_2:
0x43: {  	(tag) =	ssettag $0x2  }
0x44: {  	s0 =	rddreg [dreg:$0x0];
	s2 =	stileid.u32  }
0x45: {  	s1 =	rddreg [dreg:$0x1];
	p0 =	sne.s32 s2, $0x0  }
0x46: {  	s3 =	rddreg [dreg:$0x2];
	[bflag:$0x3] =	sbarrier.arrive $0xFFFF;
	s2 =	simm.s32 @!p0 $0x1C02  }
0x47: {  	[timem:s3], [sflag:s2] =	dma.local @!p0 [hbm:s0], s1  }
0x48: {  	s0 =	simm.s32 @!p0 $0x2  }
0x49: {  	_ =	swait.ge @!p0 [sflag:s0], s1  }
0x4a: {  	s1 =	ssub.s32 @!p0 $0x0, s1;
	[sflag:s0] =	ssyncset.done @!p0 $0x0  }
0x4b: {  	[sflag:s0] =	ssyncadd.s32 @!p0 s1  }
0x4c: {  	[bflag:$0x3] =	sbarrier.arrive $0xFFFF  }
0x4d: {  	_ =	shalt  }

// kernel: kernel.16.cloned.1.call-start
scs
__scs_entry_jumppad:
0x0: {  	(pc) =	sbr.rel $0x88, $3  }
0x1: {  	(tag) =	ssettag $0x0;
	lr =	simm.s32 $0x1  }
0x2: {  	[smem:$0x3F97] =	sst lr;
	_ =	strace $0xD0000000  }
0x3: {  	_ = 	snop  }
0x4: {  	_ = 	snop  }
0x5: {  	_ = 	snop  }
0x6: {  	_ = 	snop  }
0x7: {  	_ = 	snop  }
__scs_overlays_trampoline_lowered:
0x8: {  	[smem:$0x3FA6] =	sst s0  }
0x9: {  	[smem:$0x3FA7] =	sst s1  }
0xa: {  	[smem:$0x3FA8] =	sst s2  }
0xb: {  	[smem:$0x3FA9] =	sst s3  }
0xc: {  	[smem:$0x3FAA] =	sst s4  }
0xd: {  	[smem:$0x3FAB] =	sst s5  }
0xe: {  	[smem:$0x3FAC] =	sst s6  }
0xf: {  	[smem:$0x3FAD] =	sst s7  }
0x10: {  	[smem:$0x3FAE] =	sst s8  }
0x11: {  	[smem:$0x3FAF] =	sst s9;
	s0 =	simm.s32 @!p0 $0x0  }
0x12: {  	s1 =	sld [smem:$0x3F95];
	s0 =	simm.s32 @p0 $0x1  }
0x13: {  	[smem:$0x3FB0] =	sst s0;
	s0 =	simm.s32 @!p1 $0x0  }
0x14: {  	s2 =	sld [smem:$0x3F94];
	s0 =	simm.s32 @p1 $0x1  }
0x15: {  	[smem:$0x3FB1] =	sst s0;
	s0 =	simm.s32 @!p2 $0x0  }
0x16: {  	s3 =	sld [smem:$0x3FDB];
	s0 =	simm.s32 @p2 $0x1  }
0x17: {  	s4 =	simm.s32 $0x1BF5;
	[smem:$0x3FB3] =	sst s0  }
0x18: {  	s0 =	sld [smem:$0x3F96];
	_ =	swait.ge [sflag:s4], $0x0  }
0x19: {  	s7 =	sld [smem:$0x3F97]  }
0x1a: {  	s8 =	sadd.s32 $0xFFFFE003, lr  }
0x1b: {  	s9 =	sadd.s32 $0xFFFFFEF7, lr;
	s5 =	simm.s32 $0xFFFFFFFF;
	p2 =	slt.u32 s8, $0xFFFFF086  }
0x1c: {  	p1 =	slt.u32 s9, $0xF7A;
	s5 =	simm.s32 @!p2 $0x0  }
0x1d: {  	s5 =	simm.s32 @p1 $0x1;
	p0 =	seq.s32 s7, s2  }
0x1e: {  	s7 =	smul.u32 @!p0 $0xF7A, s2;
	p2 =	seq.s32 @!p0 s5, $0x0  }
0x1f: {  	s9 =	smul.u32 $0xF7A, s1;
	s8 =	simm.s32 @!p0 $0x1BF5;
	p2 =	por !p2, p0  }
0x20: {  	[sflag:s8] =	ssyncset.s32 @!p0 $0xFFFFF086;
	s6 =	sadd.s32 @!p0 s3, s7;
	s7 =	simm.s32 @!p0 $0x108  }
0x21: {  	s3 =	sadd.s32 s3, s9;
	s6 =	sadd.s32 @!p0 $0x88, s6;
	s7 =	simm.s32 @p2 $0x1082  }
0x22: {  	[simem:s7], [sflag:s8] =	dma.local @!p0 [hbm:s6], $0xF7A  }
0x23: {  	s9 =	sor.u32 $0xD0000000, s2;
	s6 =	simm.s32 $0x108;
	_ =	swait.ge @!p0 [sflag:s8], $0x0  }
0x24: {  	s3 =	sadd.s32 $0x88, s3;
	s6 =	simm.s32 @!p1 $0x1082;
	[sflag:s4] =	ssyncset.s32 $0xFFFFF086  }
0x25: {  	[simem:s6], [sflag:s4] =	dma.local [hbm:s3], $0xF7A  }
0x26: {  	[smem:$0x3F97] =	sst s1;
	(tag) =	ssettag s2;
	_ =	strace s9  }
0x27: {  	s1 =	sld [smem:$0x3FA7]  }
0x28: {  	s2 =	sld [smem:$0x3FA8]  }
0x29: {  	s4 =	sld [smem:$0x3FAA]  }
0x2a: {  	p0 =	seq.s32 s5, $0x0;
	s5 =	sld [smem:$0x3FAB]  }
0x2b: {  	s6 =	sld [smem:$0x3FAC]  }
0x2c: {  	s7 =	sld [smem:$0x3FAD]  }
0x2d: {  	s3 =	simm.s32 $0x108;
	s8 =	sld [smem:$0x3FAE]  }
0x2e: {  	s3 =	simm.s32 @!p0 $0x1082;
	s9 =	sld [smem:$0x3FAF]  }
0x2f: {  	lr =	sadd.s32 s0, s3;
	s0 =	sld [smem:$0x3FA6]  }
0x30: {  	s3 =	sld [smem:$0x3FA9]  }
0x31: {  	[smem:$0x3FB2] =	sst s10  }
0x32: {  	s10 =	sld [smem:$0x3FB0];
	_ =	sdelay $0x3  }
0x33: {  	p0 =	seq.s32 s10, $0x1;
	s10 =	sld [smem:$0x3FB2];
	_ =	sdelay $0x3  }
0x34: {  	[smem:$0x3FB2] =	sst s10  }
0x35: {  	s10 =	sld [smem:$0x3FB1];
	_ =	sdelay $0x3  }
0x36: {  	p1 =	seq.s32 s10, $0x1;
	s10 =	sld [smem:$0x3FB2];
	_ =	sdelay $0x3  }
0x37: {  	[smem:$0x3FB2] =	sst s10  }
0x38: {  	s10 =	sld [smem:$0x3FB3]  }
0x39: {  	_ = 	snop;
	(pc) =	sbr.ind lr, $3  }
0x3a: {  	_ = 	snop  }
0x3b: {  	_ = 	snop  }
0x3c: {  	p2 =	seq.s32 s10, $0x1;
	s10 =	sld [smem:$0x3FB2]  }
0x3d: {  	_ =	shalt  }
0x3e: {  	_ =	shalt  }
0x3f: {  	_ =	shalt  }
0x40: {  	_ =	shalt  }
0x41: {  	_ =	shalt  }
0x42: {  	_ =	shalt  }
0x43: {  	_ =	shalt  }
0x44: {  	_ =	shalt  }
0x45: {  	_ =	shalt  }
0x46: {  	_ =	shalt  }
0x47: {  	_ =	shalt  }
0x48: {  	_ =	shalt  }
0x49: {  	_ =	shalt  }
0x4a: {  	_ =	shalt  }
0x4b: {  	_ =	shalt  }
0x4c: {  	_ =	shalt  }
0x4d: {  	_ =	shalt  }
0x4e: {  	_ =	shalt  }
0x4f: {  	_ =	shalt  }
0x50: {  	_ =	shalt  }
0x51: {  	_ =	shalt  }
0x52: {  	_ =	shalt  }
0x53: {  	_ =	shalt  }
0x54: {  	_ =	shalt  }
0x55: {  	_ =	shalt  }
0x56: {  	_ =	shalt  }
0x57: {  	_ =	shalt  }
0x58: {  	_ =	shalt  }
0x59: {  	_ =	shalt  }
0x5a: {  	_ =	shalt  }
0x5b: {  	_ =	shalt  }
0x5c: {  	_ =	shalt  }
0x5d: {  	_ =	shalt  }
0x5e: {  	_ =	shalt  }
0x5f: {  	_ =	shalt  }
0x60: {  	_ =	shalt  }
0x61: {  	_ =	shalt  }
0x62: {  	_ =	shalt  }
0x63: {  	_ =	shalt  }
0x64: {  	_ =	shalt  }
0x65: {  	_ =	shalt  }
0x66: {  	_ =	shalt  }
0x67: {  	_ =	shalt  }
0x68: {  	_ =	shalt  }
0x69: {  	_ =	shalt  }
0x6a: {  	_ =	shalt  }
0x6b: {  	_ =	shalt  }
0x6c: {  	_ =	shalt  }
0x6d: {  	_ =	shalt  }
0x6e: {  	_ =	shalt  }
0x6f: {  	_ =	shalt  }
0x70: {  	_ =	shalt  }
0x71: {  	_ =	shalt  }
0x72: {  	_ =	shalt  }
0x73: {  	_ =	shalt  }
0x74: {  	_ =	shalt  }
0x75: {  	_ =	shalt  }
0x76: {  	_ =	shalt  }
0x77: {  	_ =	shalt  }
0x78: {  	_ =	shalt  }
0x79: {  	_ =	shalt  }
0x7a: {  	_ =	shalt  }
0x7b: {  	_ =	shalt  }
0x7c: {  	_ =	shalt  }
0x7d: {  	_ =	shalt  }
0x7e: {  	_ =	shalt  }
0x7f: {  	_ =	shalt  }
0x80: {  	_ =	shalt  }
0x81: {  	_ =	shalt  }
0x82: {  	_ =	shalt  }
0x83: {  	_ =	shalt  }
0x84: {  	_ =	shalt  }
0x85: {  	_ =	shalt  }
0x86: {  	_ =	shalt  }
0x87: {  	_ =	shalt  }
.Lfunc_end0:
.L_simem_size_0:
called_computation.1_lowered:
.L_overlay_start_0:
0x88: {  	s2 =	sld [smem:$0x3FD9]  }
0x89: {  	s3 =	sld [smem:$0x3FFE];
	_ =	sdelay $0x1  }
0x8a: {  	s1 =	srdreg.scid  }
0x8b: {  	s0 =	sand.u32 $0x1, s1  }
0x8c: {  	s16 =	sshll.u32 s0, $0xA;
	s2 =	sadd.s32 s3, s2  }
0x8d: {  	s2 =	sadd.s32 s2, s16  }
0x8e: {  	[smem:$0x3FBE] =	sst s2  }
0x8f: {  	_ = 	snop  }
0x90: {  	(tm) =	ssettm $0x1  }
0x91: {  	s17 =	sld [smem:$0x3FFB];
	_ =	sdelay $0x3  }
0x92: {  	_ =	strace s17  }
0x93: {  	s2 =	sld [smem:$0x3FFC];
	_ =	sdelay $0x3  }
0x94: {  	_ =	strace s2  }
0x95: {  	s2 =	sld [smem:$0x3FFD];
	_ =	sdelay $0x3  }
0x96: {  	_ =	strace s2  }
0x97: {  	_ =	strace $0x8FFFFFFF  }
0x98: {  	s18 =	sld [smem:$0x3FDB];
	_ =	sdelay $0x1  }
0x99: {  	s19 =	simm.s32 $_scs_section_size  }
0x9a: {  	s4 =	simm.s32 $_size__tile_overlayer_lowered;
	s5 =	simm.s32 $_tile_overlayer_lowered  }
0x9b: {  	s22 =	simm.s32 $0x1BFF;
	s21 =	sshll.u32 s5, $0x1;
	s2 =	sadd.s32 s19, s18  }
0x9c: {  	s6 =	simm.s32 $0x0;
	s20 =	sshll.u32 s4, $0x1;
	s4 =	sadd.s32 s21, s2  }
0x9d: {  	[timem:s6], [sflag:s22] =	dma.local [hbm:s4], s20  }
0x9e: {  	_ =	swait.ge [sflag:s22], s20  }
0x9f: {  	s3 =	ssub.s32 $0x0, s20;
	[sflag:s22] =	ssyncset.done $0x0  }
0xa0: {  	[sflag:s22] =	ssyncadd.s32 s3;
	_ =	sdelay $0x1  }
0xa1: {  	s23 =	simm.s32 $0x1B8B  }
0xa2: {  	_ =	swait.ge [sflag:s23], $0x1  }
0xa3: {  	[sflag:s23] =	ssyncset.done $0x0  }
0xa4: {  	s25 =	simm.s32 $0x1B8E;
	s24 =	sld [smem:$0x3FFE];
	[sflag:s23] =	ssyncadd.s32 $0xFFFFFFFF  }
0xa5: {  	s26 =	simm.s32 $execute0_lowered;
	[smem:$0x3FD2] =	sst s25  }
0xa6: {  	s4 =	sshll.u32 s26, $0x1;
	_ =	strace $0x80000046;
	[dreg:$0x1] =	wrdreg $0xFFFFFFFF  }
0xa7: {  	s28 =	simm.s32 $_size_execute0_lowered;
	s2 =	sadd.s32 s2, s4;
	[dreg:$0x0] =	wrdreg $0x0  }
0xa8: {  	s4 =	sshll.u32 s28, $0x1;
	[dreg:$0x2] =	wrdreg s2  }
0xa9: {  	[dreg:$0x3] =	wrdreg s4  }
0xaa: {  	[dreg:$0x4] =	wrdreg $0xC0  }
0xab: {  	_ =	task [dreg:s6], $0x5FFFF  }
0xac: {  	[dreg:$0x1] =	wrdreg $0xFFFFFFFF  }
0xad: {  	[dreg:$0x0] =	wrdreg $0x60  }
0xae: {  	[dreg:$0x2] =	wrdreg s24  }
0xaf: {  	[dreg:$0x3] =	wrdreg $0xA  }
0xb0: {  	_ =	task.clear_ibuf [dreg:s6], $0x4FFFF;
	_ =	strace $0x90000046  }
0xb1: {  	s29 =	simm.s32 $0xA;
	_ =	strace $0x80000048  }
0xb2: {  	_ =	swait.ge [sflag:s29], $0x1  }
0xb3: {  	[sflag:s29] =	ssyncadd.s32 $0xFFFFFFFF  }
0xb4: {  	_ =	strace $0x90000048  }
0xb5: {  	_ =	sfence  }
0xb6: {  	s30 =	sld [smem:$0x0];
	_ =	sdelay $0x2  }
0xb7: {  	s31 =	sshll.u32 s1, $0xD;
	s1 =	sshrl.u32 s1, $0x2  }
0xb8: {  	s3 =	sand.u32 $0x4000, s31;
	s1 =	sadd.s32 s1, s30  }
0xb9: {  	s0 =	sor.u32 s3, s0;
	s1 =	sshll.u32 s1, $0x11  }
0xba: {  	s0 =	sor.u32 s1, s0  }
0xbb: {  	s0 =	sadd.s32 $0x8F2B, s0  }
0xbc: {  	[sflag:s0] =	ssyncadd.remote.s32 $0x1  }
0xbd: {  	_ =	sfence.sel $0xFFFF  }
0xbe: {  	[dreg:$0x0] =	wrdreg $0xFFFFFFFF;
	(pc) =	sbr.abs _section_cstart, $3  }
0xbf: {  	[dreg:$0x1] =	wrdreg $0xFFFFFFFF  }
0xc0: {  	_ =	task.clear_ibuf [dreg:s6], $0x2FFFF;
	_ =	strace $0x9FFFFFFF  }
0xc1: {  	(tm) =	ssettm $0x7FFFFFFF  }
tec
execute0_lowered:
.L_overlay_start_1:
0x0: {  	(tag) =	ssettag $0x1  }
0x1: {  	s4 =	rddreg [dreg:$0x0]  }
0x2: {  	s0 =	rddreg [dreg:$0x1];
	s2 =	simm.s32 $0x0;
	s1 =	stileid.u32  }
0x3: {  	s5 =	srdreg.scid;
	s19 =	simm.s32 $0x0;
	[smem:$0x7FF] =	sst s2  }
0x4: {  	s3 =	sadd.s32 $0x18B800, s4;
	s6 =	sshll.u32 s1, $0x5;
	s12 =	sand.u32 $0x1, s5  }
0x5: {  	s14 =	sadd.s32 $0x1F000, s4;
	s22 =	sshll.u32 s1, $0xC;
	s8 =	sshll.u32 s1, $0x1  }
0x6: {  	s11 =	sadd.s32 $0x1D790, s4;
	_ =	strace $0x80000047;
	s13 =	sadd.s32 s6, s4  }
0x7: {  	s5 =	ssub.s32 $0x2, s12;
	s15 =	sadd.s32 s22, s4;
	s9 =	sor.u32 s12, s8  }
0x8: {  	s30 =	sshll.u32 s12, $0xB;
	s12 =	sshll.u32 s12, $0x4;
	s7 =	sshrl.u32 s5, $0x1  }
0x9: {  	s23 =	sshll.u32 s9, $0x4;
	s24 =	sshll.u32 s9, $0xB;
	s25 =	sor.u32 $0x20, s9  }
0xa: {  	s28 =	sor.u32 $0x40, s9;
	s17 =	sor.u32 $0x60, s9;
	s15 =	sadd.s32 s30, s15  }
0xb: {  	s31 =	sadd.s32 s12, s13;
	s5 =	ssub.s32 s5, s7;
	s6 =	sadd.s32 s14, s24  }
0xc: {  	s26 =	sshll.u32 s25, $0x4;
	s10 =	sshll.u32 s25, $0xB;
	s16 =	sshll.u32 s28, $0x4  }
0xd: {  	s29 =	sshll.u32 s17, $0x4;
	s18 =	sshll.u32 s17, $0xB;
	s13 =	sadd.s32 $0x312200, s15  }
0xe: {  	p0 =	sgt.u32 s17, $0x63;
	s15 =	simm.s32 $0x3;
	s17 =	simm.s32 $0x1  }
0xf: {  	s4 =	smax.u32 s5, $0x1;
	s5 =	sadd.s32 s23, s11;
	s7 =	sadd.s32 s26, s11  }
0x10: {  	s8 =	sadd.s32 s14, s10;
	s10 =	sshll.u32 s28, $0xB;
	s9 =	sadd.s32 s16, s11  }
0x11: {  	s11 =	sadd.s32 s29, s11;
	s12 =	sadd.s32 s14, s18;
	s16 =	simm.s32 $0x80  }
0x12: {  	s18 =	simm.s32 $0x2;
	s10 =	sadd.s32 s14, s10;
	s14 =	sadd.s32 $0x4E00, s31  }
.LBB2_1:
0x13: {  	[tilespmem:s2], [sflag:$0x3] =	stream.linear.gather [hbm4b:s5+s2], $0x80, $0x38;
	[tilespmem:$0x4080] =	vst v63  }
0x14: {  	_ =	swait.ge [sflag:s15], $0x80  }
0x15: {  	[sflag:s15] =	ssyncset.done $0x0  }
0x16: {  	[sflag:s15] =	ssyncadd.s32 $0xFFFFFF80  }
0x17: {  	[tilespmem:s16], [sflag:$0x1] =	stream.indirect.gather [hbm4b:s3+s16], $0x80, s2, s16, $0xb8;
	[tilespmem:$0x4080] =	vst v63  }
0x18: {  	_ =	swait.ge [sflag:s17], $0x4000  }
0x19: {  	[sflag:s17] =	ssyncset.done $0x0  }
0x1a: {  	[sflag:s17] =	ssyncadd.s32 $0xFFFFC000  }
0x1b: {  	[hbm4b:s6+s2] =	stream.linear.scatter [tilespmem:s16], [sflag:$0x2], $0x4000, $0x38;
	[tilespmem:$0x4080] =	vst v63  }
0x1c: {  	_ =	swait.ge [sflag:s18], $0x4000  }
0x1d: {  	[sflag:s18] =	ssyncset.done $0x0  }
0x1e: {  	[sflag:s18] =	ssyncadd.s32 $0xFFFFC000  }
0x1f: {  	[tilespmem:s2], [sflag:$0x3] =	stream.linear.gather [hbm4b:s7+s2], $0x80, $0x38;
	[tilespmem:$0x4080] =	vst v63  }
0x20: {  	_ =	swait.ge [sflag:s15], $0x80  }
0x21: {  	[sflag:s15] =	ssyncset.done $0x0  }
0x22: {  	[sflag:s15] =	ssyncadd.s32 $0xFFFFFF80  }
0x23: {  	[tilespmem:s16], [sflag:$0x1] =	stream.indirect.gather [hbm4b:s3+s16], $0x80, s2, s16, $0xb8;
	[tilespmem:$0x4080] =	vst v63  }
0x24: {  	_ =	swait.ge [sflag:s17], $0x4000  }
0x25: {  	[sflag:s17] =	ssyncset.done $0x0  }
0x26: {  	[sflag:s17] =	ssyncadd.s32 $0xFFFFC000  }
0x27: {  	[hbm4b:s8+s2] =	stream.linear.scatter [tilespmem:s16], [sflag:$0x2], $0x4000, $0x38;
	[tilespmem:$0x4080] =	vst v63  }
0x28: {  	_ =	swait.ge [sflag:s18], $0x4000  }
0x29: {  	[sflag:s18] =	ssyncset.done $0x0  }
0x2a: {  	[sflag:s18] =	ssyncadd.s32 $0xFFFFC000  }
0x2b: {  	[tilespmem:s2], [sflag:$0x3] =	stream.linear.gather [hbm4b:s9+s2], $0x80, $0x38;
	[tilespmem:$0x4080] =	vst v63  }
0x2c: {  	_ =	swait.ge [sflag:s15], $0x80  }
0x2d: {  	[sflag:s15] =	ssyncset.done $0x0  }
0x2e: {  	[sflag:s15] =	ssyncadd.s32 $0xFFFFFF80  }
0x2f: {  	[tilespmem:s16], [sflag:$0x1] =	stream.indirect.gather [hbm4b:s3+s16], $0x80, s2, s16, $0xb8;
	[tilespmem:$0x4080] =	vst v63  }
0x30: {  	_ =	swait.ge [sflag:s17], $0x4000  }
0x31: {  	[sflag:s17] =	ssyncset.done $0x0  }
0x32: {  	[sflag:s17] =	ssyncadd.s32 $0xFFFFC000  }
0x33: {  	[hbm4b:s10+s2] =	stream.linear.scatter [tilespmem:s16], [sflag:$0x2], $0x4000, $0x38;
	[tilespmem:$0x4080] =	vst v63  }
0x34: {  	_ =	swait.ge [sflag:s18], $0x4000  }
0x35: {  	[sflag:s18] =	ssyncset.done $0x0  }
0x36: {  	s20 =	simm.s32 @!p0 $0x0;
	s21 =	simm.s32 @!p0 $0x3;
	[sflag:s18] =	ssyncadd.s32 $0xFFFFC000  }
0x37: {  	[tilespmem:s20], [sflag:$0x3] =	stream.linear.gather @!p0 [hbm4b:s11+s20], $0x80, $0x38;
	[tilespmem:$0x4080] =	vst v63  }
0x38: {  	_ =	swait.ge @!p0 [sflag:s21], $0x80  }
0x39: {  	[sflag:s21] =	ssyncset.done @!p0 $0x0  }
0x3a: {  	s22 =	simm.s32 @!p0 $0x1;
	[sflag:s21] =	ssyncadd.s32 @!p0 $0xFFFFFF80;
	s21 =	simm.s32 @!p0 $0x80  }
0x3b: {  	[tilespmem:s21], [sflag:$0x1] =	stream.indirect.gather @!p0 [hbm4b:s3+s21], $0x80, s20, s21, $0xb8;
	[tilespmem:$0x4080] =	vst v63  }
0x3c: {  	_ =	swait.ge @!p0 [sflag:s22], $0x4000  }
0x3d: {  	[sflag:s22] =	ssyncset.done @!p0 $0x0  }
0x3e: {  	[sflag:s22] =	ssyncadd.s32 @!p0 $0xFFFFC000  }
0x3f: {  	[hbm4b:s12+s20] =	stream.linear.scatter @!p0 [tilespmem:s21], [sflag:$0x2], $0x4000, $0x38;
	[tilespmem:$0x4080] =	vst v63  }
0x40: {  	s20 =	simm.s32 @!p0 $0x2  }
0x41: {  	_ =	swait.ge @!p0 [sflag:s20], $0x4000  }
0x42: {  	[sflag:s20] =	ssyncset.done @!p0 $0x0  }
0x43: {  	s31 =	sadd.s32 $0x1900, s14;
	[sflag:s20] =	ssyncadd.s32 @!p0 $0xFFFFC000  }
0x44: {  	[tilespmem:s2], [sflag:$0x3] =	stream.linear.gather [hbm4b:s31+s2], $0x80, $0x38;
	[tilespmem:$0x4080] =	vst v63  }
0x45: {  	_ =	swait.ge [sflag:s15], $0x80  }
0x46: {  	[sflag:s15] =	ssyncset.done $0x0  }
0x47: {  	[sflag:s15] =	ssyncadd.s32 $0xFFFFFF80  }
0x48: {  	[tilespmem:s16], [sflag:$0x1] =	stream.indirect.gather [hbm4b:s3+s16], $0x80, s2, s16, $0xb8;
	[tilespmem:$0x4080] =	vst v63  }
0x49: {  	_ =	swait.ge [sflag:s17], $0x4000  }
0x4a: {  	[sflag:s17] =	ssyncset.done $0x0  }
0x4b: {  	[sflag:s17] =	ssyncadd.s32 $0xFFFFC000  }
0x4c: {  	[hbm4b:s13+s2] =	stream.linear.scatter [tilespmem:s16], [sflag:$0x2], $0x4000, $0x38;
	[tilespmem:$0x4080] =	vst v63  }
0x4d: {  	s22 =	simm.s32 $0x1D00;
	_ =	swait.ge [sflag:s18], $0x4000  }
0x4e: {  	s21 =	simm.s32 $0x1B00;
	s20 =	sadd.s32 $0x10000, s13;
	[sflag:s18] =	ssyncset.done $0x0  }
.LBB2_2:
0x4f: {  	s23 =	sadd.s32 s21, s14  }
0x50: {  	[sflag:s18] =	ssyncadd.s32 $0xFFFFC000;
	s21 =	smov.u32 s22;
	s24 =	sadd.s32 $0x200, s22  }
0x51: {  	[tilespmem:s2], [sflag:$0x3] =	stream.linear.gather [hbm4b:s23+s2], $0x80, $0x38;
	[tilespmem:$0x4080] =	vst v63  }
0x52: {  	p1 =	sne.s32 s22, $0x7B00;
	_ =	swait.ge [sflag:s15], $0x80  }
0x53: {  	[sflag:s15] =	ssyncset.done $0x0  }
0x54: {  	[sflag:s15] =	ssyncadd.s32 $0xFFFFFF80  }
0x55: {  	[tilespmem:s16], [sflag:$0x1] =	stream.indirect.gather [hbm4b:s3+s16], $0x80, s2, s16, $0xb8;
	[tilespmem:$0x4080] =	vst v63  }
0x56: {  	_ =	swait.ge [sflag:s17], $0x4000  }
.Ltmp0:
0x57: {  	[sflag:s17] =	ssyncset.done $0x0;
	(pc) =	sbr.rel @p1 .LBB2_2-.Ltmp0, $4  }
0x58: {  	[sflag:s17] =	ssyncadd.s32 $0xFFFFC000  }
0x59: {  	[hbm4b:s20+s2] =	stream.linear.scatter [tilespmem:s16], [sflag:$0x2], $0x4000, $0x38;
	[tilespmem:$0x4080] =	vst v63  }
0x5a: {  	_ =	swait.ge [sflag:s18], $0x4000  }
0x5b: {  	s22 =	smov.u32 s24;
	s20 =	sadd.s32 $0x10000, s20;
	[sflag:s18] =	ssyncset.done $0x0  }
0x5c: {  	s21 =	sadd.s32 s21, s14;
	[sflag:s18] =	ssyncadd.s32 $0xFFFFC000  }
0x5d: {  	[tilespmem:s2], [sflag:$0x3] =	stream.linear.gather [hbm4b:s21+s2], $0x80, $0x38;
	[tilespmem:$0x4080] =	vst v63  }
0x5e: {  	_ =	swait.ge [sflag:s15], $0x80  }
0x5f: {  	[sflag:s15] =	ssyncset.done $0x0  }
0x60: {  	[sflag:s15] =	ssyncadd.s32 $0xFFFFFF80  }
0x61: {  	[tilespmem:s16], [sflag:$0x1] =	stream.indirect.gather [hbm4b:s3+s16], $0x80, s2, s16, $0xb8;
	[tilespmem:$0x4080] =	vst v63  }
0x62: {  	s19 =	sadd.s32 $0x1, s19;
	_ =	swait.ge [sflag:s17], $0x4000  }
0x63: {  	p1 =	sne.s32 s19, s4;
	[sflag:s17] =	ssyncset.done $0x0  }
.Ltmp1:
0x64: {  	[sflag:s17] =	ssyncadd.s32 $0xFFFFC000;
	(pc) =	sbr.rel @p1 .LBB2_1-.Ltmp1, $4  }
0x65: {  	[hbm4b:s20+s2] =	stream.linear.scatter [tilespmem:s16], [sflag:$0x2], $0x4000, $0x38;
	[tilespmem:$0x4080] =	vst v63  }
0x66: {  	_ =	swait.ge [sflag:s18], $0x4000  }
0x67: {  	[sflag:s18] =	ssyncset.done $0x0  }
0x68: {  	[sflag:s18] =	ssyncadd.s32 $0xFFFFC000  }
0x69: {  	_ =	sfence.sel $0x180000  }
0x6a: {  	[bflag:$0x0] =	sbarrier.arrive $0xFFFF  }
0x6b: {  	p0 =	sne.s32 s1, $0x0;
	_ =	strace $0x90000047  }
0x6c: {  	s0 =	sadd.s32 @!p0 $0x100000, s0;
	[bflag:$0x2] =	sbarrier.arrive $0xFFFF  }
0x6d: {  	[sflag:s0] =	ssyncadd.tile.s32 @!p0 $0x1;
	_ =	shalt  }
.Lfunc_end2:
_tile_overlayer_lowered:
.L_overlay_start_2:
0x6e: {  	(tag) =	ssettag $0x2  }
0x6f: {  	s0 =	rddreg [dreg:$0x0];
	s2 =	stileid.u32  }
0x70: {  	s1 =	rddreg [dreg:$0x1];
	p0 =	sne.s32 s2, $0x0  }
0x71: {  	s3 =	rddreg [dreg:$0x2];
	[bflag:$0x3] =	sbarrier.arrive $0xFFFF;
	s2 =	simm.s32 @!p0 $0x1C02  }
0x72: {  	[timem:s3], [sflag:s2] =	dma.local @!p0 [hbm:s0], s1  }
0x73: {  	s0 =	simm.s32 @!p0 $0x2  }
0x74: {  	_ =	swait.ge @!p0 [sflag:s0], s1  }
0x75: {  	s1 =	ssub.s32 @!p0 $0x0, s1;
	[sflag:s0] =	ssyncset.done @!p0 $0x0  }
0x76: {  	[sflag:s0] =	ssyncadd.s32 @!p0 s1  }
0x77: {  	[bflag:$0x3] =	sbarrier.arrive $0xFFFF  }
0x78: {  	_ =	shalt  }

// kernel: kernel.19.cloned.1.call-start
scs
__scs_entry_jumppad:
0x0: {  	(pc) =	sbr.rel $0x88, $3  }
0x1: {  	(tag) =	ssettag $0x0;
	lr =	simm.s32 $0x1  }
0x2: {  	[smem:$0x3F97] =	sst lr;
	_ =	strace $0xD0000000  }
0x3: {  	_ = 	snop  }
0x4: {  	_ = 	snop  }
0x5: {  	_ = 	snop  }
0x6: {  	_ = 	snop  }
0x7: {  	_ = 	snop  }
__scs_overlays_trampoline_lowered:
0x8: {  	[smem:$0x3FA6] =	sst s0  }
0x9: {  	[smem:$0x3FA7] =	sst s1  }
0xa: {  	[smem:$0x3FA8] =	sst s2  }
0xb: {  	[smem:$0x3FA9] =	sst s3  }
0xc: {  	[smem:$0x3FAA] =	sst s4  }
0xd: {  	[smem:$0x3FAB] =	sst s5  }
0xe: {  	[smem:$0x3FAC] =	sst s6  }
0xf: {  	[smem:$0x3FAD] =	sst s7  }
0x10: {  	[smem:$0x3FAE] =	sst s8  }
0x11: {  	[smem:$0x3FAF] =	sst s9;
	s0 =	simm.s32 @!p0 $0x0  }
0x12: {  	s1 =	sld [smem:$0x3F95];
	s0 =	simm.s32 @p0 $0x1  }
0x13: {  	[smem:$0x3FB0] =	sst s0;
	s0 =	simm.s32 @!p1 $0x0  }
0x14: {  	s2 =	sld [smem:$0x3F94];
	s0 =	simm.s32 @p1 $0x1  }
0x15: {  	[smem:$0x3FB1] =	sst s0;
	s0 =	simm.s32 @!p2 $0x0  }
0x16: {  	s3 =	sld [smem:$0x3FDB];
	s0 =	simm.s32 @p2 $0x1  }
0x17: {  	s4 =	simm.s32 $0x1BF5;
	[smem:$0x3FB3] =	sst s0  }
0x18: {  	s0 =	sld [smem:$0x3F96];
	_ =	swait.ge [sflag:s4], $0x0  }
0x19: {  	s7 =	sld [smem:$0x3F97]  }
0x1a: {  	s8 =	sadd.s32 $0xFFFFE003, lr  }
0x1b: {  	s9 =	sadd.s32 $0xFFFFFEF7, lr;
	s5 =	simm.s32 $0xFFFFFFFF;
	p2 =	slt.u32 s8, $0xFFFFF086  }
0x1c: {  	p1 =	slt.u32 s9, $0xF7A;
	s5 =	simm.s32 @!p2 $0x0  }
0x1d: {  	s5 =	simm.s32 @p1 $0x1;
	p0 =	seq.s32 s7, s2  }
0x1e: {  	s7 =	smul.u32 @!p0 $0xF7A, s2;
	p2 =	seq.s32 @!p0 s5, $0x0  }
0x1f: {  	s9 =	smul.u32 $0xF7A, s1;
	s8 =	simm.s32 @!p0 $0x1BF5;
	p2 =	por !p2, p0  }
0x20: {  	[sflag:s8] =	ssyncset.s32 @!p0 $0xFFFFF086;
	s6 =	sadd.s32 @!p0 s3, s7;
	s7 =	simm.s32 @!p0 $0x108  }
0x21: {  	s3 =	sadd.s32 s3, s9;
	s6 =	sadd.s32 @!p0 $0x88, s6;
	s7 =	simm.s32 @p2 $0x1082  }
0x22: {  	[simem:s7], [sflag:s8] =	dma.local @!p0 [hbm:s6], $0xF7A  }
0x23: {  	s9 =	sor.u32 $0xD0000000, s2;
	s6 =	simm.s32 $0x108;
	_ =	swait.ge @!p0 [sflag:s8], $0x0  }
0x24: {  	s3 =	sadd.s32 $0x88, s3;
	s6 =	simm.s32 @!p1 $0x1082;
	[sflag:s4] =	ssyncset.s32 $0xFFFFF086  }
0x25: {  	[simem:s6], [sflag:s4] =	dma.local [hbm:s3], $0xF7A  }
0x26: {  	[smem:$0x3F97] =	sst s1;
	(tag) =	ssettag s2;
	_ =	strace s9  }
0x27: {  	s1 =	sld [smem:$0x3FA7]  }
0x28: {  	s2 =	sld [smem:$0x3FA8]  }
0x29: {  	s4 =	sld [smem:$0x3FAA]  }
0x2a: {  	p0 =	seq.s32 s5, $0x0;
	s5 =	sld [smem:$0x3FAB]  }
0x2b: {  	s6 =	sld [smem:$0x3FAC]  }
0x2c: {  	s7 =	sld [smem:$0x3FAD]  }
0x2d: {  	s3 =	simm.s32 $0x108;
	s8 =	sld [smem:$0x3FAE]  }
0x2e: {  	s3 =	simm.s32 @!p0 $0x1082;
	s9 =	sld [smem:$0x3FAF]  }
0x2f: {  	lr =	sadd.s32 s0, s3;
	s0 =	sld [smem:$0x3FA6]  }
0x30: {  	s3 =	sld [smem:$0x3FA9]  }
0x31: {  	[smem:$0x3FB2] =	sst s10  }
0x32: {  	s10 =	sld [smem:$0x3FB0];
	_ =	sdelay $0x3  }
0x33: {  	p0 =	seq.s32 s10, $0x1;
	s10 =	sld [smem:$0x3FB2];
	_ =	sdelay $0x3  }
0x34: {  	[smem:$0x3FB2] =	sst s10  }
0x35: {  	s10 =	sld [smem:$0x3FB1];
	_ =	sdelay $0x3  }
0x36: {  	p1 =	seq.s32 s10, $0x1;
	s10 =	sld [smem:$0x3FB2];
	_ =	sdelay $0x3  }
0x37: {  	[smem:$0x3FB2] =	sst s10  }
0x38: {  	s10 =	sld [smem:$0x3FB3]  }
0x39: {  	_ = 	snop;
	(pc) =	sbr.ind lr, $3  }
0x3a: {  	_ = 	snop  }
0x3b: {  	_ = 	snop  }
0x3c: {  	p2 =	seq.s32 s10, $0x1;
	s10 =	sld [smem:$0x3FB2]  }
0x3d: {  	_ =	shalt  }
0x3e: {  	_ =	shalt  }
0x3f: {  	_ =	shalt  }
0x40: {  	_ =	shalt  }
0x41: {  	_ =	shalt  }
0x42: {  	_ =	shalt  }
0x43: {  	_ =	shalt  }
0x44: {  	_ =	shalt  }
0x45: {  	_ =	shalt  }
0x46: {  	_ =	shalt  }
0x47: {  	_ =	shalt  }
0x48: {  	_ =	shalt  }
0x49: {  	_ =	shalt  }
0x4a: {  	_ =	shalt  }
0x4b: {  	_ =	shalt  }
0x4c: {  	_ =	shalt  }
0x4d: {  	_ =	shalt  }
0x4e: {  	_ =	shalt  }
0x4f: {  	_ =	shalt  }
0x50: {  	_ =	shalt  }
0x51: {  	_ =	shalt  }
0x52: {  	_ =	shalt  }
0x53: {  	_ =	shalt  }
0x54: {  	_ =	shalt  }
0x55: {  	_ =	shalt  }
0x56: {  	_ =	shalt  }
0x57: {  	_ =	shalt  }
0x58: {  	_ =	shalt  }
0x59: {  	_ =	shalt  }
0x5a: {  	_ =	shalt  }
0x5b: {  	_ =	shalt  }
0x5c: {  	_ =	shalt  }
0x5d: {  	_ =	shalt  }
0x5e: {  	_ =	shalt  }
0x5f: {  	_ =	shalt  }
0x60: {  	_ =	shalt  }
0x61: {  	_ =	shalt  }
0x62: {  	_ =	shalt  }
0x63: {  	_ =	shalt  }
0x64: {  	_ =	shalt  }
0x65: {  	_ =	shalt  }
0x66: {  	_ =	shalt  }
0x67: {  	_ =	shalt  }
0x68: {  	_ =	shalt  }
0x69: {  	_ =	shalt  }
0x6a: {  	_ =	shalt  }
0x6b: {  	_ =	shalt  }
0x6c: {  	_ =	shalt  }
0x6d: {  	_ =	shalt  }
0x6e: {  	_ =	shalt  }
0x6f: {  	_ =	shalt  }
0x70: {  	_ =	shalt  }
0x71: {  	_ =	shalt  }
0x72: {  	_ =	shalt  }
0x73: {  	_ =	shalt  }
0x74: {  	_ =	shalt  }
0x75: {  	_ =	shalt  }
0x76: {  	_ =	shalt  }
0x77: {  	_ =	shalt  }
0x78: {  	_ =	shalt  }
0x79: {  	_ =	shalt  }
0x7a: {  	_ =	shalt  }
0x7b: {  	_ =	shalt  }
0x7c: {  	_ =	shalt  }
0x7d: {  	_ =	shalt  }
0x7e: {  	_ =	shalt  }
0x7f: {  	_ =	shalt  }
0x80: {  	_ =	shalt  }
0x81: {  	_ =	shalt  }
0x82: {  	_ =	shalt  }
0x83: {  	_ =	shalt  }
0x84: {  	_ =	shalt  }
0x85: {  	_ =	shalt  }
0x86: {  	_ =	shalt  }
0x87: {  	_ =	shalt  }
.Lfunc_end0:
.L_simem_size_0:
called_computation.2_lowered:
.L_overlay_start_0:
0x88: {  	s2 =	sld [smem:$0x3FD9]  }
0x89: {  	s3 =	sld [smem:$0x3FFE];
	_ =	sdelay $0x1  }
0x8a: {  	s1 =	srdreg.scid  }
0x8b: {  	s0 =	sand.u32 $0x1, s1  }
0x8c: {  	s17 =	sshll.u32 s0, $0xA;
	s2 =	sadd.s32 s3, s2  }
0x8d: {  	s2 =	sadd.s32 s2, s17  }
0x8e: {  	[smem:$0x3FBE] =	sst s2  }
0x8f: {  	_ = 	snop  }
0x90: {  	(tm) =	ssettm $0x1  }
0x91: {  	s18 =	sld [smem:$0x3FFB];
	_ =	sdelay $0x3  }
0x92: {  	_ =	strace s18  }
0x93: {  	s2 =	sld [smem:$0x3FFC];
	_ =	sdelay $0x3  }
0x94: {  	_ =	strace s2  }
0x95: {  	s2 =	sld [smem:$0x3FFD];
	_ =	sdelay $0x3  }
0x96: {  	_ =	strace s2  }
0x97: {  	_ =	strace $0x8FFFFFFF  }
0x98: {  	s19 =	sld [smem:$0x3FDB];
	_ =	sdelay $0x1  }
0x99: {  	s20 =	simm.s32 $_scs_section_size  }
0x9a: {  	s4 =	simm.s32 $_size__tile_overlayer_lowered;
	s5 =	simm.s32 $_tile_overlayer_lowered  }
0x9b: {  	s6 =	simm.s32 $0x1BFF;
	s21 =	sshll.u32 s5, $0x1;
	s3 =	sadd.s32 s20, s19  }
0x9c: {  	s22 =	simm.s32 $0x0;
	s4 =	sshll.u32 s4, $0x1;
	s5 =	sadd.s32 s21, s3  }
0x9d: {  	[timem:s22], [sflag:s6] =	dma.local [hbm:s5], s4  }
0x9e: {  	_ =	swait.ge [sflag:s6], s4  }
0x9f: {  	s4 =	ssub.s32 $0x0, s4;
	[sflag:s6] =	ssyncset.done $0x0  }
0xa0: {  	[sflag:s6] =	ssyncadd.s32 s4;
	_ =	sdelay $0x1  }
0xa1: {  	s23 =	simm.s32 $0x1B8B  }
0xa2: {  	_ =	swait.ge [sflag:s23], $0x1  }
0xa3: {  	[sflag:s23] =	ssyncset.done $0x0  }
0xa4: {  	[sflag:s23] =	ssyncadd.s32 $0xFFFFFFFF  }
0xa5: {  	s4 =	sld [smem:$0x0]  }
0xa6: {  	s5 =	sand.u32 $0xFFFFFFFE, s1  }
0xa7: {  	p0 =	sne.s32 s1, s5  }
0xa8: {  	s5 =	sshll.u32 @p0 s5, $0xE  }
0xa9: {  	s5 =	sadd.s32 @p0 $0x11B8D, s5;
	s6 =	sshll.u32 @p0 s4, $0x11  }
0xaa: {  	s5 =	sor.u32 @p0 s6, s5  }
0xab: {  	[sflag:s5] =	ssyncadd.remote.s32 @p0 $0x1;
	_ =	sdelay $0x1  }
0xac: {  	s5 =	simm.s32 @p0 $0x1B8D  }
0xad: {  	_ =	swait.eq @p0 [sflag:s5], $0x1  }
0xae: {  	[sflag:s5] =	ssyncadd.s32 @p0 $0xFFFFFFFF  }
0xaf: {  	s6 =	sshll.u32 @!p0 s1, $0xE  }
0xb0: {  	s6 =	sor.u32 @!p0 $0x4000, s6;
	s5 =	simm.s32 @!p0 $0x1B8D  }
0xb1: {  	s4 =	sshll.u32 @!p0 s4, $0x11;
	s6 =	sadd.s32 @!p0 $0x11B8D, s6;
	_ =	swait.eq @!p0 [sflag:s5], $0x1  }
0xb2: {  	s4 =	sor.u32 @!p0 s4, s6;
	[sflag:s5] =	ssyncadd.s32 @!p0 $0xFFFFFFFF  }
0xb3: {  	s25 =	simm.s32 $0x1B8E;
	s24 =	sld [smem:$0x3FFE];
	[sflag:s4] =	ssyncadd.remote.s32 @!p0 $0x1  }
0xb4: {  	s26 =	simm.s32 $execute0_lowered;
	[smem:$0x3FD2] =	sst s25  }
0xb5: {  	s5 =	sshll.u32 s26, $0x1;
	_ =	strace $0x8000004C;
	[dreg:$0x1] =	wrdreg $0xFFFFFFFF  }
0xb6: {  	s28 =	simm.s32 $_size_execute0_lowered;
	s3 =	sadd.s32 s3, s5;
	[dreg:$0x0] =	wrdreg $0x0  }
0xb7: {  	s5 =	sshll.u32 s28, $0x1;
	[dreg:$0x2] =	wrdreg s3  }
0xb8: {  	[dreg:$0x3] =	wrdreg s5  }
0xb9: {  	[dreg:$0x4] =	wrdreg $0xC0  }
0xba: {  	_ =	task [dreg:s22], $0x5FFFF  }
0xbb: {  	[dreg:$0x1] =	wrdreg $0xFFFFFFFF  }
0xbc: {  	[dreg:$0x0] =	wrdreg $0x60  }
0xbd: {  	[dreg:$0x2] =	wrdreg s24  }
0xbe: {  	[dreg:$0x3] =	wrdreg $0xB  }
0xbf: {  	_ =	task.clear_ibuf [dreg:s22], $0x4FFFF;
	_ =	strace $0x9000004C  }
0xc0: {  	s29 =	simm.s32 $0xB;
	_ =	strace $0x8000004E  }
0xc1: {  	_ =	swait.ge [sflag:s29], $0x1  }
0xc2: {  	[sflag:s29] =	ssyncadd.s32 $0xFFFFFFFF  }
0xc3: {  	_ =	strace $0x9000004E  }
0xc4: {  	_ =	sfence  }
0xc5: {  	s30 =	sld [smem:$0x0];
	_ =	sdelay $0x2  }
0xc6: {  	s31 =	sshll.u32 s1, $0xD;
	s1 =	sshrl.u32 s1, $0x2  }
0xc7: {  	s4 =	sand.u32 $0x4000, s31;
	s1 =	sadd.s32 s1, s30  }
0xc8: {  	s0 =	sor.u32 s4, s0;
	s1 =	sshll.u32 s1, $0x11  }
0xc9: {  	s0 =	sor.u32 s1, s0  }
0xca: {  	s0 =	sadd.s32 $0x8F2B, s0  }
0xcb: {  	[sflag:s0] =	ssyncadd.remote.s32 $0x1  }
0xcc: {  	_ =	sfence.sel $0xFFFF  }
0xcd: {  	[dreg:$0x0] =	wrdreg $0xFFFFFFFF;
	(pc) =	sbr.abs _section_cstart, $3  }
0xce: {  	[dreg:$0x1] =	wrdreg $0xFFFFFFFF  }
0xcf: {  	_ =	task.clear_ibuf [dreg:s22], $0x2FFFF;
	_ =	strace $0x9FFFFFFF  }
0xd0: {  	(tm) =	ssettm $0x7FFFFFFF  }
0xd1: {  	_ =	shalt  }
tec
execute0_lowered:
.L_overlay_start_1:
0x0: {  	(tag) =	ssettag $0x1  }
0x1: {  	s4 =	rddreg [dreg:$0x0]  }
0x2: {  	s0 =	rddreg [dreg:$0x1];
	s2 =	simm.s32 $0x0;
	s1 =	stileid.u32  }
0x3: {  	s5 =	srdreg.scid;
	s19 =	simm.s32 $0x0;
	[smem:$0x7FF] =	sst s2  }
0x4: {  	s3 =	sadd.s32 $0x18B800, s4;
	s6 =	sshll.u32 s1, $0x5;
	s12 =	sand.u32 $0x1, s5  }
0x5: {  	s14 =	sadd.s32 $0x125800, s4;
	s22 =	sshll.u32 s1, $0xC;
	s8 =	sshll.u32 s1, $0x1  }
0x6: {  	s11 =	sadd.s32 $0x1DDD0, s4;
	_ =	strace $0x8000004D;
	s13 =	sadd.s32 s6, s4  }
0x7: {  	s5 =	ssub.s32 $0x2, s12;
	s15 =	sadd.s32 s22, s4;
	s9 =	sor.u32 s12, s8  }
0x8: {  	s30 =	sshll.u32 s12, $0xB;
	s12 =	sshll.u32 s12, $0x4;
	s7 =	sshrl.u32 s5, $0x1  }
0x9: {  	s23 =	sshll.u32 s9, $0x4;
	s24 =	sshll.u32 s9, $0xB;
	s25 =	sor.u32 $0x20, s9  }
0xa: {  	s28 =	sor.u32 $0x40, s9;
	s17 =	sor.u32 $0x60, s9;
	s15 =	sadd.s32 s30, s15  }
0xb: {  	s31 =	sadd.s32 s12, s13;
	s5 =	ssub.s32 s5, s7;
	s6 =	sadd.s32 s14, s24  }
0xc: {  	s26 =	sshll.u32 s25, $0x4;
	s10 =	sshll.u32 s25, $0xB;
	s16 =	sshll.u32 s28, $0x4  }
0xd: {  	s29 =	sshll.u32 s17, $0x4;
	s18 =	sshll.u32 s17, $0xB;
	s13 =	sadd.s32 $0x632200, s15  }
0xe: {  	p0 =	sgt.u32 s17, $0x63;
	s15 =	simm.s32 $0x3;
	s17 =	simm.s32 $0x1  }
0xf: {  	s4 =	smax.u32 s5, $0x1;
	s5 =	sadd.s32 s23, s11;
	s7 =	sadd.s32 s26, s11  }
0x10: {  	s8 =	sadd.s32 s14, s10;
	s10 =	sshll.u32 s28, $0xB;
	s9 =	sadd.s32 s16, s11  }
0x11: {  	s11 =	sadd.s32 s29, s11;
	s12 =	sadd.s32 s14, s18;
	s16 =	simm.s32 $0x80  }
0x12: {  	s18 =	simm.s32 $0x2;
	s10 =	sadd.s32 s14, s10;
	s14 =	sadd.s32 $0xCB00, s31  }
.LBB2_1:
0x13: {  	[tilespmem:s2], [sflag:$0x3] =	stream.linear.gather [hbm4b:s5+s2], $0x80, $0x38;
	[tilespmem:$0x4080] =	vst v63  }
0x14: {  	_ =	swait.ge [sflag:s15], $0x80  }
0x15: {  	[sflag:s15] =	ssyncset.done $0x0  }
0x16: {  	[sflag:s15] =	ssyncadd.s32 $0xFFFFFF80  }
0x17: {  	[tilespmem:s16], [sflag:$0x1] =	stream.indirect.gather [hbm4b:s3+s16], $0x80, s2, s16, $0xb8;
	[tilespmem:$0x4080] =	vst v63  }
0x18: {  	_ =	swait.ge [sflag:s17], $0x4000  }
0x19: {  	[sflag:s17] =	ssyncset.done $0x0  }
0x1a: {  	[sflag:s17] =	ssyncadd.s32 $0xFFFFC000  }
0x1b: {  	[hbm4b:s6+s2] =	stream.linear.scatter [tilespmem:s16], [sflag:$0x2], $0x4000, $0x38;
	[tilespmem:$0x4080] =	vst v63  }
0x1c: {  	_ =	swait.ge [sflag:s18], $0x4000  }
0x1d: {  	[sflag:s18] =	ssyncset.done $0x0  }
0x1e: {  	[sflag:s18] =	ssyncadd.s32 $0xFFFFC000  }
0x1f: {  	[tilespmem:s2], [sflag:$0x3] =	stream.linear.gather [hbm4b:s7+s2], $0x80, $0x38;
	[tilespmem:$0x4080] =	vst v63  }
0x20: {  	_ =	swait.ge [sflag:s15], $0x80  }
0x21: {  	[sflag:s15] =	ssyncset.done $0x0  }
0x22: {  	[sflag:s15] =	ssyncadd.s32 $0xFFFFFF80  }
0x23: {  	[tilespmem:s16], [sflag:$0x1] =	stream.indirect.gather [hbm4b:s3+s16], $0x80, s2, s16, $0xb8;
	[tilespmem:$0x4080] =	vst v63  }
0x24: {  	_ =	swait.ge [sflag:s17], $0x4000  }
0x25: {  	[sflag:s17] =	ssyncset.done $0x0  }
0x26: {  	[sflag:s17] =	ssyncadd.s32 $0xFFFFC000  }
0x27: {  	[hbm4b:s8+s2] =	stream.linear.scatter [tilespmem:s16], [sflag:$0x2], $0x4000, $0x38;
	[tilespmem:$0x4080] =	vst v63  }
0x28: {  	_ =	swait.ge [sflag:s18], $0x4000  }
0x29: {  	[sflag:s18] =	ssyncset.done $0x0  }
0x2a: {  	[sflag:s18] =	ssyncadd.s32 $0xFFFFC000  }
0x2b: {  	[tilespmem:s2], [sflag:$0x3] =	stream.linear.gather [hbm4b:s9+s2], $0x80, $0x38;
	[tilespmem:$0x4080] =	vst v63  }
0x2c: {  	_ =	swait.ge [sflag:s15], $0x80  }
0x2d: {  	[sflag:s15] =	ssyncset.done $0x0  }
0x2e: {  	[sflag:s15] =	ssyncadd.s32 $0xFFFFFF80  }
0x2f: {  	[tilespmem:s16], [sflag:$0x1] =	stream.indirect.gather [hbm4b:s3+s16], $0x80, s2, s16, $0xb8;
	[tilespmem:$0x4080] =	vst v63  }
0x30: {  	_ =	swait.ge [sflag:s17], $0x4000  }
0x31: {  	[sflag:s17] =	ssyncset.done $0x0  }
0x32: {  	[sflag:s17] =	ssyncadd.s32 $0xFFFFC000  }
0x33: {  	[hbm4b:s10+s2] =	stream.linear.scatter [tilespmem:s16], [sflag:$0x2], $0x4000, $0x38;
	[tilespmem:$0x4080] =	vst v63  }
0x34: {  	_ =	swait.ge [sflag:s18], $0x4000  }
0x35: {  	[sflag:s18] =	ssyncset.done $0x0  }
0x36: {  	s20 =	simm.s32 @!p0 $0x0;
	s21 =	simm.s32 @!p0 $0x3;
	[sflag:s18] =	ssyncadd.s32 $0xFFFFC000  }
0x37: {  	[tilespmem:s20], [sflag:$0x3] =	stream.linear.gather @!p0 [hbm4b:s11+s20], $0x80, $0x38;
	[tilespmem:$0x4080] =	vst v63  }
0x38: {  	_ =	swait.ge @!p0 [sflag:s21], $0x80  }
0x39: {  	[sflag:s21] =	ssyncset.done @!p0 $0x0  }
0x3a: {  	s22 =	simm.s32 @!p0 $0x1;
	[sflag:s21] =	ssyncadd.s32 @!p0 $0xFFFFFF80;
	s21 =	simm.s32 @!p0 $0x80  }
0x3b: {  	[tilespmem:s21], [sflag:$0x1] =	stream.indirect.gather @!p0 [hbm4b:s3+s21], $0x80, s20, s21, $0xb8;
	[tilespmem:$0x4080] =	vst v63  }
0x3c: {  	_ =	swait.ge @!p0 [sflag:s22], $0x4000  }
0x3d: {  	[sflag:s22] =	ssyncset.done @!p0 $0x0  }
0x3e: {  	[sflag:s22] =	ssyncadd.s32 @!p0 $0xFFFFC000  }
0x3f: {  	[hbm4b:s12+s20] =	stream.linear.scatter @!p0 [tilespmem:s21], [sflag:$0x2], $0x4000, $0x38;
	[tilespmem:$0x4080] =	vst v63  }
0x40: {  	s20 =	simm.s32 @!p0 $0x2  }
0x41: {  	_ =	swait.ge @!p0 [sflag:s20], $0x4000  }
0x42: {  	[sflag:s20] =	ssyncset.done @!p0 $0x0  }
0x43: {  	s31 =	sadd.s32 $0x0, s14;
	[sflag:s20] =	ssyncadd.s32 @!p0 $0xFFFFC000  }
0x44: {  	[tilespmem:s2], [sflag:$0x3] =	stream.linear.gather [hbm4b:s31+s2], $0x80, $0x38;
	[tilespmem:$0x4080] =	vst v63  }
0x45: {  	_ =	swait.ge [sflag:s15], $0x80  }
0x46: {  	[sflag:s15] =	ssyncset.done $0x0  }
0x47: {  	[sflag:s15] =	ssyncadd.s32 $0xFFFFFF80  }
0x48: {  	[tilespmem:s16], [sflag:$0x1] =	stream.indirect.gather [hbm4b:s3+s16], $0x80, s2, s16, $0xb8;
	[tilespmem:$0x4080] =	vst v63  }
0x49: {  	_ =	swait.ge [sflag:s17], $0x4000  }
0x4a: {  	[sflag:s17] =	ssyncset.done $0x0  }
0x4b: {  	[sflag:s17] =	ssyncadd.s32 $0xFFFFC000  }
0x4c: {  	[hbm4b:s13+s2] =	stream.linear.scatter [tilespmem:s16], [sflag:$0x2], $0x4000, $0x38;
	[tilespmem:$0x4080] =	vst v63  }
0x4d: {  	s22 =	simm.s32 $0x400;
	_ =	swait.ge [sflag:s18], $0x4000  }
0x4e: {  	s21 =	simm.s32 $0x200;
	s20 =	sadd.s32 $0x10000, s13;
	[sflag:s18] =	ssyncset.done $0x0  }
.LBB2_2:
0x4f: {  	s23 =	sadd.s32 s21, s14  }
0x50: {  	[sflag:s18] =	ssyncadd.s32 $0xFFFFC000;
	s21 =	smov.u32 s22;
	s24 =	sadd.s32 $0x200, s22  }
0x51: {  	[tilespmem:s2], [sflag:$0x3] =	stream.linear.gather [hbm4b:s23+s2], $0x80, $0x38;
	[tilespmem:$0x4080] =	vst v63  }
0x52: {  	p1 =	sne.s32 s22, $0x6200;
	_ =	swait.ge [sflag:s15], $0x80  }
0x53: {  	[sflag:s15] =	ssyncset.done $0x0  }
0x54: {  	[sflag:s15] =	ssyncadd.s32 $0xFFFFFF80  }
0x55: {  	[tilespmem:s16], [sflag:$0x1] =	stream.indirect.gather [hbm4b:s3+s16], $0x80, s2, s16, $0xb8;
	[tilespmem:$0x4080] =	vst v63  }
0x56: {  	_ =	swait.ge [sflag:s17], $0x4000  }
.Ltmp0:
0x57: {  	[sflag:s17] =	ssyncset.done $0x0;
	(pc) =	sbr.rel @p1 .LBB2_2-.Ltmp0, $4  }
0x58: {  	[sflag:s17] =	ssyncadd.s32 $0xFFFFC000  }
0x59: {  	[hbm4b:s20+s2] =	stream.linear.scatter [tilespmem:s16], [sflag:$0x2], $0x4000, $0x38;
	[tilespmem:$0x4080] =	vst v63  }
0x5a: {  	_ =	swait.ge [sflag:s18], $0x4000  }
0x5b: {  	s22 =	smov.u32 s24;
	s20 =	sadd.s32 $0x10000, s20;
	[sflag:s18] =	ssyncset.done $0x0  }
0x5c: {  	s21 =	sadd.s32 s21, s14;
	[sflag:s18] =	ssyncadd.s32 $0xFFFFC000  }
0x5d: {  	[tilespmem:s2], [sflag:$0x3] =	stream.linear.gather [hbm4b:s21+s2], $0x80, $0x38;
	[tilespmem:$0x4080] =	vst v63  }
0x5e: {  	_ =	swait.ge [sflag:s15], $0x80  }
0x5f: {  	[sflag:s15] =	ssyncset.done $0x0  }
0x60: {  	[sflag:s15] =	ssyncadd.s32 $0xFFFFFF80  }
0x61: {  	[tilespmem:s16], [sflag:$0x1] =	stream.indirect.gather [hbm4b:s3+s16], $0x80, s2, s16, $0xb8;
	[tilespmem:$0x4080] =	vst v63  }
0x62: {  	s19 =	sadd.s32 $0x1, s19;
	_ =	swait.ge [sflag:s17], $0x4000  }
0x63: {  	p1 =	sne.s32 s19, s4;
	[sflag:s17] =	ssyncset.done $0x0  }
.Ltmp1:
0x64: {  	[sflag:s17] =	ssyncadd.s32 $0xFFFFC000;
	(pc) =	sbr.rel @p1 .LBB2_1-.Ltmp1, $4  }
0x65: {  	[hbm4b:s20+s2] =	stream.linear.scatter [tilespmem:s16], [sflag:$0x2], $0x4000, $0x38;
	[tilespmem:$0x4080] =	vst v63  }
0x66: {  	_ =	swait.ge [sflag:s18], $0x4000  }
0x67: {  	[sflag:s18] =	ssyncset.done $0x0  }
0x68: {  	[sflag:s18] =	ssyncadd.s32 $0xFFFFC000  }
0x69: {  	_ =	sfence.sel $0x180000  }
0x6a: {  	[bflag:$0x0] =	sbarrier.arrive $0xFFFF  }
0x6b: {  	p0 =	sne.s32 s1, $0x0;
	_ =	strace $0x9000004D  }
0x6c: {  	s0 =	sadd.s32 @!p0 $0x100000, s0;
	[bflag:$0x2] =	sbarrier.arrive $0xFFFF  }
0x6d: {  	[sflag:s0] =	ssyncadd.tile.s32 @!p0 $0x1;
	_ =	shalt  }
.Lfunc_end2:
_tile_overlayer_lowered:
.L_overlay_start_2:
0x6e: {  	(tag) =	ssettag $0x2  }
0x6f: {  	s0 =	rddreg [dreg:$0x0];
	s2 =	stileid.u32  }
0x70: {  	s1 =	rddreg [dreg:$0x1];
	p0 =	sne.s32 s2, $0x0  }
0x71: {  	s3 =	rddreg [dreg:$0x2];
	[bflag:$0x3] =	sbarrier.arrive $0xFFFF;
	s2 =	simm.s32 @!p0 $0x1C02  }
0x72: {  	[timem:s3], [sflag:s2] =	dma.local @!p0 [hbm:s0], s1  }
0x73: {  	s0 =	simm.s32 @!p0 $0x2  }
0x74: {  	_ =	swait.ge @!p0 [sflag:s0], s1  }
0x75: {  	s1 =	ssub.s32 @!p0 $0x0, s1;
	[sflag:s0] =	ssyncset.done @!p0 $0x0  }
0x76: {  	[sflag:s0] =	ssyncadd.s32 @!p0 s1  }
0x77: {  	[bflag:$0x3] =	sbarrier.arrive $0xFFFF  }
0x78: {  	_ =	shalt  }

// kernel: kernel.22.cloned.1.call-start
scs
__scs_entry_jumppad:
0x0: {  	(pc) =	sbr.rel $0x88, $3  }
0x1: {  	(tag) =	ssettag $0x0;
	lr =	simm.s32 $0x1  }
0x2: {  	[smem:$0x3F97] =	sst lr;
	_ =	strace $0xD0000000  }
0x3: {  	_ = 	snop  }
0x4: {  	_ = 	snop  }
0x5: {  	_ = 	snop  }
0x6: {  	_ = 	snop  }
0x7: {  	_ = 	snop  }
__scs_overlays_trampoline_lowered:
0x8: {  	[smem:$0x3FA6] =	sst s0  }
0x9: {  	[smem:$0x3FA7] =	sst s1  }
0xa: {  	[smem:$0x3FA8] =	sst s2  }
0xb: {  	[smem:$0x3FA9] =	sst s3  }
0xc: {  	[smem:$0x3FAA] =	sst s4  }
0xd: {  	[smem:$0x3FAB] =	sst s5  }
0xe: {  	[smem:$0x3FAC] =	sst s6  }
0xf: {  	[smem:$0x3FAD] =	sst s7  }
0x10: {  	[smem:$0x3FAE] =	sst s8  }
0x11: {  	[smem:$0x3FAF] =	sst s9;
	s0 =	simm.s32 @!p0 $0x0  }
0x12: {  	s1 =	sld [smem:$0x3F95];
	s0 =	simm.s32 @p0 $0x1  }
0x13: {  	[smem:$0x3FB0] =	sst s0;
	s0 =	simm.s32 @!p1 $0x0  }
0x14: {  	s2 =	sld [smem:$0x3F94];
	s0 =	simm.s32 @p1 $0x1  }
0x15: {  	[smem:$0x3FB1] =	sst s0;
	s0 =	simm.s32 @!p2 $0x0  }
0x16: {  	s3 =	sld [smem:$0x3FDB];
	s0 =	simm.s32 @p2 $0x1  }
0x17: {  	s4 =	simm.s32 $0x1BF5;
	[smem:$0x3FB3] =	sst s0  }
0x18: {  	s0 =	sld [smem:$0x3F96];
	_ =	swait.ge [sflag:s4], $0x0  }
0x19: {  	s7 =	sld [smem:$0x3F97]  }
0x1a: {  	s8 =	sadd.s32 $0xFFFFE003, lr  }
0x1b: {  	s9 =	sadd.s32 $0xFFFFFEF7, lr;
	s5 =	simm.s32 $0xFFFFFFFF;
	p2 =	slt.u32 s8, $0xFFFFF086  }
0x1c: {  	p1 =	slt.u32 s9, $0xF7A;
	s5 =	simm.s32 @!p2 $0x0  }
0x1d: {  	s5 =	simm.s32 @p1 $0x1;
	p0 =	seq.s32 s7, s2  }
0x1e: {  	s7 =	smul.u32 @!p0 $0xF7A, s2;
	p2 =	seq.s32 @!p0 s5, $0x0  }
0x1f: {  	s9 =	smul.u32 $0xF7A, s1;
	s8 =	simm.s32 @!p0 $0x1BF5;
	p2 =	por !p2, p0  }
0x20: {  	[sflag:s8] =	ssyncset.s32 @!p0 $0xFFFFF086;
	s6 =	sadd.s32 @!p0 s3, s7;
	s7 =	simm.s32 @!p0 $0x108  }
0x21: {  	s3 =	sadd.s32 s3, s9;
	s6 =	sadd.s32 @!p0 $0x88, s6;
	s7 =	simm.s32 @p2 $0x1082  }
0x22: {  	[simem:s7], [sflag:s8] =	dma.local @!p0 [hbm:s6], $0xF7A  }
0x23: {  	s9 =	sor.u32 $0xD0000000, s2;
	s6 =	simm.s32 $0x108;
	_ =	swait.ge @!p0 [sflag:s8], $0x0  }
0x24: {  	s3 =	sadd.s32 $0x88, s3;
	s6 =	simm.s32 @!p1 $0x1082;
	[sflag:s4] =	ssyncset.s32 $0xFFFFF086  }
0x25: {  	[simem:s6], [sflag:s4] =	dma.local [hbm:s3], $0xF7A  }
0x26: {  	[smem:$0x3F97] =	sst s1;
	(tag) =	ssettag s2;
	_ =	strace s9  }
0x27: {  	s1 =	sld [smem:$0x3FA7]  }
0x28: {  	s2 =	sld [smem:$0x3FA8]  }
0x29: {  	s4 =	sld [smem:$0x3FAA]  }
0x2a: {  	p0 =	seq.s32 s5, $0x0;
	s5 =	sld [smem:$0x3FAB]  }
0x2b: {  	s6 =	sld [smem:$0x3FAC]  }
0x2c: {  	s7 =	sld [smem:$0x3FAD]  }
0x2d: {  	s3 =	simm.s32 $0x108;
	s8 =	sld [smem:$0x3FAE]  }
0x2e: {  	s3 =	simm.s32 @!p0 $0x1082;
	s9 =	sld [smem:$0x3FAF]  }
0x2f: {  	lr =	sadd.s32 s0, s3;
	s0 =	sld [smem:$0x3FA6]  }
0x30: {  	s3 =	sld [smem:$0x3FA9]  }
0x31: {  	[smem:$0x3FB2] =	sst s10  }
0x32: {  	s10 =	sld [smem:$0x3FB0];
	_ =	sdelay $0x3  }
0x33: {  	p0 =	seq.s32 s10, $0x1;
	s10 =	sld [smem:$0x3FB2];
	_ =	sdelay $0x3  }
0x34: {  	[smem:$0x3FB2] =	sst s10  }
0x35: {  	s10 =	sld [smem:$0x3FB1];
	_ =	sdelay $0x3  }
0x36: {  	p1 =	seq.s32 s10, $0x1;
	s10 =	sld [smem:$0x3FB2];
	_ =	sdelay $0x3  }
0x37: {  	[smem:$0x3FB2] =	sst s10  }
0x38: {  	s10 =	sld [smem:$0x3FB3]  }
0x39: {  	_ = 	snop;
	(pc) =	sbr.ind lr, $3  }
0x3a: {  	_ = 	snop  }
0x3b: {  	_ = 	snop  }
0x3c: {  	p2 =	seq.s32 s10, $0x1;
	s10 =	sld [smem:$0x3FB2]  }
0x3d: {  	_ =	shalt  }
0x3e: {  	_ =	shalt  }
0x3f: {  	_ =	shalt  }
0x40: {  	_ =	shalt  }
0x41: {  	_ =	shalt  }
0x42: {  	_ =	shalt  }
0x43: {  	_ =	shalt  }
0x44: {  	_ =	shalt  }
0x45: {  	_ =	shalt  }
0x46: {  	_ =	shalt  }
0x47: {  	_ =	shalt  }
0x48: {  	_ =	shalt  }
0x49: {  	_ =	shalt  }
0x4a: {  	_ =	shalt  }
0x4b: {  	_ =	shalt  }
0x4c: {  	_ =	shalt  }
0x4d: {  	_ =	shalt  }
0x4e: {  	_ =	shalt  }
0x4f: {  	_ =	shalt  }
0x50: {  	_ =	shalt  }
0x51: {  	_ =	shalt  }
0x52: {  	_ =	shalt  }
0x53: {  	_ =	shalt  }
0x54: {  	_ =	shalt  }
0x55: {  	_ =	shalt  }
0x56: {  	_ =	shalt  }
0x57: {  	_ =	shalt  }
0x58: {  	_ =	shalt  }
0x59: {  	_ =	shalt  }
0x5a: {  	_ =	shalt  }
0x5b: {  	_ =	shalt  }
0x5c: {  	_ =	shalt  }
0x5d: {  	_ =	shalt  }
0x5e: {  	_ =	shalt  }
0x5f: {  	_ =	shalt  }
0x60: {  	_ =	shalt  }
0x61: {  	_ =	shalt  }
0x62: {  	_ =	shalt  }
0x63: {  	_ =	shalt  }
0x64: {  	_ =	shalt  }
0x65: {  	_ =	shalt  }
0x66: {  	_ =	shalt  }
0x67: {  	_ =	shalt  }
0x68: {  	_ =	shalt  }
0x69: {  	_ =	shalt  }
0x6a: {  	_ =	shalt  }
0x6b: {  	_ =	shalt  }
0x6c: {  	_ =	shalt  }
0x6d: {  	_ =	shalt  }
0x6e: {  	_ =	shalt  }
0x6f: {  	_ =	shalt  }
0x70: {  	_ =	shalt  }
0x71: {  	_ =	shalt  }
0x72: {  	_ =	shalt  }
0x73: {  	_ =	shalt  }
0x74: {  	_ =	shalt  }
0x75: {  	_ =	shalt  }
0x76: {  	_ =	shalt  }
0x77: {  	_ =	shalt  }
0x78: {  	_ =	shalt  }
0x79: {  	_ =	shalt  }
0x7a: {  	_ =	shalt  }
0x7b: {  	_ =	shalt  }
0x7c: {  	_ =	shalt  }
0x7d: {  	_ =	shalt  }
0x7e: {  	_ =	shalt  }
0x7f: {  	_ =	shalt  }
0x80: {  	_ =	shalt  }
0x81: {  	_ =	shalt  }
0x82: {  	_ =	shalt  }
0x83: {  	_ =	shalt  }
0x84: {  	_ =	shalt  }
0x85: {  	_ =	shalt  }
0x86: {  	_ =	shalt  }
0x87: {  	_ =	shalt  }
.Lfunc_end0:
.L_simem_size_0:
called_computation.3_lowered:
.L_overlay_start_0:
0x88: {  	s2 =	sld [smem:$0x3FD9]  }
0x89: {  	s3 =	sld [smem:$0x3FFE];
	_ =	sdelay $0x1  }
0x8a: {  	s1 =	srdreg.scid  }
0x8b: {  	s0 =	sand.u32 $0x1, s1  }
0x8c: {  	s17 =	sshll.u32 s0, $0xA;
	s2 =	sadd.s32 s3, s2  }
0x8d: {  	s2 =	sadd.s32 s2, s17  }
0x8e: {  	[smem:$0x3FBE] =	sst s2  }
0x8f: {  	_ = 	snop  }
0x90: {  	s18 =	sld [smem:$0x3FD0];
	(tm) =	ssettm $0x1  }
0x91: {  	s19 =	sld [smem:$0x3FFB];
	_ =	sdelay $0x3  }
0x92: {  	_ =	strace s19  }
0x93: {  	s2 =	sld [smem:$0x3FFC];
	_ =	sdelay $0x3  }
0x94: {  	_ =	strace s2  }
0x95: {  	s2 =	sld [smem:$0x3FFD];
	_ =	sdelay $0x3  }
0x96: {  	_ =	strace s2  }
0x97: {  	_ =	strace $0x8FFFFFFF  }
0x98: {  	s20 =	sld [smem:$0x3FDB];
	_ =	sdelay $0x1  }
0x99: {  	s4 =	simm.s32 $_scs_section_size  }
0x9a: {  	s5 =	simm.s32 $_size__tile_overlayer_lowered;
	s6 =	simm.s32 $_tile_overlayer_lowered  }
0x9b: {  	s7 =	simm.s32 $0x1BFF;
	s21 =	sshll.u32 s6, $0x1;
	s4 =	sadd.s32 s4, s20  }
0x9c: {  	s22 =	simm.s32 $0x0;
	s5 =	sshll.u32 s5, $0x1;
	s6 =	sadd.s32 s21, s4  }
0x9d: {  	[timem:s22], [sflag:s7] =	dma.local [hbm:s6], s5  }
0x9e: {  	_ =	swait.ge [sflag:s7], s5  }
0x9f: {  	s5 =	ssub.s32 $0x0, s5;
	[sflag:s7] =	ssyncset.done $0x0  }
0xa0: {  	[sflag:s7] =	ssyncadd.s32 s5;
	_ =	sdelay $0x1  }
0xa1: {  	s23 =	simm.s32 $0x1B8B  }
0xa2: {  	_ =	swait.ge [sflag:s23], $0x1  }
0xa3: {  	[sflag:s23] =	ssyncset.done $0x0  }
0xa4: {  	[sflag:s23] =	ssyncadd.s32 $0xFFFFFFFF  }
0xa5: {  	s5 =	sld [smem:$0x0]  }
0xa6: {  	s6 =	sand.u32 $0xFFFFFFFE, s1  }
0xa7: {  	p0 =	sne.s32 s1, s6  }
0xa8: {  	s6 =	sshll.u32 @p0 s6, $0xE  }
0xa9: {  	s6 =	sadd.s32 @p0 $0x11B8D, s6;
	s7 =	sshll.u32 @p0 s5, $0x11  }
0xaa: {  	s6 =	sor.u32 @p0 s7, s6  }
0xab: {  	[sflag:s6] =	ssyncadd.remote.s32 @p0 $0x1;
	_ =	sdelay $0x1  }
0xac: {  	s6 =	simm.s32 @p0 $0x1B8D  }
0xad: {  	_ =	swait.eq @p0 [sflag:s6], $0x1  }
0xae: {  	[sflag:s6] =	ssyncadd.s32 @p0 $0xFFFFFFFF  }
0xaf: {  	s7 =	sshll.u32 @!p0 s1, $0xE  }
0xb0: {  	s7 =	sor.u32 @!p0 $0x4000, s7;
	s6 =	simm.s32 @!p0 $0x1B8D  }
0xb1: {  	s5 =	sshll.u32 @!p0 s5, $0x11;
	s7 =	sadd.s32 @!p0 $0x11B8D, s7;
	_ =	swait.eq @!p0 [sflag:s6], $0x1  }
0xb2: {  	s5 =	sor.u32 @!p0 s5, s7;
	[sflag:s6] =	ssyncadd.s32 @!p0 $0xFFFFFFFF  }
0xb3: {  	s25 =	simm.s32 $0x1B8E;
	s24 =	sld [smem:$0x3FFE];
	[sflag:s5] =	ssyncadd.remote.s32 @!p0 $0x1  }
0xb4: {  	s26 =	simm.s32 $execute0_lowered;
	[smem:$0x3FD2] =	sst s25  }
0xb5: {  	s6 =	sshll.u32 s26, $0x1;
	_ =	strace $0x8000004F;
	[dreg:$0x1] =	wrdreg $0xFFFFFFFF  }
0xb6: {  	s28 =	simm.s32 $_size_execute0_lowered;
	s4 =	sadd.s32 s4, s6;
	[dreg:$0x0] =	wrdreg $0x0  }
0xb7: {  	s6 =	sshll.u32 s28, $0x1;
	[dreg:$0x2] =	wrdreg s4  }
0xb8: {  	[dreg:$0x3] =	wrdreg s6  }
0xb9: {  	[dreg:$0x4] =	wrdreg $0xC0  }
0xba: {  	_ =	task [dreg:s22], $0x5FFFF  }
0xbb: {  	[dreg:$0x1] =	wrdreg $0xFFFFFFFF  }
0xbc: {  	[dreg:$0x0] =	wrdreg $0x60  }
0xbd: {  	[dreg:$0x2] =	wrdreg s24  }
0xbe: {  	[dreg:$0x3] =	wrdreg s18  }
0xbf: {  	[dreg:$0x4] =	wrdreg $0xC  }
0xc0: {  	_ =	task.clear_ibuf [dreg:s22], $0x5FFFF;
	_ =	strace $0x9000004F  }
0xc1: {  	s29 =	simm.s32 $0xC;
	_ =	strace $0x80000051  }
0xc2: {  	_ =	swait.ge [sflag:s29], $0x1  }
0xc3: {  	[sflag:s29] =	ssyncadd.s32 $0xFFFFFFFF  }
0xc4: {  	_ =	strace $0x90000051  }
0xc5: {  	_ =	sfence  }
0xc6: {  	s30 =	sld [smem:$0x0];
	_ =	sdelay $0x2  }
0xc7: {  	s31 =	sshll.u32 s1, $0xD;
	s1 =	sshrl.u32 s1, $0x2  }
0xc8: {  	s4 =	sand.u32 $0x4000, s31;
	s1 =	sadd.s32 s1, s30  }
0xc9: {  	s0 =	sor.u32 s4, s0;
	s1 =	sshll.u32 s1, $0x11  }
0xca: {  	s0 =	sor.u32 s1, s0  }
0xcb: {  	s0 =	sadd.s32 $0x8F2B, s0  }
0xcc: {  	[sflag:s0] =	ssyncadd.remote.s32 $0x1  }
0xcd: {  	_ =	sfence.sel $0xFFFF  }
0xce: {  	[dreg:$0x0] =	wrdreg $0xFFFFFFFF;
	(pc) =	sbr.abs _section_cstart, $3  }
0xcf: {  	[dreg:$0x1] =	wrdreg $0xFFFFFFFF  }
0xd0: {  	_ =	task.clear_ibuf [dreg:s22], $0x2FFFF;
	_ =	strace $0x9FFFFFFF  }
0xd1: {  	(tm) =	ssettm $0x7FFFFFFF  }
tec
execute0_lowered:
.L_overlay_start_1:
0x0: {  	(tag) =	ssettag $0x1  }
0x1: {  	s5 =	rddreg [dreg:$0x0]  }
0x2: {  	s13 =	rddreg [dreg:$0x1]  }
0x3: {  	s0 =	rddreg [dreg:$0x2];
	s2 =	simm.s32 $0x0  }
0x4: {  	s1 =	stileid.u32;
	s3 =	srdreg.scid;
	s20 =	simm.s32 $0x0  }
0x5: {  	[smem:$0x7FF] =	sst s2;
	s4 =	sshll.u32 s1, $0x5;
	s14 =	sand.u32 $0x1, s3  }
0x6: {  	s3 =	sadd.s32 $0x18B800, s5;
	s6 =	sshll.u32 s1, $0xC;
	s8 =	sshll.u32 s1, $0x1  }
0x7: {  	s12 =	sadd.s32 $0x1E410, s5;
	_ =	strace $0x80000050;
	s15 =	sadd.s32 s4, s5  }
0x8: {  	s24 =	ssub.s32 $0x2, s14;
	s16 =	sadd.s32 s6, s5;
	s4 =	sor.u32 s14, s8  }
0x9: {  	s31 =	sshll.u32 s14, $0x4;
	s14 =	sshll.u32 s14, $0xB;
	s7 =	sshrl.u32 s24, $0x1  }
0xa: {  	s26 =	sshll.u32 s4, $0x4;
	s28 =	sshll.u32 s4, $0xB;
	s8 =	sor.u32 $0x20, s4  }
0xb: {  	s29 =	sor.u32 $0x40, s4;
	s18 =	sor.u32 $0x60, s4;
	s15 =	sadd.s32 s31, s15  }
0xc: {  	s16 =	sadd.s32 s14, s16;
	s25 =	ssub.s32 s24, s7;
	s6 =	sadd.s32 s26, s12  }
0xd: {  	s7 =	sadd.s32 s13, s28;
	s9 =	sshll.u32 s8, $0x4;
	s10 =	sshll.u32 s8, $0xB  }
0xe: {  	s11 =	sshll.u32 s29, $0x4;
	s17 =	sshll.u32 s29, $0xB;
	s30 =	sshll.u32 s18, $0x4  }
0xf: {  	s19 =	sshll.u32 s18, $0xB;
	s14 =	sadd.s32 $0x12F00, s15;
	s15 =	sadd.s32 $0x952200, s16  }
0x10: {  	p0 =	sgt.u32 s18, $0x7C;
	s16 =	simm.s32 $0x3;
	s18 =	simm.s32 $0x1  }
0x11: {  	s5 =	smax.u32 s25, $0x1;
	s8 =	sadd.s32 s9, s12;
	s9 =	sadd.s32 s13, s10  }
0x12: {  	s10 =	sadd.s32 s11, s12;
	s11 =	sadd.s32 s13, s17;
	s12 =	sadd.s32 s30, s12  }
0x13: {  	s13 =	sadd.s32 s13, s19;
	s17 =	simm.s32 $0x80;
	s19 =	simm.s32 $0x2  }
.LBB2_1:
0x14: {  	[tilespmem:s2], [sflag:$0x3] =	stream.linear.gather [hbm4b:s6+s2], $0x80, $0x38;
	[tilespmem:$0x4080] =	vst v63  }
0x15: {  	_ =	swait.ge [sflag:s16], $0x80  }
0x16: {  	[sflag:s16] =	ssyncset.done $0x0  }
0x17: {  	[sflag:s16] =	ssyncadd.s32 $0xFFFFFF80  }
0x18: {  	[tilespmem:s17], [sflag:$0x1] =	stream.indirect.gather [hbm4b:s3+s17], $0x80, s2, s17, $0xb8;
	[tilespmem:$0x4080] =	vst v63  }
0x19: {  	_ =	swait.ge [sflag:s18], $0x4000  }
0x1a: {  	[sflag:s18] =	ssyncset.done $0x0  }
0x1b: {  	[sflag:s18] =	ssyncadd.s32 $0xFFFFC000  }
0x1c: {  	[hbm4b:s7+s2] =	stream.linear.scatter [tilespmem:s17], [sflag:$0x2], $0x4000, $0x38;
	[tilespmem:$0x4080] =	vst v63  }
0x1d: {  	_ =	swait.ge [sflag:s19], $0x4000  }
0x1e: {  	[sflag:s19] =	ssyncset.done $0x0  }
0x1f: {  	[sflag:s19] =	ssyncadd.s32 $0xFFFFC000  }
0x20: {  	[tilespmem:s2], [sflag:$0x3] =	stream.linear.gather [hbm4b:s8+s2], $0x80, $0x38;
	[tilespmem:$0x4080] =	vst v63  }
0x21: {  	_ =	swait.ge [sflag:s16], $0x80  }
0x22: {  	[sflag:s16] =	ssyncset.done $0x0  }
0x23: {  	[sflag:s16] =	ssyncadd.s32 $0xFFFFFF80  }
0x24: {  	[tilespmem:s17], [sflag:$0x1] =	stream.indirect.gather [hbm4b:s3+s17], $0x80, s2, s17, $0xb8;
	[tilespmem:$0x4080] =	vst v63  }
0x25: {  	_ =	swait.ge [sflag:s18], $0x4000  }
0x26: {  	[sflag:s18] =	ssyncset.done $0x0  }
0x27: {  	[sflag:s18] =	ssyncadd.s32 $0xFFFFC000  }
0x28: {  	[hbm4b:s9+s2] =	stream.linear.scatter [tilespmem:s17], [sflag:$0x2], $0x4000, $0x38;
	[tilespmem:$0x4080] =	vst v63  }
0x29: {  	_ =	swait.ge [sflag:s19], $0x4000  }
0x2a: {  	[sflag:s19] =	ssyncset.done $0x0  }
0x2b: {  	[sflag:s19] =	ssyncadd.s32 $0xFFFFC000  }
0x2c: {  	[tilespmem:s2], [sflag:$0x3] =	stream.linear.gather [hbm4b:s10+s2], $0x80, $0x38;
	[tilespmem:$0x4080] =	vst v63  }
0x2d: {  	_ =	swait.ge [sflag:s16], $0x80  }
0x2e: {  	[sflag:s16] =	ssyncset.done $0x0  }
0x2f: {  	[sflag:s16] =	ssyncadd.s32 $0xFFFFFF80  }
0x30: {  	[tilespmem:s17], [sflag:$0x1] =	stream.indirect.gather [hbm4b:s3+s17], $0x80, s2, s17, $0xb8;
	[tilespmem:$0x4080] =	vst v63  }
0x31: {  	_ =	swait.ge [sflag:s18], $0x4000  }
0x32: {  	[sflag:s18] =	ssyncset.done $0x0  }
0x33: {  	[sflag:s18] =	ssyncadd.s32 $0xFFFFC000  }
0x34: {  	[hbm4b:s11+s2] =	stream.linear.scatter [tilespmem:s17], [sflag:$0x2], $0x4000, $0x38;
	[tilespmem:$0x4080] =	vst v63  }
0x35: {  	_ =	swait.ge [sflag:s19], $0x4000  }
0x36: {  	[sflag:s19] =	ssyncset.done $0x0  }
0x37: {  	s21 =	simm.s32 @!p0 $0x0;
	s22 =	simm.s32 @!p0 $0x3;
	[sflag:s19] =	ssyncadd.s32 $0xFFFFC000  }
0x38: {  	[tilespmem:s21], [sflag:$0x3] =	stream.linear.gather @!p0 [hbm4b:s12+s21], $0x80, $0x38;
	[tilespmem:$0x4080] =	vst v63  }
0x39: {  	_ =	swait.ge @!p0 [sflag:s22], $0x80  }
0x3a: {  	[sflag:s22] =	ssyncset.done @!p0 $0x0  }
0x3b: {  	s23 =	simm.s32 @!p0 $0x1;
	[sflag:s22] =	ssyncadd.s32 @!p0 $0xFFFFFF80;
	s22 =	simm.s32 @!p0 $0x80  }
0x3c: {  	[tilespmem:s22], [sflag:$0x1] =	stream.indirect.gather @!p0 [hbm4b:s3+s22], $0x80, s21, s22, $0xb8;
	[tilespmem:$0x4080] =	vst v63  }
0x3d: {  	_ =	swait.ge @!p0 [sflag:s23], $0x4000  }
0x3e: {  	[sflag:s23] =	ssyncset.done @!p0 $0x0  }
0x3f: {  	[sflag:s23] =	ssyncadd.s32 @!p0 $0xFFFFC000  }
0x40: {  	[hbm4b:s13+s21] =	stream.linear.scatter @!p0 [tilespmem:s22], [sflag:$0x2], $0x4000, $0x38;
	[tilespmem:$0x4080] =	vst v63  }
0x41: {  	s21 =	simm.s32 @!p0 $0x2  }
0x42: {  	s30 =	sadd.s32 $0x0, s4;
	_ =	swait.ge @!p0 [sflag:s21], $0x4000  }
0x43: {  	p1 =	sgt.u32 s30, $0x7CF;
	[sflag:s21] =	ssyncset.done @!p0 $0x0  }
0x44: {  	s22 =	simm.s32 @!p1 $0x3;
	[sflag:s21] =	ssyncadd.s32 @!p0 $0xFFFFC000;
	s21 =	simm.s32 @!p1 $0x0  }
0x45: {  	[tilespmem:s21], [sflag:$0x3] =	stream.linear.gather @!p1 [hbm4b:s14+s21], $0x80, $0x38;
	[tilespmem:$0x4080] =	vst v63  }
0x46: {  	_ =	swait.ge @!p1 [sflag:s22], $0x80  }
0x47: {  	[sflag:s22] =	ssyncset.done @!p1 $0x0;
	p1 =	por p1, p1  }
0x48: {  	[sflag:s22] =	ssyncadd.s32 @!p1 $0xFFFFFF80;
	s23 =	simm.s32 @!p1 $0x80;
	s24 =	simm.s32 @!p1 $0x1  }
0x49: {  	[tilespmem:s23], [sflag:$0x1] =	stream.indirect.gather @!p1 [hbm4b:s3+s23], $0x80, s21, s23, $0xb8;
	[tilespmem:$0x4080] =	vst v63  }
0x4a: {  	_ =	swait.ge @!p1 [sflag:s24], $0x4000  }
0x4b: {  	[sflag:s24] =	ssyncset.done @!p1 $0x0  }
0x4c: {  	s31 =	sadd.s32 $0x20, s4;
	[sflag:s24] =	ssyncadd.s32 @!p1 $0xFFFFC000;
	s24 =	simm.s32 @!p1 $0x2  }
0x4d: {  	[hbm4b:s15+s21] =	stream.linear.scatter @!p1 [tilespmem:s23], [sflag:$0x2], $0x4000, $0x38;
	[tilespmem:$0x4080] =	vst v63  }
0x4e: {  	p2 =	sgt.u32 s31, $0x7CF;
	s22 =	simm.s32 $0x40;
	_ =	swait.ge @!p1 [sflag:s24], $0x4000  }
0x4f: {  	s21 =	sadd.s32 $0x10000, s15;
	s23 =	sadd.s32 $0x200, s14;
	[sflag:s24] =	ssyncset.done @!p1 $0x0  }
.LBB2_2:
0x50: {  	s25 =	simm.s32 @!p2 $0x0;
	s26 =	simm.s32 @!p2 $0x3;
	[sflag:s24] =	ssyncadd.s32 @!p1 $0xFFFFC000  }
0x51: {  	[tilespmem:s25], [sflag:$0x3] =	stream.linear.gather @!p2 [hbm4b:s23+s25], $0x80, $0x38;
	[tilespmem:$0x4080] =	vst v63  }
0x52: {  	s28 =	smov.u32 s22;
	s22 =	sadd.s32 $0x20, s22;
	_ =	swait.ge @!p2 [sflag:s26], $0x80  }
0x53: {  	p1 =	por p2, p2;
	p3 =	sne.s32 s22, $0x7E0;
	[sflag:s26] =	ssyncset.done @!p2 $0x0  }
0x54: {  	s24 =	simm.s32 @!p1 $0x1;
	[sflag:s26] =	ssyncadd.s32 @!p1 $0xFFFFFF80;
	s26 =	simm.s32 @!p1 $0x80  }
0x55: {  	[tilespmem:s26], [sflag:$0x1] =	stream.indirect.gather @!p1 [hbm4b:s3+s26], $0x80, s25, s26, $0xb8;
	[tilespmem:$0x4080] =	vst v63  }
0x56: {  	_ =	swait.ge @!p1 [sflag:s24], $0x4000  }
.Ltmp0:
0x57: {  	[sflag:s24] =	ssyncset.done @!p1 $0x0;
	(pc) =	sbr.rel @p3 .LBB2_2-.Ltmp0, $4  }
0x58: {  	[sflag:s24] =	ssyncadd.s32 @!p1 $0xFFFFC000;
	s24 =	simm.s32 @!p1 $0x2  }
0x59: {  	[hbm4b:s21+s25] =	stream.linear.scatter @!p1 [tilespmem:s26], [sflag:$0x2], $0x4000, $0x38;
	[tilespmem:$0x4080] =	vst v63  }
0x5a: {  	s25 =	sadd.s32 s28, s4;
	s21 =	sadd.s32 $0x10000, s21;
	_ =	swait.ge @!p1 [sflag:s24], $0x4000  }
0x5b: {  	s23 =	sadd.s32 $0x200, s23;
	p2 =	sgt.u32 s25, $0x7CF;
	[sflag:s24] =	ssyncset.done @!p1 $0x0  }
0x5c: {  	s22 =	simm.s32 @!p2 $0x0;
	s25 =	simm.s32 @!p2 $0x3;
	[sflag:s24] =	ssyncadd.s32 @!p1 $0xFFFFC000  }
0x5d: {  	[tilespmem:s22], [sflag:$0x3] =	stream.linear.gather @!p2 [hbm4b:s23+s22], $0x80, $0x38;
	[tilespmem:$0x4080] =	vst v63  }
0x5e: {  	_ =	swait.ge @!p2 [sflag:s25], $0x80  }
0x5f: {  	p1 =	por p2, p2;
	[sflag:s25] =	ssyncset.done @!p2 $0x0  }
0x60: {  	s23 =	simm.s32 @!p1 $0x80;
	s24 =	simm.s32 @!p1 $0x1;
	[sflag:s25] =	ssyncadd.s32 @!p1 $0xFFFFFF80  }
0x61: {  	[tilespmem:s23], [sflag:$0x1] =	stream.indirect.gather @!p1 [hbm4b:s3+s23], $0x80, s22, s23, $0xb8;
	[tilespmem:$0x4080] =	vst v63  }
0x62: {  	s20 =	sadd.s32 $0x1, s20;
	_ =	swait.ge @!p1 [sflag:s24], $0x4000  }
0x63: {  	p2 =	sne.s32 s20, s5;
	[sflag:s24] =	ssyncset.done @!p1 $0x0  }
.Ltmp1:
0x64: {  	[sflag:s24] =	ssyncadd.s32 @!p1 $0xFFFFC000;
	s24 =	simm.s32 @!p1 $0x2;
	(pc) =	sbr.rel @p2 .LBB2_1-.Ltmp1, $4  }
0x65: {  	[hbm4b:s21+s22] =	stream.linear.scatter @!p1 [tilespmem:s23], [sflag:$0x2], $0x4000, $0x38;
	[tilespmem:$0x4080] =	vst v63  }
0x66: {  	_ =	swait.ge @!p1 [sflag:s24], $0x4000  }
0x67: {  	[sflag:s24] =	ssyncset.done @!p1 $0x0  }
0x68: {  	[sflag:s24] =	ssyncadd.s32 @!p1 $0xFFFFC000  }
0x69: {  	_ =	sfence.sel $0x180000  }
0x6a: {  	[bflag:$0x0] =	sbarrier.arrive $0xFFFF  }
0x6b: {  	p0 =	sne.s32 s1, $0x0;
	_ =	strace $0x90000050  }
0x6c: {  	s0 =	sadd.s32 @!p0 $0x100000, s0;
	[bflag:$0x2] =	sbarrier.arrive $0xFFFF  }
0x6d: {  	[sflag:s0] =	ssyncadd.tile.s32 @!p0 $0x1;
	_ =	shalt  }
.Lfunc_end2:
_tile_overlayer_lowered:
.L_overlay_start_2:
0x6e: {  	(tag) =	ssettag $0x2  }
0x6f: {  	s0 =	rddreg [dreg:$0x0];
	s2 =	stileid.u32  }
0x70: {  	s1 =	rddreg [dreg:$0x1];
	p0 =	sne.s32 s2, $0x0  }
0x71: {  	s3 =	rddreg [dreg:$0x2];
	[bflag:$0x3] =	sbarrier.arrive $0xFFFF;
	s2 =	simm.s32 @!p0 $0x1C02  }
0x72: {  	[timem:s3], [sflag:s2] =	dma.local @!p0 [hbm:s0], s1  }
0x73: {  	s0 =	simm.s32 @!p0 $0x2  }
0x74: {  	_ =	swait.ge @!p0 [sflag:s0], s1  }
0x75: {  	s1 =	ssub.s32 @!p0 $0x0, s1;
	[sflag:s0] =	ssyncset.done @!p0 $0x0  }
0x76: {  	[sflag:s0] =	ssyncadd.s32 @!p0 s1  }
0x77: {  	[bflag:$0x3] =	sbarrier.arrive $0xFFFF  }
0x78: {  	_ =	shalt  }

// kernel: kernel.25.cloned.1.call-start
scs
__scs_entry_jumppad:
0x0: {  	(pc) =	sbr.rel $0x88, $3  }
0x1: {  	(tag) =	ssettag $0x0;
	lr =	simm.s32 $0x1  }
0x2: {  	[smem:$0x3F97] =	sst lr;
	_ =	strace $0xD0000000  }
0x3: {  	_ = 	snop  }
0x4: {  	_ = 	snop  }
0x5: {  	_ = 	snop  }
0x6: {  	_ = 	snop  }
0x7: {  	_ = 	snop  }
__scs_overlays_trampoline_lowered:
0x8: {  	[smem:$0x3FA6] =	sst s0  }
0x9: {  	[smem:$0x3FA7] =	sst s1  }
0xa: {  	[smem:$0x3FA8] =	sst s2  }
0xb: {  	[smem:$0x3FA9] =	sst s3  }
0xc: {  	[smem:$0x3FAA] =	sst s4  }
0xd: {  	[smem:$0x3FAB] =	sst s5  }
0xe: {  	[smem:$0x3FAC] =	sst s6  }
0xf: {  	[smem:$0x3FAD] =	sst s7  }
0x10: {  	[smem:$0x3FAE] =	sst s8  }
0x11: {  	[smem:$0x3FAF] =	sst s9;
	s0 =	simm.s32 @!p0 $0x0  }
0x12: {  	s1 =	sld [smem:$0x3F95];
	s0 =	simm.s32 @p0 $0x1  }
0x13: {  	[smem:$0x3FB0] =	sst s0;
	s0 =	simm.s32 @!p1 $0x0  }
0x14: {  	s2 =	sld [smem:$0x3F94];
	s0 =	simm.s32 @p1 $0x1  }
0x15: {  	[smem:$0x3FB1] =	sst s0;
	s0 =	simm.s32 @!p2 $0x0  }
0x16: {  	s3 =	sld [smem:$0x3FDB];
	s0 =	simm.s32 @p2 $0x1  }
0x17: {  	s4 =	simm.s32 $0x1BF5;
	[smem:$0x3FB3] =	sst s0  }
0x18: {  	s0 =	sld [smem:$0x3F96];
	_ =	swait.ge [sflag:s4], $0x0  }
0x19: {  	s7 =	sld [smem:$0x3F97]  }
0x1a: {  	s8 =	sadd.s32 $0xFFFFE003, lr  }
0x1b: {  	s9 =	sadd.s32 $0xFFFFFEF7, lr;
	s5 =	simm.s32 $0xFFFFFFFF;
	p2 =	slt.u32 s8, $0xFFFFF086  }
0x1c: {  	p1 =	slt.u32 s9, $0xF7A;
	s5 =	simm.s32 @!p2 $0x0  }
0x1d: {  	s5 =	simm.s32 @p1 $0x1;
	p0 =	seq.s32 s7, s2  }
0x1e: {  	s7 =	smul.u32 @!p0 $0xF7A, s2;
	p2 =	seq.s32 @!p0 s5, $0x0  }
0x1f: {  	s9 =	smul.u32 $0xF7A, s1;
	s8 =	simm.s32 @!p0 $0x1BF5;
	p2 =	por !p2, p0  }
0x20: {  	[sflag:s8] =	ssyncset.s32 @!p0 $0xFFFFF086;
	s6 =	sadd.s32 @!p0 s3, s7;
	s7 =	simm.s32 @!p0 $0x108  }
0x21: {  	s3 =	sadd.s32 s3, s9;
	s6 =	sadd.s32 @!p0 $0x88, s6;
	s7 =	simm.s32 @p2 $0x1082  }
0x22: {  	[simem:s7], [sflag:s8] =	dma.local @!p0 [hbm:s6], $0xF7A  }
0x23: {  	s9 =	sor.u32 $0xD0000000, s2;
	s6 =	simm.s32 $0x108;
	_ =	swait.ge @!p0 [sflag:s8], $0x0  }
0x24: {  	s3 =	sadd.s32 $0x88, s3;
	s6 =	simm.s32 @!p1 $0x1082;
	[sflag:s4] =	ssyncset.s32 $0xFFFFF086  }
0x25: {  	[simem:s6], [sflag:s4] =	dma.local [hbm:s3], $0xF7A  }
0x26: {  	[smem:$0x3F97] =	sst s1;
	(tag) =	ssettag s2;
	_ =	strace s9  }
0x27: {  	s1 =	sld [smem:$0x3FA7]  }
0x28: {  	s2 =	sld [smem:$0x3FA8]  }
0x29: {  	s4 =	sld [smem:$0x3FAA]  }
0x2a: {  	p0 =	seq.s32 s5, $0x0;
	s5 =	sld [smem:$0x3FAB]  }
0x2b: {  	s6 =	sld [smem:$0x3FAC]  }
0x2c: {  	s7 =	sld [smem:$0x3FAD]  }
0x2d: {  	s3 =	simm.s32 $0x108;
	s8 =	sld [smem:$0x3FAE]  }
0x2e: {  	s3 =	simm.s32 @!p0 $0x1082;
	s9 =	sld [smem:$0x3FAF]  }
0x2f: {  	lr =	sadd.s32 s0, s3;
	s0 =	sld [smem:$0x3FA6]  }
0x30: {  	s3 =	sld [smem:$0x3FA9]  }
0x31: {  	[smem:$0x3FB2] =	sst s10  }
0x32: {  	s10 =	sld [smem:$0x3FB0];
	_ =	sdelay $0x3  }
0x33: {  	p0 =	seq.s32 s10, $0x1;
	s10 =	sld [smem:$0x3FB2];
	_ =	sdelay $0x3  }
0x34: {  	[smem:$0x3FB2] =	sst s10  }
0x35: {  	s10 =	sld [smem:$0x3FB1];
	_ =	sdelay $0x3  }
0x36: {  	p1 =	seq.s32 s10, $0x1;
	s10 =	sld [smem:$0x3FB2];
	_ =	sdelay $0x3  }
0x37: {  	[smem:$0x3FB2] =	sst s10  }
0x38: {  	s10 =	sld [smem:$0x3FB3]  }
0x39: {  	_ = 	snop;
	(pc) =	sbr.ind lr, $3  }
0x3a: {  	_ = 	snop  }
0x3b: {  	_ = 	snop  }
0x3c: {  	p2 =	seq.s32 s10, $0x1;
	s10 =	sld [smem:$0x3FB2]  }
0x3d: {  	_ =	shalt  }
0x3e: {  	_ =	shalt  }
0x3f: {  	_ =	shalt  }
0x40: {  	_ =	shalt  }
0x41: {  	_ =	shalt  }
0x42: {  	_ =	shalt  }
0x43: {  	_ =	shalt  }
0x44: {  	_ =	shalt  }
0x45: {  	_ =	shalt  }
0x46: {  	_ =	shalt  }
0x47: {  	_ =	shalt  }
0x48: {  	_ =	shalt  }
0x49: {  	_ =	shalt  }
0x4a: {  	_ =	shalt  }
0x4b: {  	_ =	shalt  }
0x4c: {  	_ =	shalt  }
0x4d: {  	_ =	shalt  }
0x4e: {  	_ =	shalt  }
0x4f: {  	_ =	shalt  }
0x50: {  	_ =	shalt  }
0x51: {  	_ =	shalt  }
0x52: {  	_ =	shalt  }
0x53: {  	_ =	shalt  }
0x54: {  	_ =	shalt  }
0x55: {  	_ =	shalt  }
0x56: {  	_ =	shalt  }
0x57: {  	_ =	shalt  }
0x58: {  	_ =	shalt  }
0x59: {  	_ =	shalt  }
0x5a: {  	_ =	shalt  }
0x5b: {  	_ =	shalt  }
0x5c: {  	_ =	shalt  }
0x5d: {  	_ =	shalt  }
0x5e: {  	_ =	shalt  }
0x5f: {  	_ =	shalt  }
0x60: {  	_ =	shalt  }
0x61: {  	_ =	shalt  }
0x62: {  	_ =	shalt  }
0x63: {  	_ =	shalt  }
0x64: {  	_ =	shalt  }
0x65: {  	_ =	shalt  }
0x66: {  	_ =	shalt  }
0x67: {  	_ =	shalt  }
0x68: {  	_ =	shalt  }
0x69: {  	_ =	shalt  }
0x6a: {  	_ =	shalt  }
0x6b: {  	_ =	shalt  }
0x6c: {  	_ =	shalt  }
0x6d: {  	_ =	shalt  }
0x6e: {  	_ =	shalt  }
0x6f: {  	_ =	shalt  }
0x70: {  	_ =	shalt  }
0x71: {  	_ =	shalt  }
0x72: {  	_ =	shalt  }
0x73: {  	_ =	shalt  }
0x74: {  	_ =	shalt  }
0x75: {  	_ =	shalt  }
0x76: {  	_ =	shalt  }
0x77: {  	_ =	shalt  }
0x78: {  	_ =	shalt  }
0x79: {  	_ =	shalt  }
0x7a: {  	_ =	shalt  }
0x7b: {  	_ =	shalt  }
0x7c: {  	_ =	shalt  }
0x7d: {  	_ =	shalt  }
0x7e: {  	_ =	shalt  }
0x7f: {  	_ =	shalt  }
0x80: {  	_ =	shalt  }
0x81: {  	_ =	shalt  }
0x82: {  	_ =	shalt  }
0x83: {  	_ =	shalt  }
0x84: {  	_ =	shalt  }
0x85: {  	_ =	shalt  }
0x86: {  	_ =	shalt  }
0x87: {  	_ =	shalt  }
.Lfunc_end0:
.L_simem_size_0:
called_computation.4_lowered:
.L_overlay_start_0:
0x88: {  	s2 =	sld [smem:$0x3FD9]  }
0x89: {  	s3 =	sld [smem:$0x3FFE];
	_ =	sdelay $0x1  }
0x8a: {  	s1 =	srdreg.scid  }
0x8b: {  	s0 =	sand.u32 $0x1, s1  }
0x8c: {  	s17 =	sshll.u32 s0, $0xA;
	s2 =	sadd.s32 s3, s2  }
0x8d: {  	s2 =	sadd.s32 s2, s17  }
0x8e: {  	[smem:$0x3FBE] =	sst s2  }
0x8f: {  	_ = 	snop  }
0x90: {  	(tm) =	ssettm $0x1  }
0x91: {  	s18 =	sld [smem:$0x3FFB];
	_ =	sdelay $0x3  }
0x92: {  	_ =	strace s18  }
0x93: {  	s2 =	sld [smem:$0x3FFC];
	_ =	sdelay $0x3  }
0x94: {  	_ =	strace s2  }
0x95: {  	s2 =	sld [smem:$0x3FFD];
	_ =	sdelay $0x3  }
0x96: {  	_ =	strace s2  }
0x97: {  	_ =	strace $0x8FFFFFFF  }
0x98: {  	s19 =	sld [smem:$0x3FDB];
	_ =	sdelay $0x1  }
0x99: {  	s20 =	simm.s32 $_scs_section_size  }
0x9a: {  	s4 =	simm.s32 $_size__tile_overlayer_lowered;
	s5 =	simm.s32 $_tile_overlayer_lowered  }
0x9b: {  	s6 =	simm.s32 $0x1BFF;
	s21 =	sshll.u32 s5, $0x1;
	s3 =	sadd.s32 s20, s19  }
0x9c: {  	s22 =	simm.s32 $0x0;
	s4 =	sshll.u32 s4, $0x1;
	s5 =	sadd.s32 s21, s3  }
0x9d: {  	[timem:s22], [sflag:s6] =	dma.local [hbm:s5], s4  }
0x9e: {  	_ =	swait.ge [sflag:s6], s4  }
0x9f: {  	s4 =	ssub.s32 $0x0, s4;
	[sflag:s6] =	ssyncset.done $0x0  }
0xa0: {  	[sflag:s6] =	ssyncadd.s32 s4;
	_ =	sdelay $0x1  }
0xa1: {  	s23 =	simm.s32 $0x1B8B  }
0xa2: {  	_ =	swait.ge [sflag:s23], $0x1  }
0xa3: {  	[sflag:s23] =	ssyncset.done $0x0  }
0xa4: {  	[sflag:s23] =	ssyncadd.s32 $0xFFFFFFFF  }
0xa5: {  	s4 =	sld [smem:$0x0]  }
0xa6: {  	s5 =	sand.u32 $0xFFFFFFFE, s1  }
0xa7: {  	p0 =	sne.s32 s1, s5  }
0xa8: {  	s5 =	sshll.u32 @p0 s5, $0xE  }
0xa9: {  	s5 =	sadd.s32 @p0 $0x11B8D, s5;
	s6 =	sshll.u32 @p0 s4, $0x11  }
0xaa: {  	s5 =	sor.u32 @p0 s6, s5  }
0xab: {  	[sflag:s5] =	ssyncadd.remote.s32 @p0 $0x1;
	_ =	sdelay $0x1  }
0xac: {  	s5 =	simm.s32 @p0 $0x1B8D  }
0xad: {  	_ =	swait.eq @p0 [sflag:s5], $0x1  }
0xae: {  	[sflag:s5] =	ssyncadd.s32 @p0 $0xFFFFFFFF  }
0xaf: {  	s6 =	sshll.u32 @!p0 s1, $0xE  }
0xb0: {  	s6 =	sor.u32 @!p0 $0x4000, s6;
	s5 =	simm.s32 @!p0 $0x1B8D  }
0xb1: {  	s4 =	sshll.u32 @!p0 s4, $0x11;
	s6 =	sadd.s32 @!p0 $0x11B8D, s6;
	_ =	swait.eq @!p0 [sflag:s5], $0x1  }
0xb2: {  	s4 =	sor.u32 @!p0 s4, s6;
	[sflag:s5] =	ssyncadd.s32 @!p0 $0xFFFFFFFF  }
0xb3: {  	s25 =	simm.s32 $0x1B8E;
	s24 =	sld [smem:$0x3FFE];
	[sflag:s4] =	ssyncadd.remote.s32 @!p0 $0x1  }
0xb4: {  	s26 =	simm.s32 $execute0_lowered;
	[smem:$0x3FD2] =	sst s25  }
0xb5: {  	s5 =	sshll.u32 s26, $0x1;
	_ =	strace $0x80000052;
	[dreg:$0x1] =	wrdreg $0xFFFFFFFF  }
0xb6: {  	s28 =	simm.s32 $_size_execute0_lowered;
	s3 =	sadd.s32 s3, s5;
	[dreg:$0x0] =	wrdreg $0x0  }
0xb7: {  	s5 =	sshll.u32 s28, $0x1;
	[dreg:$0x2] =	wrdreg s3  }
0xb8: {  	[dreg:$0x3] =	wrdreg s5  }
0xb9: {  	[dreg:$0x4] =	wrdreg $0xC0  }
0xba: {  	_ =	task [dreg:s22], $0x5FFFF  }
0xbb: {  	[dreg:$0x1] =	wrdreg $0xFFFFFFFF  }
0xbc: {  	[dreg:$0x0] =	wrdreg $0x60  }
0xbd: {  	[dreg:$0x2] =	wrdreg s24  }
0xbe: {  	[dreg:$0x3] =	wrdreg $0xD  }
0xbf: {  	_ =	task.clear_ibuf [dreg:s22], $0x4FFFF;
	_ =	strace $0x90000052  }
0xc0: {  	s29 =	simm.s32 $0xD;
	_ =	strace $0x80000054  }
0xc1: {  	_ =	swait.ge [sflag:s29], $0x1  }
0xc2: {  	[sflag:s29] =	ssyncadd.s32 $0xFFFFFFFF  }
0xc3: {  	_ =	strace $0x90000054  }
0xc4: {  	_ =	sfence  }
0xc5: {  	s30 =	sld [smem:$0x0];
	_ =	sdelay $0x2  }
0xc6: {  	s31 =	sshll.u32 s1, $0xD;
	s1 =	sshrl.u32 s1, $0x2  }
0xc7: {  	s4 =	sand.u32 $0x4000, s31;
	s1 =	sadd.s32 s1, s30  }
0xc8: {  	s0 =	sor.u32 s4, s0;
	s1 =	sshll.u32 s1, $0x11  }
0xc9: {  	s0 =	sor.u32 s1, s0  }
0xca: {  	s0 =	sadd.s32 $0x8F2B, s0  }
0xcb: {  	[sflag:s0] =	ssyncadd.remote.s32 $0x1  }
0xcc: {  	_ =	sfence.sel $0xFFFF  }
0xcd: {  	[dreg:$0x0] =	wrdreg $0xFFFFFFFF;
	(pc) =	sbr.abs _section_cstart, $3  }
0xce: {  	[dreg:$0x1] =	wrdreg $0xFFFFFFFF  }
0xcf: {  	_ =	task.clear_ibuf [dreg:s22], $0x2FFFF;
	_ =	strace $0x9FFFFFFF  }
0xd0: {  	(tm) =	ssettm $0x7FFFFFFF  }
0xd1: {  	_ =	shalt  }
tec
execute0_lowered:
.L_overlay_start_1:
0x0: {  	(tag) =	ssettag $0x1  }
0x1: {  	s5 =	rddreg [dreg:$0x0]  }
0x2: {  	s0 =	rddreg [dreg:$0x1];
	s2 =	simm.s32 $0x0  }
0x3: {  	s1 =	stileid.u32;
	s3 =	srdreg.scid;
	s16 =	simm.s32 $0x0  }
0x4: {  	[smem:$0x7FF] =	sst s2;
	s9 =	sand.u32 $0x1, s3;
	s3 =	sadd.s32 $0x18B800, s5  }
0x5: {  	s4 =	sshll.u32 s1, $0x5;
	s11 =	sadd.s32 $0x157800, s5;
	s6 =	sshll.u32 s1, $0xC  }
0x6: {  	s28 =	sshll.u32 s1, $0x1;
	s8 =	sadd.s32 $0x1EBE0, s5;
	_ =	strace $0x80000053  }
0x7: {  	s10 =	sadd.s32 s4, s5;
	s25 =	ssub.s32 $0x2, s9;
	s12 =	sadd.s32 s6, s5  }
0x8: {  	s4 =	sor.u32 s9, s28;
	s31 =	sshll.u32 s9, $0x4;
	s9 =	sshll.u32 s9, $0xB  }
0x9: {  	s7 =	sshrl.u32 s25, $0x1;
	s29 =	sshll.u32 s4, $0x4;
	s30 =	sshll.u32 s4, $0xB  }
0xa: {  	s13 =	sor.u32 $0x20, s4;
	s10 =	sadd.s32 s31, s10;
	s12 =	sadd.s32 s9, s12  }
0xb: {  	s26 =	ssub.s32 s25, s7;
	s6 =	sadd.s32 s29, s8;
	s7 =	sadd.s32 s11, s30  }
0xc: {  	s14 =	sshll.u32 s13, $0x4;
	s15 =	sshll.u32 s13, $0xB;
	s10 =	sadd.s32 $0x1AC00, s10  }
0xd: {  	p0 =	sgt.u32 s13, $0x28;
	s13 =	simm.s32 $0x80;
	s5 =	smax.u32 s26, $0x1  }
0xe: {  	s8 =	sadd.s32 s14, s8;
	s9 =	sadd.s32 s11, s15;
	s11 =	sadd.s32 $0xD3A200, s12  }
0xf: {  	s12 =	simm.s32 $0x3;
	s14 =	simm.s32 $0x1;
	s15 =	simm.s32 $0x2  }
.LBB2_1:
0x10: {  	[tilespmem:s2], [sflag:$0x3] =	stream.linear.gather [hbm4b:s6+s2], $0x80, $0x38;
	[tilespmem:$0x4080] =	vst v63  }
0x11: {  	_ =	swait.ge [sflag:s12], $0x80  }
0x12: {  	[sflag:s12] =	ssyncset.done $0x0  }
0x13: {  	[sflag:s12] =	ssyncadd.s32 $0xFFFFFF80  }
0x14: {  	[tilespmem:s13], [sflag:$0x1] =	stream.indirect.gather [hbm4b:s3+s13], $0x80, s2, s13, $0xb8;
	[tilespmem:$0x4080] =	vst v63  }
0x15: {  	_ =	swait.ge [sflag:s14], $0x4000  }
0x16: {  	[sflag:s14] =	ssyncset.done $0x0  }
0x17: {  	[sflag:s14] =	ssyncadd.s32 $0xFFFFC000  }
0x18: {  	[hbm4b:s7+s2] =	stream.linear.scatter [tilespmem:s13], [sflag:$0x2], $0x4000, $0x38;
	[tilespmem:$0x4080] =	vst v63  }
0x19: {  	_ =	swait.ge [sflag:s15], $0x4000  }
0x1a: {  	[sflag:s15] =	ssyncset.done $0x0  }
0x1b: {  	s17 =	simm.s32 @!p0 $0x0;
	s18 =	simm.s32 @!p0 $0x3;
	[sflag:s15] =	ssyncadd.s32 $0xFFFFC000  }
0x1c: {  	[tilespmem:s17], [sflag:$0x3] =	stream.linear.gather @!p0 [hbm4b:s8+s17], $0x80, $0x38;
	[tilespmem:$0x4080] =	vst v63  }
0x1d: {  	_ =	swait.ge @!p0 [sflag:s18], $0x80  }
0x1e: {  	[sflag:s18] =	ssyncset.done @!p0 $0x0  }
0x1f: {  	s19 =	simm.s32 @!p0 $0x1;
	[sflag:s18] =	ssyncadd.s32 @!p0 $0xFFFFFF80;
	s18 =	simm.s32 @!p0 $0x80  }
0x20: {  	[tilespmem:s18], [sflag:$0x1] =	stream.indirect.gather @!p0 [hbm4b:s3+s18], $0x80, s17, s18, $0xb8;
	[tilespmem:$0x4080] =	vst v63  }
0x21: {  	_ =	swait.ge @!p0 [sflag:s19], $0x4000  }
0x22: {  	[sflag:s19] =	ssyncset.done @!p0 $0x0  }
0x23: {  	[sflag:s19] =	ssyncadd.s32 @!p0 $0xFFFFC000  }
0x24: {  	[hbm4b:s9+s17] =	stream.linear.scatter @!p0 [tilespmem:s18], [sflag:$0x2], $0x4000, $0x38;
	[tilespmem:$0x4080] =	vst v63  }
0x25: {  	s17 =	simm.s32 @!p0 $0x2  }
0x26: {  	s30 =	sadd.s32 $0x0, s4;
	_ =	swait.ge @!p0 [sflag:s17], $0x4000  }
0x27: {  	p1 =	sgt.u32 s30, $0x289;
	[sflag:s17] =	ssyncset.done @!p0 $0x0  }
0x28: {  	s18 =	simm.s32 @!p1 $0x3;
	[sflag:s17] =	ssyncadd.s32 @!p0 $0xFFFFC000;
	s17 =	simm.s32 @!p1 $0x0  }
0x29: {  	[tilespmem:s17], [sflag:$0x3] =	stream.linear.gather @!p1 [hbm4b:s10+s17], $0x80, $0x38;
	[tilespmem:$0x4080] =	vst v63  }
0x2a: {  	_ =	swait.ge @!p1 [sflag:s18], $0x80  }
0x2b: {  	[sflag:s18] =	ssyncset.done @!p1 $0x0;
	p1 =	por p1, p1  }
0x2c: {  	[sflag:s18] =	ssyncadd.s32 @!p1 $0xFFFFFF80;
	s19 =	simm.s32 @!p1 $0x80;
	s20 =	simm.s32 @!p1 $0x1  }
0x2d: {  	[tilespmem:s19], [sflag:$0x1] =	stream.indirect.gather @!p1 [hbm4b:s3+s19], $0x80, s17, s19, $0xb8;
	[tilespmem:$0x4080] =	vst v63  }
0x2e: {  	_ =	swait.ge @!p1 [sflag:s20], $0x4000  }
0x2f: {  	[sflag:s20] =	ssyncset.done @!p1 $0x0  }
0x30: {  	s31 =	sadd.s32 $0x20, s4;
	[sflag:s20] =	ssyncadd.s32 @!p1 $0xFFFFC000;
	s20 =	simm.s32 @!p1 $0x2  }
0x31: {  	[hbm4b:s11+s17] =	stream.linear.scatter @!p1 [tilespmem:s19], [sflag:$0x2], $0x4000, $0x38;
	[tilespmem:$0x4080] =	vst v63  }
0x32: {  	p2 =	sgt.u32 s31, $0x289;
	s18 =	simm.s32 $0x40;
	_ =	swait.ge @!p1 [sflag:s20], $0x4000  }
0x33: {  	s17 =	sadd.s32 $0x10000, s11;
	s19 =	sadd.s32 $0x200, s10;
	[sflag:s20] =	ssyncset.done @!p1 $0x0  }
.LBB2_2:
0x34: {  	s21 =	simm.s32 @!p2 $0x0;
	s22 =	simm.s32 @!p2 $0x3;
	[sflag:s20] =	ssyncadd.s32 @!p1 $0xFFFFC000  }
0x35: {  	[tilespmem:s21], [sflag:$0x3] =	stream.linear.gather @!p2 [hbm4b:s19+s21], $0x80, $0x38;
	[tilespmem:$0x4080] =	vst v63  }
0x36: {  	s23 =	smov.u32 s18;
	s18 =	sadd.s32 $0x20, s18;
	_ =	swait.ge @!p2 [sflag:s22], $0x80  }
0x37: {  	p1 =	por p2, p2;
	p3 =	sne.s32 s18, $0x2A0;
	[sflag:s22] =	ssyncset.done @!p2 $0x0  }
0x38: {  	s20 =	simm.s32 @!p1 $0x1;
	[sflag:s22] =	ssyncadd.s32 @!p1 $0xFFFFFF80;
	s22 =	simm.s32 @!p1 $0x80  }
0x39: {  	[tilespmem:s22], [sflag:$0x1] =	stream.indirect.gather @!p1 [hbm4b:s3+s22], $0x80, s21, s22, $0xb8;
	[tilespmem:$0x4080] =	vst v63  }
0x3a: {  	_ =	swait.ge @!p1 [sflag:s20], $0x4000  }
.Ltmp0:
0x3b: {  	[sflag:s20] =	ssyncset.done @!p1 $0x0;
	(pc) =	sbr.rel @p3 .LBB2_2-.Ltmp0, $4  }
0x3c: {  	[sflag:s20] =	ssyncadd.s32 @!p1 $0xFFFFC000;
	s20 =	simm.s32 @!p1 $0x2  }
0x3d: {  	[hbm4b:s17+s21] =	stream.linear.scatter @!p1 [tilespmem:s22], [sflag:$0x2], $0x4000, $0x38;
	[tilespmem:$0x4080] =	vst v63  }
0x3e: {  	s21 =	sadd.s32 s23, s4;
	s17 =	sadd.s32 $0x10000, s17;
	_ =	swait.ge @!p1 [sflag:s20], $0x4000  }
0x3f: {  	s19 =	sadd.s32 $0x200, s19;
	p2 =	sgt.u32 s21, $0x289;
	[sflag:s20] =	ssyncset.done @!p1 $0x0  }
0x40: {  	s18 =	simm.s32 @!p2 $0x0;
	s21 =	simm.s32 @!p2 $0x3;
	[sflag:s20] =	ssyncadd.s32 @!p1 $0xFFFFC000  }
0x41: {  	[tilespmem:s18], [sflag:$0x3] =	stream.linear.gather @!p2 [hbm4b:s19+s18], $0x80, $0x38;
	[tilespmem:$0x4080] =	vst v63  }
0x42: {  	_ =	swait.ge @!p2 [sflag:s21], $0x80  }
0x43: {  	p1 =	por p2, p2;
	[sflag:s21] =	ssyncset.done @!p2 $0x0  }
0x44: {  	s19 =	simm.s32 @!p1 $0x80;
	s20 =	simm.s32 @!p1 $0x1;
	[sflag:s21] =	ssyncadd.s32 @!p1 $0xFFFFFF80  }
0x45: {  	[tilespmem:s19], [sflag:$0x1] =	stream.indirect.gather @!p1 [hbm4b:s3+s19], $0x80, s18, s19, $0xb8;
	[tilespmem:$0x4080] =	vst v63  }
0x46: {  	s16 =	sadd.s32 $0x1, s16;
	_ =	swait.ge @!p1 [sflag:s20], $0x4000  }
0x47: {  	p2 =	sne.s32 s16, s5;
	[sflag:s20] =	ssyncset.done @!p1 $0x0  }
.Ltmp1:
0x48: {  	[sflag:s20] =	ssyncadd.s32 @!p1 $0xFFFFC000;
	s20 =	simm.s32 @!p1 $0x2;
	(pc) =	sbr.rel @p2 .LBB2_1-.Ltmp1, $4  }
0x49: {  	[hbm4b:s17+s18] =	stream.linear.scatter @!p1 [tilespmem:s19], [sflag:$0x2], $0x4000, $0x38;
	[tilespmem:$0x4080] =	vst v63  }
0x4a: {  	_ =	swait.ge @!p1 [sflag:s20], $0x4000  }
0x4b: {  	[sflag:s20] =	ssyncset.done @!p1 $0x0  }
0x4c: {  	[sflag:s20] =	ssyncadd.s32 @!p1 $0xFFFFC000  }
0x4d: {  	_ =	sfence.sel $0x180000  }
0x4e: {  	[bflag:$0x0] =	sbarrier.arrive $0xFFFF  }
0x4f: {  	p0 =	sne.s32 s1, $0x0;
	_ =	strace $0x90000053  }
0x50: {  	s0 =	sadd.s32 @!p0 $0x100000, s0;
	[bflag:$0x2] =	sbarrier.arrive $0xFFFF  }
0x51: {  	[sflag:s0] =	ssyncadd.tile.s32 @!p0 $0x1;
	_ =	shalt  }
.Lfunc_end2:
_tile_overlayer_lowered:
.L_overlay_start_2:
0x52: {  	(tag) =	ssettag $0x2  }
0x53: {  	s0 =	rddreg [dreg:$0x0];
	s2 =	stileid.u32  }
0x54: {  	s1 =	rddreg [dreg:$0x1];
	p0 =	sne.s32 s2, $0x0  }
0x55: {  	s3 =	rddreg [dreg:$0x2];
	[bflag:$0x3] =	sbarrier.arrive $0xFFFF;
	s2 =	simm.s32 @!p0 $0x1C02  }
0x56: {  	[timem:s3], [sflag:s2] =	dma.local @!p0 [hbm:s0], s1  }
0x57: {  	s0 =	simm.s32 @!p0 $0x2  }
0x58: {  	_ =	swait.ge @!p0 [sflag:s0], s1  }
0x59: {  	s1 =	ssub.s32 @!p0 $0x0, s1;
	[sflag:s0] =	ssyncset.done @!p0 $0x0  }
0x5a: {  	[sflag:s0] =	ssyncadd.s32 @!p0 s1  }
0x5b: {  	[bflag:$0x3] =	sbarrier.arrive $0xFFFF  }
0x5c: {  	_ =	shalt  }

</sc_bundles>
